<compile_context>
chip_gen: v7x
topology: tpu7x:2x2x1
jax: 0.10.2.dev20260603
libtpu: 0.0.44.dev20260713+nightly
codegen_flags: <defaults>
</compile_context>

<pallas_src>
import functools

import jax
import jax.numpy as jnp
from jax import lax
from jax.experimental import pallas as pl
from jax.experimental.pallas import tpu as pltpu
from jax.experimental.pallas import tpu_sc as plsc

N = 10000
E = 320000
D = 128
G = 64

NUM_WORKERS = 32
BE = 128
EPT = E // NUM_WORKERS
NB = 80
EPT_PAD = NB * BE
NPAD = 10112
RPT = NPAD // 16

RB = 1000
GRID = N // RB


def _sc_segment_sum(h, srcp, dstp):
    mesh = plsc.VectorSubcoreMesh(core_axis_name="c", subcore_axis_name="s")

    @functools.partial(
        pl.kernel,
        out_type=jax.ShapeDtypeStruct((2, NPAD, 128), jnp.float32),
        mesh=mesh,
        scratch_types=[
            pltpu.VMEM_SHARED((NPAD, 128), jnp.float32),
            pltpu.VMEM((NB, BE), jnp.int32),
            pltpu.VMEM((BE,), jnp.int32),
            pltpu.VMEM((BE,), jnp.int32),
            pltpu.VMEM((BE, 128), jnp.float32),
            pltpu.VMEM((BE, 128), jnp.float32),
            pltpu.SemaphoreType.DMA,
            pltpu.SemaphoreType.DMA,
            pltpu.SemaphoreType.DMA,
            pltpu.SemaphoreType.DMA,
            pltpu.SemaphoreType.DMA,
            pltpu.SemaphoreType.DMA,
        ],
    )
    def segsum(h_hbm, src_hbm, dst_hbm, out_hbm, acc_sh, dst_v, src_a, src_b,
               rows_a, rows_b, sem_ia, sem_ib, sem_a, sem_b, ssem_a, ssem_b):
        c = lax.axis_index("c")
        s = lax.axis_index("s")
        w = s * 2 + c

        base = w * EPT_PAD
        pltpu.async_copy(src_hbm.at[pl.ds(base, BE)], src_a, sem_ia)
        pltpu.sync_copy(dst_hbm.at[pl.ds(w * NB, NB)], dst_v)
        pltpu.make_async_copy(src_hbm.at[pl.ds(base, BE)], src_a,
                              sem_ia).wait()
        pltpu.async_copy(h_hbm.at[src_a], rows_a, sem_a)
        pltpu.async_copy(src_hbm.at[pl.ds(base + BE, BE)], src_b, sem_ib)

        zvec = jnp.zeros((16,), jnp.float32)

        def zrow(i, _):
            for j in range(8):
                rows_b[i, pl.ds(j * 16, 16)] = zvec
            return 0

        lax.fori_loop(0, BE, zrow, 0)
        for k in range(4):
            pltpu.sync_copy(rows_b, acc_sh.at[pl.ds(s * RPT + k * 128, 128)])
        pltpu.sync_copy(rows_b.at[pl.ds(0, RPT - 512)],
                        acc_sh.at[pl.ds(s * RPT + 512, RPT - 512)])
        plsc.subcore_barrier()

        pltpu.make_async_copy(src_hbm.at[pl.ds(base, BE)], src_b,
                              sem_ib).wait()
        pltpu.async_copy(h_hbm.at[src_b], rows_b, sem_b)
        pltpu.make_async_copy(h_hbm.at[src_a], rows_a, sem_a).wait()
        pltpu.async_copy(src_hbm.at[pl.ds(base + 2 * BE, BE)], src_a, sem_ia)
        pltpu.async_copy(rows_a, acc_sh.at[dst_v.at[0]], ssem_a, add=True)

        def pair(g, _):
            be = 2 * g
            bo = be + 1
            bo_next = jnp.minimum(bo + 1, NB - 1)

            pltpu.make_async_copy(src_hbm.at[pl.ds(base, BE)], src_a,
                                  sem_ia).wait()
            pltpu.make_async_copy(rows_a, acc_sh.at[dst_v.at[be]],
                                  ssem_a).wait()
            pltpu.async_copy(h_hbm.at[src_a], rows_a, sem_a)
            pltpu.make_async_copy(h_hbm.at[src_b], rows_b, sem_b).wait()
            pltpu.async_copy(src_hbm.at[pl.ds(base + bo * BE, BE)], src_b,
                             sem_ib)
            pltpu.async_copy(rows_b, acc_sh.at[dst_v.at[be - 1]], ssem_b,
                             add=True)

            pltpu.make_async_copy(src_hbm.at[pl.ds(base, BE)], src_b,
                                  sem_ib).wait()
            pltpu.make_async_copy(rows_b, acc_sh.at[dst_v.at[bo]],
                                  ssem_b).wait()
            pltpu.async_copy(h_hbm.at[src_b], rows_b, sem_b)
            pltpu.make_async_copy(h_hbm.at[src_a], rows_a, sem_a).wait()
            pltpu.async_copy(src_hbm.at[pl.ds(base + bo_next * BE, BE)],
                             src_a, sem_ia)
            pltpu.async_copy(rows_a, acc_sh.at[dst_v.at[be]], ssem_a,
                             add=True)
            return 0

        lax.fori_loop(1, NB // 2, pair, 0)
        pltpu.make_async_copy(h_hbm.at[src_b], rows_b, sem_b).wait()
        pltpu.async_copy(rows_b, acc_sh.at[dst_v.at[NB - 1]], ssem_b,
                         add=True)
        pltpu.make_async_copy(src_hbm.at[pl.ds(base, BE)], src_a, sem_ia).wait()
        pltpu.make_async_copy(rows_a, acc_sh.at[dst_v.at[0]], ssem_a).wait()
        pltpu.make_async_copy(rows_b, acc_sh.at[dst_v.at[0]], ssem_b).wait()
        plsc.subcore_barrier()

        pltpu.sync_copy(acc_sh.at[pl.ds(s * RPT, RPT)],
                        out_hbm.at[c, pl.ds(s * RPT, RPT)])

    return segsum(h, srcp, dstp)


def _tc_layer_body(p0, p1, h, wr, wt, b, o, *, relu):
    agg = p0[0] + p1[0]
    acc = jnp.dot(agg, wr[...], preferred_element_type=jnp.float32)
    acc = acc + jnp.dot(h[...], wt[...], preferred_element_type=jnp.float32)
    acc = acc + b[...]
    if relu:
        acc = jnp.maximum(acc, 0.0)
    o[...] = acc


def _tc_layer(p, h, w_rel_t, w_root_t, b, relu):
    row = lambda i: (i, 0)
    rep = lambda i: (0, 0)
    return pl.pallas_call(
        functools.partial(_tc_layer_body, relu=relu),
        grid=(GRID,),
        in_specs=[
            pl.BlockSpec((1, RB, 128), lambda i: (0, i, 0)),
            pl.BlockSpec((1, RB, 128), lambda i: (1, i, 0)),
            pl.BlockSpec((RB, 128), row),
            pl.BlockSpec((128, 128), rep),
            pl.BlockSpec((128, 128), rep),
            pl.BlockSpec((1, 128), rep),
        ],
        out_specs=pl.BlockSpec((RB, 128), row),
        out_shape=jax.ShapeDtypeStruct((N, 128), jnp.float32),
    )(p, p, h, w_rel_t, w_root_t, b)


def _tc_final_body(p0, p1, h, batch_r, wr, wt, b, wl, bl, o, pooled, cnt):
    i = pl.program_id(0)
    h3 = (jnp.dot(p0[0] + p1[0], wr[...], preferred_element_type=jnp.float32)
          + jnp.dot(h[...], wt[...], preferred_element_type=jnp.float32)
          + b[...])
    bm = batch_r[0, 0, :]
    ids = lax.broadcasted_iota(jnp.int32, (G, RB), 0)
    onehot = (bm[None, :] == ids).astype(jnp.float32)

    @pl.when(i == 0)
    def _():
        pooled[...] = jnp.zeros_like(pooled)
        cnt[...] = jnp.zeros_like(cnt)

    pooled[...] += jnp.dot(onehot, h3, preferred_element_type=jnp.float32)
    cnt[...] += jnp.sum(onehot, axis=1, keepdims=True)

    @pl.when(i == pl.num_programs(0) - 1)
    def _():
        mean = pooled[...] / jnp.maximum(cnt[...], 1.0)
        o[...] = jnp.dot(mean, wl[...], preferred_element_type=jnp.float32) + bl[...]


def _tc_final(p, h, batch3, w_rel_t, w_root_t, b, wl, bl):
    row = lambda i: (i, 0)
    rep = lambda i: (0, 0)
    return pl.pallas_call(
        _tc_final_body,
        grid=(GRID,),
        in_specs=[
            pl.BlockSpec((1, RB, 128), lambda i: (0, i, 0)),
            pl.BlockSpec((1, RB, 128), lambda i: (1, i, 0)),
            pl.BlockSpec((RB, 128), row),
            pl.BlockSpec((1, 1, RB), lambda i: (i, 0, 0)),
            pl.BlockSpec((128, 128), rep),
            pl.BlockSpec((128, 128), rep),
            pl.BlockSpec((1, 128), rep),
            pl.BlockSpec((128, 128), rep),
            pl.BlockSpec((1, 128), rep),
        ],
        out_specs=pl.BlockSpec((G, 128), rep),
        out_shape=jax.ShapeDtypeStruct((G, 128), jnp.float32),
        scratch_shapes=[
            pltpu.VMEM((G, 128), jnp.float32),
            pltpu.VMEM((G, 128), jnp.float32),
        ],
    )(p, p, h, batch3, w_rel_t, w_root_t, b, wl, bl)


def kernel(x, edge_index, batch, W_rel1, b_rel1, W_root1, W_rel2, b_rel2,
           W_root2, W_rel3, b_rel3, W_root3, W_lin, b_lin):
    src = edge_index[0].astype(jnp.int32)
    dst = edge_index[1].astype(jnp.int32)

    pad = EPT_PAD - EPT
    srcp = jnp.concatenate(
        [src.reshape(NUM_WORKERS, EPT),
         jnp.zeros((NUM_WORKERS, pad), jnp.int32)], axis=1
    ).reshape(-1)
    dstp = jnp.concatenate(
        [dst.reshape(NUM_WORKERS, EPT),
         jnp.full((NUM_WORKERS, pad), N, jnp.int32)], axis=1
    ).reshape(NUM_WORKERS * NB, BE)

    batch3 = batch.astype(jnp.int32).reshape(GRID, 1, RB)

    wl = jnp.zeros((128, 128), jnp.float32).at[:, :W_lin.shape[0]].set(W_lin.T)
    bl = jnp.zeros((1, 128), jnp.float32).at[0, :b_lin.shape[0]].set(b_lin)

    h = x
    p = _sc_segment_sum(h, srcp, dstp)
    h = _tc_layer(p, h, W_rel1.T, W_root1.T, b_rel1.reshape(1, 128), relu=True)
    p = _sc_segment_sum(h, srcp, dstp)
    h = _tc_layer(p, h, W_rel2.T, W_root2.T, b_rel2.reshape(1, 128), relu=True)
    p = _sc_segment_sum(h, srcp, dstp)
    out = _tc_final(p, h, batch3, W_rel3.T, W_root3.T,
                    b_rel3.reshape(1, 128), wl, bl)
    return out[:, :W_lin.shape[0]]

# --- scband reference (transcript-rebuilt; emitter-appended) ---
"""Pipeline reference for scband-gnn-2551210574350 (READ-ONLY COPY).

The authoritative reference and input builder live on the scoring server;
editing this copy changes nothing except your own understanding.
"""

import jax, jax.numpy as jnp
import numpy as np

N = 10000
E = 320000
D = 128
H = 128
C = 10
G = 64

def setup_inputs(seed: int = 0) -> dict:
    key = jax.random.key(seed)
    ks = jax.random.split(key, 16)
    x = jax.random.normal(ks[0], (N, D), dtype=jnp.float32)
    edge_index = jax.random.randint(ks[1], (2, E), 0, N)
    batch = jnp.sort(jax.random.randint(ks[2], (N,), 0, G))
    def lin_w(k, fan_out, fan_in):
        return jax.random.normal(k, (fan_out, fan_in), dtype=jnp.float32) * (1.0 / np.sqrt(fan_in))
    inp = {
        'x': x, 'edge_index': edge_index, 'batch': batch,
        'W_rel1': lin_w(ks[3], H, D), 'b_rel1': jnp.zeros((H,), jnp.float32), 'W_root1': lin_w(ks[4], H, D),
        'W_rel2': lin_w(ks[5], H, H), 'b_rel2': jnp.zeros((H,), jnp.float32), 'W_root2': lin_w(ks[6], H, H),
        'W_rel3': lin_w(ks[7], H, H), 'b_rel3': jnp.zeros((H,), jnp.float32), 'W_root3': lin_w(ks[8], H, H),
        'W_lin': lin_w(ks[9], C, H), 'b_lin': jnp.zeros((C,), jnp.float32),
    }
    return inp

def _graph_conv(x, edge_index, W_rel, b_rel, W_root):
    # PyG GraphConv (aggr='add'): out_i = W_rel @ (sum_{j->i} x_j) + b_rel + W_root @ x_i
    src = edge_index[0]
    dst = edge_index[1]
    msg = jnp.take(x, src, axis=0)
    agg = jax.ops.segment_sum(msg, dst, num_segments=x.shape[0])
    return agg @ W_rel.T + b_rel + x @ W_root.T

def _global_mean_pool(x, batch, num_graphs):
    sums = jax.ops.segment_sum(x, batch, num_segments=num_graphs)
    cnts = jax.ops.segment_sum(jnp.ones((x.shape[0],), x.dtype), batch, num_segments=num_graphs)
    cnts = jnp.maximum(cnts, 1.0)
    return sums / cnts[:, None]

def reference(x, edge_index, batch, W_rel1, b_rel1, W_root1, W_rel2, b_rel2, W_root2, W_rel3, b_rel3, W_root3, W_lin, b_lin):
    h = _graph_conv(x, edge_index, W_rel1, b_rel1, W_root1)
    h = jax.nn.relu(h)
    h = _graph_conv(h, edge_index, W_rel2, b_rel2, W_root2)
    h = jax.nn.relu(h)
    h = _graph_conv(h, edge_index, W_rel3, b_rel3, W_root3)
    h = _global_mean_pool(h, batch, G)
    # dropout p=0.5 is identity in eval mode
    out = h @ W_lin.T + b_lin
    return out

if __name__ == "__main__":
    import jax
    _d = setup_inputs()
    print(jax.jit(kernel)(*tuple(_d.values())))

</pallas_src>

<mosaic_0001>
#map = affine_map<(d0, d1) -> (0, 0)>
#map1 = affine_map<(d0, d1) -> (0)>
#map2 = affine_map<(d0, d1) -> (0, 0, 0)>
module attributes {stable_mosaic.version = 14 : i64} {
  func.func @segsum(%arg0: i32, %arg1: i32, %arg2: memref<10000x128xf32, #tpu.memory_space<hbm>>, %arg3: memref<327680xi32, #tpu.memory_space<hbm>>, %arg4: memref<2560x128xi32, #tpu.memory_space<hbm>>, %arg5: memref<2x10112x128xf32, #tpu.memory_space<hbm>>, %arg6: memref<10112x128xf32, #tpu.memory_space<vmem_shared>>, %arg7: memref<80x128xi32, #tpu.memory_space<vmem>>, %arg8: memref<128xi32, #tpu.memory_space<vmem>>, %arg9: memref<128xi32, #tpu.memory_space<vmem>>, %arg10: memref<128x128xf32, #tpu.memory_space<vmem>>, %arg11: memref<128x128xf32, #tpu.memory_space<vmem>>, %arg12: memref<!tpu.dma_semaphore, #tpu.memory_space<semaphore_mem>>, %arg13: memref<!tpu.dma_semaphore, #tpu.memory_space<semaphore_mem>>, %arg14: memref<!tpu.dma_semaphore, #tpu.memory_space<semaphore_mem>>, %arg15: memref<!tpu.dma_semaphore, #tpu.memory_space<semaphore_mem>>, %arg16: memref<!tpu.dma_semaphore, #tpu.memory_space<semaphore_mem>>, %arg17: memref<!tpu.dma_semaphore, #tpu.memory_space<semaphore_mem>>) attributes {dimension_semantics = [#tpu.dimension_semantics<core_parallel>, #tpu.dimension_semantics<subcore_parallel>], iteration_bounds = array<i64: 2, 16>, scalar_prefetch = 0 : i64, scratch_operands = 12 : i64, tpu.core_type = #tpu.core_type<sc_vector_subcore>, window_params = [{transform_indices = #map}, {transform_indices = #map1}, {transform_indices = #map}, {transform_indices = #map2}]} {
    %mul3A = arith.constant 2 : i32
    %mul3A_0 = arith.muli %arg1, %mul3A : i32
    %add3A = arith.addi %mul3A_0, %arg0 : i32
    %mul3A_1 = arith.constant 10240 : i32
    %mul3A_2 = arith.muli %add3A, %mul3A_1 : i32
    %dma_start3A = tpu.memref_slice %arg3[%mul3A_2] : memref<327680xi32, #tpu.memory_space<hbm>> -> memref<128xi32, #tpu.memory_space<hbm>>
    %dma_start3A_3 = tpu.memref_slice %arg3[%mul3A_2] : memref<327680xi32, #tpu.memory_space<hbm>> -> memref<128xi32, #tpu.memory_space<hbm>>
    tpu.enqueue_dma source(%dma_start3A_3 : memref<128xi32, #tpu.memory_space<hbm>>) target(%arg8 : memref<128xi32, #tpu.memory_space<vmem>>) target_semaphore(%arg12 : memref<!tpu.dma_semaphore, #tpu.memory_space<semaphore_mem>>)
    %mul3A_4 = arith.constant 80 : i32
    %mul3A_5 = arith.muli %add3A, %mul3A_4 : i32
    "tpu.region"() ({
      %run_scoped3A = tpu.sem_alloc : memref<!tpu.dma_semaphore, #tpu.memory_space<semaphore_mem>>
      %dma_start3A_98 = arith.constant 0 : i32
      %dma_start3A_99 = tpu.memref_slice %arg4[%mul3A_5, %dma_start3A_98] : memref<2560x128xi32, #tpu.memory_space<hbm>> -> memref<80x128xi32, #tpu.memory_space<hbm>>
      %dma_start3A_100 = arith.constant 0 : i32
      %dma_start3A_101 = tpu.memref_slice %arg4[%mul3A_5, %dma_start3A_100] : memref<2560x128xi32, #tpu.memory_space<hbm>> -> memref<80x128xi32, #tpu.memory_space<hbm>>
      tpu.enqueue_dma source(%dma_start3A_101 : memref<80x128xi32, #tpu.memory_space<hbm>>) target(%arg7 : memref<80x128xi32, #tpu.memory_space<vmem>>) target_semaphore(%run_scoped3A : memref<!tpu.dma_semaphore, #tpu.memory_space<semaphore_mem>>)
      %dma_wait3A_102 = arith.constant 0 : i32
      %dma_wait3A_103 = tpu.memref_slice %arg4[%mul3A_5, %dma_wait3A_102] : memref<2560x128xi32, #tpu.memory_space<hbm>> -> memref<80x128xi32, #tpu.memory_space<hbm>>
      %dma_wait3A_104 = arith.constant 0 : i32
      %dma_wait3A_105 = tpu.memref_slice %arg4[%mul3A_5, %dma_wait3A_104] : memref<2560x128xi32, #tpu.memory_space<hbm>> -> memref<80x128xi32, #tpu.memory_space<hbm>>
      tpu.wait_dma2 semaphore(%run_scoped3A : memref<!tpu.dma_semaphore, #tpu.memory_space<semaphore_mem>>) src(%dma_wait3A_105 : memref<80x128xi32, #tpu.memory_space<hbm>>) dst(%arg7 : memref<80x128xi32, #tpu.memory_space<vmem>>)
      tpu.yield
    }) : () -> ()
    %dma_wait3A = tpu.memref_slice %arg3[%mul3A_2] : memref<327680xi32, #tpu.memory_space<hbm>> -> memref<128xi32, #tpu.memory_space<hbm>>
    %dma_wait3A_6 = tpu.memref_slice %arg3[%mul3A_2] : memref<327680xi32, #tpu.memory_space<hbm>> -> memref<128xi32, #tpu.memory_space<hbm>>
    tpu.wait_dma2 semaphore(%arg12 : memref<!tpu.dma_semaphore, #tpu.memory_space<semaphore_mem>>) src(%dma_wait3A_6 : memref<128xi32, #tpu.memory_space<hbm>>) dst(%arg8 : memref<128xi32, #tpu.memory_space<vmem>>)
    %dma_start3A_7 = arith.constant 0 : i32
    %dma_start3A_8 = arith.constant 0 : i32
    %dma_start3A_9 = tpu.memref_slice %arg2[%dma_start3A_7, %dma_start3A_8] : memref<10000x128xf32, #tpu.memory_space<hbm>> -> memref<10000x128xf32, #tpu.memory_space<hbm>>
    tpu.enqueue_indirect_dma source(%dma_start3A_9 : memref<10000x128xf32, #tpu.memory_space<hbm>>) target(%arg10 : memref<128x128xf32, #tpu.memory_space<vmem>>) offsets(%arg8 : memref<128xi32, #tpu.memory_space<vmem>>) semaphore(%arg14 : memref<!tpu.dma_semaphore, #tpu.memory_space<semaphore_mem>>)
    %add3A_10 = arith.constant 128 : i32
    %add3A_11 = arith.addi %mul3A_2, %add3A_10 : i32
    %dma_start3A_12 = tpu.memref_slice %arg3[%add3A_11] : memref<327680xi32, #tpu.memory_space<hbm>> -> memref<128xi32, #tpu.memory_space<hbm>>
    %dma_start3A_13 = tpu.memref_slice %arg3[%add3A_11] : memref<327680xi32, #tpu.memory_space<hbm>> -> memref<128xi32, #tpu.memory_space<hbm>>
    tpu.enqueue_dma source(%dma_start3A_13 : memref<128xi32, #tpu.memory_space<hbm>>) target(%arg9 : memref<128xi32, #tpu.memory_space<vmem>>) target_semaphore(%arg13 : memref<!tpu.dma_semaphore, #tpu.memory_space<semaphore_mem>>)
    %broadcast_in_dim3A = arith.constant 0.000000e+00 : f32
    %broadcast_in_dim3A_14 = vector.broadcast %broadcast_in_dim3A : f32 to vector<16xf32>
    %scan3A = arith.constant 0 : i32
    %scan3A_15 = arith.constant 0 : i32
    %scan3A_16 = arith.constant 128 : i32
    %scan3A_17 = arith.addi %scan3A_15, %scan3A_16 : i32
    %scan3A_18 = arith.constant 1 : i32
    %scan3A_19 = scf.for %scan3A_98 = %scan3A_15 to %scan3A_17 step %scan3A_18 iter_args(%scan3A_99 = %scan3A) -> (i32)  : i32 {
      %swap3A = arith.index_cast %scan3A_98 : i32 to index
      %swap3A_100 = arith.constant 0 : index
      %swap3A_101 = tpu.vector_load %arg11[%swap3A, %swap3A_100] {strides = array<i32>} : memref<128x128xf32, #tpu.memory_space<vmem>>, vector<1x16xf32>,
      %swap3A_102 = vector.shape_cast %swap3A_101 : vector<1x16xf32> to vector<16xf32>
      %swap3A_103 = vector.shape_cast %broadcast_in_dim3A_14 : vector<16xf32> to vector<1x16xf32>
      tpu.vector_store %arg11[%swap3A, %swap3A_100], %swap3A_103 {strides = array<i32>} : memref<128x128xf32, #tpu.memory_space<vmem>>, vector<1x16xf32>,
      %swap3A_104 = arith.index_cast %scan3A_98 : i32 to index
      %swap3A_105 = arith.constant 16 : index
      %swap3A_106 = tpu.vector_load %arg11[%swap3A_104, %swap3A_105] {strides = array<i32>} : memref<128x128xf32, #tpu.memory_space<vmem>>, vector<1x16xf32>,
      %swap3A_107 = vector.shape_cast %swap3A_106 : vector<1x16xf32> to vector<16xf32>
      %swap3A_108 = vector.shape_cast %broadcast_in_dim3A_14 : vector<16xf32> to vector<1x16xf32>
      tpu.vector_store %arg11[%swap3A_104, %swap3A_105], %swap3A_108 {strides = array<i32>} : memref<128x128xf32, #tpu.memory_space<vmem>>, vector<1x16xf32>,
      %swap3A_109 = arith.index_cast %scan3A_98 : i32 to index
      %swap3A_110 = arith.constant 32 : index
      %swap3A_111 = tpu.vector_load %arg11[%swap3A_109, %swap3A_110] {strides = array<i32>} : memref<128x128xf32, #tpu.memory_space<vmem>>, vector<1x16xf32>,
      %swap3A_112 = vector.shape_cast %swap3A_111 : vector<1x16xf32> to vector<16xf32>
      %swap3A_113 = vector.shape_cast %broadcast_in_dim3A_14 : vector<16xf32> to vector<1x16xf32>
      tpu.vector_store %arg11[%swap3A_109, %swap3A_110], %swap3A_113 {strides = array<i32>} : memref<128x128xf32, #tpu.memory_space<vmem>>, vector<1x16xf32>,
      %swap3A_114 = arith.index_cast %scan3A_98 : i32 to index
      %swap3A_115 = arith.constant 48 : index
      %swap3A_116 = tpu.vector_load %arg11[%swap3A_114, %swap3A_115] {strides = array<i32>} : memref<128x128xf32, #tpu.memory_space<vmem>>, vector<1x16xf32>,
      %swap3A_117 = vector.shape_cast %swap3A_116 : vector<1x16xf32> to vector<16xf32>
      %swap3A_118 = vector.shape_cast %broadcast_in_dim3A_14 : vector<16xf32> to vector<1x16xf32>
      tpu.vector_store %arg11[%swap3A_114, %swap3A_115], %swap3A_118 {strides = array<i32>} : memref<128x128xf32, #tpu.memory_space<vmem>>, vector<1x16xf32>,
      %swap3A_119 = arith.index_cast %scan3A_98 : i32 to index
      %swap3A_120 = arith.constant 64 : index
      %swap3A_121 = tpu.vector_load %arg11[%swap3A_119, %swap3A_120] {strides = array<i32>} : memref<128x128xf32, #tpu.memory_space<vmem>>, vector<1x16xf32>,
      %swap3A_122 = vector.shape_cast %swap3A_121 : vector<1x16xf32> to vector<16xf32>
      %swap3A_123 = vector.shape_cast %broadcast_in_dim3A_14 : vector<16xf32> to vector<1x16xf32>
      tpu.vector_store %arg11[%swap3A_119, %swap3A_120], %swap3A_123 {strides = array<i32>} : memref<128x128xf32, #tpu.memory_space<vmem>>, vector<1x16xf32>,
      %swap3A_124 = arith.index_cast %scan3A_98 : i32 to index
      %swap3A_125 = arith.constant 80 : index
      %swap3A_126 = tpu.vector_load %arg11[%swap3A_124, %swap3A_125] {strides = array<i32>} : memref<128x128xf32, #tpu.memory_space<vmem>>, vector<1x16xf32>,
      %swap3A_127 = vector.shape_cast %swap3A_126 : vector<1x16xf32> to vector<16xf32>
      %swap3A_128 = vector.shape_cast %broadcast_in_dim3A_14 : vector<16xf32> to vector<1x16xf32>
      tpu.vector_store %arg11[%swap3A_124, %swap3A_125], %swap3A_128 {strides = array<i32>} : memref<128x128xf32, #tpu.memory_space<vmem>>, vector<1x16xf32>,
      %swap3A_129 = arith.index_cast %scan3A_98 : i32 to index
      %swap3A_130 = arith.constant 96 : index
      %swap3A_131 = tpu.vector_load %arg11[%swap3A_129, %swap3A_130] {strides = array<i32>} : memref<128x128xf32, #tpu.memory_space<vmem>>, vector<1x16xf32>,
      %swap3A_132 = vector.shape_cast %swap3A_131 : vector<1x16xf32> to vector<16xf32>
      %swap3A_133 = vector.shape_cast %broadcast_in_dim3A_14 : vector<16xf32> to vector<1x16xf32>
      tpu.vector_store %arg11[%swap3A_129, %swap3A_130], %swap3A_133 {strides = array<i32>} : memref<128x128xf32, #tpu.memory_space<vmem>>, vector<1x16xf32>,
      %swap3A_134 = arith.index_cast %scan3A_98 : i32 to index
      %swap3A_135 = arith.constant 112 : index
      %swap3A_136 = tpu.vector_load %arg11[%swap3A_134, %swap3A_135] {strides = array<i32>} : memref<128x128xf32, #tpu.memory_space<vmem>>, vector<1x16xf32>,
      %swap3A_137 = vector.shape_cast %swap3A_136 : vector<1x16xf32> to vector<16xf32>
      %swap3A_138 = vector.shape_cast %broadcast_in_dim3A_14 : vector<16xf32> to vector<1x16xf32>
      tpu.vector_store %arg11[%swap3A_134, %swap3A_135], %swap3A_138 {strides = array<i32>} : memref<128x128xf32, #tpu.memory_space<vmem>>, vector<1x16xf32>,
      %scan3A_139 = arith.constant 0 : i32
      scf.yield %scan3A_139 : i32
    }
    %scan3A_20 = arith.constant 128 : i32
    %mul3A_21 = arith.constant 632 : i32
    %mul3A_22 = arith.muli %arg1, %mul3A_21 : i32
    %add3A_23 = arith.constant 0 : i32
    %add3A_24 = arith.addi %mul3A_22, %add3A_23 : i32
    "tpu.region"() ({
      %run_scoped3A = tpu.sem_alloc : memref<!tpu.dma_semaphore, #tpu.memory_space<semaphore_mem>>
      %dma_start3A_98 = arith.constant 0 : i32
      %dma_start3A_99 = tpu.memref_slice %arg6[%add3A_24, %dma_start3A_98] : memref<10112x128xf32, #tpu.memory_space<vmem_shared>> -> memref<128x128xf32, #tpu.memory_space<vmem_shared>>
      %dma_start3A_100 = arith.constant 0 : i32
      %dma_start3A_101 = tpu.memref_slice %arg6[%add3A_24, %dma_start3A_100] : memref<10112x128xf32, #tpu.memory_space<vmem_shared>> -> memref<128x128xf32, #tpu.memory_space<vmem_shared>>
      tpu.enqueue_dma source(%arg11 : memref<128x128xf32, #tpu.memory_space<vmem>>) target(%dma_start3A_101 : memref<128x128xf32, #tpu.memory_space<vmem_shared>>) target_semaphore(%run_scoped3A : memref<!tpu.dma_semaphore, #tpu.memory_space<semaphore_mem>>)
      %dma_wait3A_102 = arith.constant 0 : i32
      %dma_wait3A_103 = tpu.memref_slice %arg6[%add3A_24, %dma_wait3A_102] : memref<10112x128xf32, #tpu.memory_space<vmem_shared>> -> memref<128x128xf32, #tpu.memory_space<vmem_shared>>
      %dma_wait3A_104 = arith.constant 0 : i32
      %dma_wait3A_105 = tpu.memref_slice %arg6[%add3A_24, %dma_wait3A_104] : memref<10112x128xf32, #tpu.memory_space<vmem_shared>> -> memref<128x128xf32, #tpu.memory_space<vmem_shared>>
      tpu.wait_dma2 semaphore(%run_scoped3A : memref<!tpu.dma_semaphore, #tpu.memory_space<semaphore_mem>>) src(%arg11 : memref<128x128xf32, #tpu.memory_space<vmem>>) dst(%dma_wait3A_105 : memref<128x128xf32, #tpu.memory_space<vmem_shared>>)
      tpu.yield
    }) : () -> ()
    %mul3A_25 = arith.constant 632 : i32
    %mul3A_26 = arith.muli %arg1, %mul3A_25 : i32
    %add3A_27 = arith.constant 128 : i32
    %add3A_28 = arith.addi %mul3A_26, %add3A_27 : i32
    "tpu.region"() ({
      %run_scoped3A = tpu.sem_alloc : memref<!tpu.dma_semaphore, #tpu.memory_space<semaphore_mem>>
      %dma_start3A_98 = arith.constant 0 : i32
      %dma_start3A_99 = tpu.memref_slice %arg6[%add3A_28, %dma_start3A_98] : memref<10112x128xf32, #tpu.memory_space<vmem_shared>> -> memref<128x128xf32, #tpu.memory_space<vmem_shared>>
      %dma_start3A_100 = arith.constant 0 : i32
      %dma_start3A_101 = tpu.memref_slice %arg6[%add3A_28, %dma_start3A_100] : memref<10112x128xf32, #tpu.memory_space<vmem_shared>> -> memref<128x128xf32, #tpu.memory_space<vmem_shared>>
      tpu.enqueue_dma source(%arg11 : memref<128x128xf32, #tpu.memory_space<vmem>>) target(%dma_start3A_101 : memref<128x128xf32, #tpu.memory_space<vmem_shared>>) target_semaphore(%run_scoped3A : memref<!tpu.dma_semaphore, #tpu.memory_space<semaphore_mem>>)
      %dma_wait3A_102 = arith.constant 0 : i32
      %dma_wait3A_103 = tpu.memref_slice %arg6[%add3A_28, %dma_wait3A_102] : memref<10112x128xf32, #tpu.memory_space<vmem_shared>> -> memref<128x128xf32, #tpu.memory_space<vmem_shared>>
      %dma_wait3A_104 = arith.constant 0 : i32
      %dma_wait3A_105 = tpu.memref_slice %arg6[%add3A_28, %dma_wait3A_104] : memref<10112x128xf32, #tpu.memory_space<vmem_shared>> -> memref<128x128xf32, #tpu.memory_space<vmem_shared>>
      tpu.wait_dma2 semaphore(%run_scoped3A : memref<!tpu.dma_semaphore, #tpu.memory_space<semaphore_mem>>) src(%arg11 : memref<128x128xf32, #tpu.memory_space<vmem>>) dst(%dma_wait3A_105 : memref<128x128xf32, #tpu.memory_space<vmem_shared>>)
      tpu.yield
    }) : () -> ()
    %mul3A_29 = arith.constant 632 : i32
    %mul3A_30 = arith.muli %arg1, %mul3A_29 : i32
    %add3A_31 = arith.constant 256 : i32
    %add3A_32 = arith.addi %mul3A_30, %add3A_31 : i32
    "tpu.region"() ({
      %run_scoped3A = tpu.sem_alloc : memref<!tpu.dma_semaphore, #tpu.memory_space<semaphore_mem>>
      %dma_start3A_98 = arith.constant 0 : i32
      %dma_start3A_99 = tpu.memref_slice %arg6[%add3A_32, %dma_start3A_98] : memref<10112x128xf32, #tpu.memory_space<vmem_shared>> -> memref<128x128xf32, #tpu.memory_space<vmem_shared>>
      %dma_start3A_100 = arith.constant 0 : i32
      %dma_start3A_101 = tpu.memref_slice %arg6[%add3A_32, %dma_start3A_100] : memref<10112x128xf32, #tpu.memory_space<vmem_shared>> -> memref<128x128xf32, #tpu.memory_space<vmem_shared>>
      tpu.enqueue_dma source(%arg11 : memref<128x128xf32, #tpu.memory_space<vmem>>) target(%dma_start3A_101 : memref<128x128xf32, #tpu.memory_space<vmem_shared>>) target_semaphore(%run_scoped3A : memref<!tpu.dma_semaphore, #tpu.memory_space<semaphore_mem>>)
      %dma_wait3A_102 = arith.constant 0 : i32
      %dma_wait3A_103 = tpu.memref_slice %arg6[%add3A_32, %dma_wait3A_102] : memref<10112x128xf32, #tpu.memory_space<vmem_shared>> -> memref<128x128xf32, #tpu.memory_space<vmem_shared>>
      %dma_wait3A_104 = arith.constant 0 : i32
      %dma_wait3A_105 = tpu.memref_slice %arg6[%add3A_32, %dma_wait3A_104] : memref<10112x128xf32, #tpu.memory_space<vmem_shared>> -> memref<128x128xf32, #tpu.memory_space<vmem_shared>>
      tpu.wait_dma2 semaphore(%run_scoped3A : memref<!tpu.dma_semaphore, #tpu.memory_space<semaphore_mem>>) src(%arg11 : memref<128x128xf32, #tpu.memory_space<vmem>>) dst(%dma_wait3A_105 : memref<128x128xf32, #tpu.memory_space<vmem_shared>>)
      tpu.yield
    }) : () -> ()
    %mul3A_33 = arith.constant 632 : i32
    %mul3A_34 = arith.muli %arg1, %mul3A_33 : i32
    %add3A_35 = arith.constant 384 : i32
    %add3A_36 = arith.addi %mul3A_34, %add3A_35 : i32
    "tpu.region"() ({
      %run_scoped3A = tpu.sem_alloc : memref<!tpu.dma_semaphore, #tpu.memory_space<semaphore_mem>>
      %dma_start3A_98 = arith.constant 0 : i32
      %dma_start3A_99 = tpu.memref_slice %arg6[%add3A_36, %dma_start3A_98] : memref<10112x128xf32, #tpu.memory_space<vmem_shared>> -> memref<128x128xf32, #tpu.memory_space<vmem_shared>>
      %dma_start3A_100 = arith.constant 0 : i32
      %dma_start3A_101 = tpu.memref_slice %arg6[%add3A_36, %dma_start3A_100] : memref<10112x128xf32, #tpu.memory_space<vmem_shared>> -> memref<128x128xf32, #tpu.memory_space<vmem_shared>>
      tpu.enqueue_dma source(%arg11 : memref<128x128xf32, #tpu.memory_space<vmem>>) target(%dma_start3A_101 : memref<128x128xf32, #tpu.memory_space<vmem_shared>>) target_semaphore(%run_scoped3A : memref<!tpu.dma_semaphore, #tpu.memory_space<semaphore_mem>>)
      %dma_wait3A_102 = arith.constant 0 : i32
      %dma_wait3A_103 = tpu.memref_slice %arg6[%add3A_36, %dma_wait3A_102] : memref<10112x128xf32, #tpu.memory_space<vmem_shared>> -> memref<128x128xf32, #tpu.memory_space<vmem_shared>>
      %dma_wait3A_104 = arith.constant 0 : i32
      %dma_wait3A_105 = tpu.memref_slice %arg6[%add3A_36, %dma_wait3A_104] : memref<10112x128xf32, #tpu.memory_space<vmem_shared>> -> memref<128x128xf32, #tpu.memory_space<vmem_shared>>
      tpu.wait_dma2 semaphore(%run_scoped3A : memref<!tpu.dma_semaphore, #tpu.memory_space<semaphore_mem>>) src(%arg11 : memref<128x128xf32, #tpu.memory_space<vmem>>) dst(%dma_wait3A_105 : memref<128x128xf32, #tpu.memory_space<vmem_shared>>)
      tpu.yield
    }) : () -> ()
    %mul3A_37 = arith.constant 632 : i32
    %mul3A_38 = arith.muli %arg1, %mul3A_37 : i32
    %add3A_39 = arith.constant 512 : i32
    %add3A_40 = arith.addi %mul3A_38, %add3A_39 : i32
    "tpu.region"() ({
      %run_scoped3A = tpu.sem_alloc : memref<!tpu.dma_semaphore, #tpu.memory_space<semaphore_mem>>
      %dma_start3A_98 = arith.constant 0 : i32
      %dma_start3A_99 = arith.constant 0 : i32
      %dma_start3A_100 = tpu.memref_slice %arg11[%dma_start3A_98, %dma_start3A_99] : memref<128x128xf32, #tpu.memory_space<vmem>> -> memref<120x128xf32, #tpu.memory_space<vmem>>
      %dma_start3A_101 = arith.constant 0 : i32
      %dma_start3A_102 = tpu.memref_slice %arg6[%add3A_40, %dma_start3A_101] : memref<10112x128xf32, #tpu.memory_space<vmem_shared>> -> memref<120x128xf32, #tpu.memory_space<vmem_shared>>
      %dma_start3A_103 = arith.constant 0 : i32
      %dma_start3A_104 = tpu.memref_slice %arg6[%add3A_40, %dma_start3A_103] : memref<10112x128xf32, #tpu.memory_space<vmem_shared>> -> memref<120x128xf32, #tpu.memory_space<vmem_shared>>
      %dma_start3A_105 = arith.constant 0 : i32
      %dma_start3A_106 = arith.constant 0 : i32
      %dma_start3A_107 = tpu.memref_slice %arg11[%dma_start3A_105, %dma_start3A_106] : memref<128x128xf32, #tpu.memory_space<vmem>> -> memref<120x128xf32, #tpu.memory_space<vmem>>
      tpu.enqueue_dma source(%dma_start3A_107 : memref<120x128xf32, #tpu.memory_space<vmem>>) target(%dma_start3A_104 : memref<120x128xf32, #tpu.memory_space<vmem_shared>>) target_semaphore(%run_scoped3A : memref<!tpu.dma_semaphore, #tpu.memory_space<semaphore_mem>>)
      %dma_wait3A_108 = arith.constant 0 : i32
      %dma_wait3A_109 = arith.constant 0 : i32
      %dma_wait3A_110 = tpu.memref_slice %arg11[%dma_wait3A_108, %dma_wait3A_109] : memref<128x128xf32, #tpu.memory_space<vmem>> -> memref<120x128xf32, #tpu.memory_space<vmem>>
      %dma_wait3A_111 = arith.constant 0 : i32
      %dma_wait3A_112 = tpu.memref_slice %arg6[%add3A_40, %dma_wait3A_111] : memref<10112x128xf32, #tpu.memory_space<vmem_shared>> -> memref<120x128xf32, #tpu.memory_space<vmem_shared>>
      %dma_wait3A_113 = arith.constant 0 : i32
      %dma_wait3A_114 = tpu.memref_slice %arg6[%add3A_40, %dma_wait3A_113] : memref<10112x128xf32, #tpu.memory_space<vmem_shared>> -> memref<120x128xf32, #tpu.memory_space<vmem_shared>>
      %dma_wait3A_115 = arith.constant 0 : i32
      %dma_wait3A_116 = arith.constant 0 : i32
      %dma_wait3A_117 = tpu.memref_slice %arg11[%dma_wait3A_115, %dma_wait3A_116] : memref<128x128xf32, #tpu.memory_space<vmem>> -> memref<120x128xf32, #tpu.memory_space<vmem>>
      tpu.wait_dma2 semaphore(%run_scoped3A : memref<!tpu.dma_semaphore, #tpu.memory_space<semaphore_mem>>) src(%dma_wait3A_117 : memref<120x128xf32, #tpu.memory_space<vmem>>) dst(%dma_wait3A_114 : memref<120x128xf32, #tpu.memory_space<vmem_shared>>)
      tpu.yield
    }) : () -> ()
    %barrier3A = arith.constant 0 : index
    tpu.barrier barrier_id(%barrier3A)
    %dma_wait3A_41 = tpu.memref_slice %arg3[%mul3A_2] : memref<327680xi32, #tpu.memory_space<hbm>> -> memref<128xi32, #tpu.memory_space<hbm>>
    %dma_wait3A_42 = tpu.memref_slice %arg3[%mul3A_2] : memref<327680xi32, #tpu.memory_space<hbm>> -> memref<128xi32, #tpu.memory_space<hbm>>
    tpu.wait_dma2 semaphore(%arg13 : memref<!tpu.dma_semaphore, #tpu.memory_space<semaphore_mem>>) src(%dma_wait3A_42 : memref<128xi32, #tpu.memory_space<hbm>>) dst(%arg9 : memref<128xi32, #tpu.memory_space<vmem>>)
    %dma_start3A_43 = arith.constant 0 : i32
    %dma_start3A_44 = arith.constant 0 : i32
    %dma_start3A_45 = tpu.memref_slice %arg2[%dma_start3A_43, %dma_start3A_44] : memref<10000x128xf32, #tpu.memory_space<hbm>> -> memref<10000x128xf32, #tpu.memory_space<hbm>>
    tpu.enqueue_indirect_dma source(%dma_start3A_45 : memref<10000x128xf32, #tpu.memory_space<hbm>>) target(%arg11 : memref<128x128xf32, #tpu.memory_space<vmem>>) offsets(%arg9 : memref<128xi32, #tpu.memory_space<vmem>>) semaphore(%arg15 : memref<!tpu.dma_semaphore, #tpu.memory_space<semaphore_mem>>)
    %dma_wait3A_46 = arith.constant 0 : i32
    %dma_wait3A_47 = arith.constant 0 : i32
    %dma_wait3A_48 = tpu.memref_slice %arg2[%dma_wait3A_46, %dma_wait3A_47] : memref<10000x128xf32, #tpu.memory_space<hbm>> -> memref<10000x128xf32, #tpu.memory_space<hbm>>
    tpu.wait_indirect_dma semaphore(%arg14 : memref<!tpu.dma_semaphore, #tpu.memory_space<semaphore_mem>>) src(%dma_wait3A_48 : memref<10000x128xf32, #tpu.memory_space<hbm>>) dst(%arg10 : memref<128x128xf32, #tpu.memory_space<vmem>>)
    %add3A_49 = arith.constant 256 : i32
    %add3A_50 = arith.addi %mul3A_2, %add3A_49 : i32
    %dma_start3A_51 = tpu.memref_slice %arg3[%add3A_50] : memref<327680xi32, #tpu.memory_space<hbm>> -> memref<128xi32, #tpu.memory_space<hbm>>
    %dma_start3A_52 = tpu.memref_slice %arg3[%add3A_50] : memref<327680xi32, #tpu.memory_space<hbm>> -> memref<128xi32, #tpu.memory_space<hbm>>
    tpu.enqueue_dma source(%dma_start3A_52 : memref<128xi32, #tpu.memory_space<hbm>>) target(%arg8 : memref<128xi32, #tpu.memory_space<vmem>>) target_semaphore(%arg12 : memref<!tpu.dma_semaphore, #tpu.memory_space<semaphore_mem>>)
    %dma_start3A_53 = arith.constant 0 : i32
    %dma_start3A_54 = arith.constant 0 : i32
    %dma_start3A_55 = tpu.memref_slice %arg7[%dma_start3A_53, %dma_start3A_54] : memref<80x128xi32, #tpu.memory_space<vmem>> -> memref<1x128xi32, #tpu.memory_space<vmem>>
    %dma_start3A_56 = tpu.memref_squeeze %dma_start3A_55 : memref<1x128xi32, #tpu.memory_space<vmem>> -> memref<128xi32, #tpu.memory_space<vmem>>
    %dma_start3A_57 = arith.constant 0 : i32
    %dma_start3A_58 = arith.constant 0 : i32
    %dma_start3A_59 = tpu.memref_slice %arg6[%dma_start3A_57, %dma_start3A_58] : memref<10112x128xf32, #tpu.memory_space<vmem_shared>> -> memref<10112x128xf32, #tpu.memory_space<vmem_shared>>
    tpu.enqueue_indirect_dma source(%arg10 : memref<128x128xf32, #tpu.memory_space<vmem>>) target(%dma_start3A_59 : memref<10112x128xf32, #tpu.memory_space<vmem_shared>>) offsets(%dma_start3A_56 : memref<128xi32, #tpu.memory_space<vmem>>) semaphore(%arg16 : memref<!tpu.dma_semaphore, #tpu.memory_space<semaphore_mem>>) {add = true}
    %scan3A_60 = arith.constant 0 : i32
    %scan3A_61 = arith.constant 1 : i32
    %scan3A_62 = arith.constant 39 : i32
    %scan3A_63 = arith.addi %scan3A_61, %scan3A_62 : i32
    %scan3A_64 = arith.constant 1 : i32
    %scan3A_65 = scf.for %scan3A_98 = %scan3A_61 to %scan3A_63 step %scan3A_64 iter_args(%scan3A_99 = %scan3A_60) -> (i32)  : i32 {
      %mul3A_100 = arith.constant 2 : i32
      %mul3A_101 = arith.muli %mul3A_100, %scan3A_98 : i32
      %add3A_102 = arith.constant 1 : i32
      %add3A_103 = arith.addi %mul3A_101, %add3A_102 : i32
      %add3A_104 = arith.constant 1 : i32
      %add3A_105 = arith.addi %add3A_103, %add3A_104 : i32
      %min3A = arith.constant 79 : i32
      %min3A_106 = arith.minsi %add3A_105, %min3A : i32
      %dma_wait3A_107 = tpu.memref_slice %arg3[%mul3A_2] : memref<327680xi32, #tpu.memory_space<hbm>> -> memref<128xi32, #tpu.memory_space<hbm>>
      %dma_wait3A_108 = tpu.memref_slice %arg3[%mul3A_2] : memref<327680xi32, #tpu.memory_space<hbm>> -> memref<128xi32, #tpu.memory_space<hbm>>
      tpu.wait_dma2 semaphore(%arg12 : memref<!tpu.dma_semaphore, #tpu.memory_space<semaphore_mem>>) src(%dma_wait3A_108 : memref<128xi32, #tpu.memory_space<hbm>>) dst(%arg8 : memref<128xi32, #tpu.memory_space<vmem>>)
      %dma_wait3A_109 = arith.constant 0 : i32
      %dma_wait3A_110 = tpu.memref_slice %arg7[%mul3A_101, %dma_wait3A_109] : memref<80x128xi32, #tpu.memory_space<vmem>> -> memref<1x128xi32, #tpu.memory_space<vmem>>
      %dma_wait3A_111 = tpu.memref_squeeze %dma_wait3A_110 : memref<1x128xi32, #tpu.memory_space<vmem>> -> memref<128xi32, #tpu.memory_space<vmem>>
      %dma_wait3A_112 = arith.constant 0 : i32
      %dma_wait3A_113 = arith.constant 0 : i32
      %dma_wait3A_114 = tpu.memref_slice %arg6[%dma_wait3A_112, %dma_wait3A_113] : memref<10112x128xf32, #tpu.memory_space<vmem_shared>> -> memref<10112x128xf32, #tpu.memory_space<vmem_shared>>
      tpu.wait_indirect_dma semaphore(%arg16 : memref<!tpu.dma_semaphore, #tpu.memory_space<semaphore_mem>>) src(%arg10 : memref<128x128xf32, #tpu.memory_space<vmem>>) dst(%dma_wait3A_114 : memref<10112x128xf32, #tpu.memory_space<vmem_shared>>)
      %dma_start3A_115 = arith.constant 0 : i32
      %dma_start3A_116 = arith.constant 0 : i32
      %dma_start3A_117 = tpu.memref_slice %arg2[%dma_start3A_115, %dma_start3A_116] : memref<10000x128xf32, #tpu.memory_space<hbm>> -> memref<10000x128xf32, #tpu.memory_space<hbm>>
      tpu.enqueue_indirect_dma source(%dma_start3A_117 : memref<10000x128xf32, #tpu.memory_space<hbm>>) target(%arg10 : memref<128x128xf32, #tpu.memory_space<vmem>>) offsets(%arg8 : memref<128xi32, #tpu.memory_space<vmem>>) semaphore(%arg14 : memref<!tpu.dma_semaphore, #tpu.memory_space<semaphore_mem>>)
      %dma_wait3A_118 = arith.constant 0 : i32
      %dma_wait3A_119 = arith.constant 0 : i32
      %dma_wait3A_120 = tpu.memref_slice %arg2[%dma_wait3A_118, %dma_wait3A_119] : memref<10000x128xf32, #tpu.memory_space<hbm>> -> memref<10000x128xf32, #tpu.memory_space<hbm>>
      tpu.wait_indirect_dma semaphore(%arg15 : memref<!tpu.dma_semaphore, #tpu.memory_space<semaphore_mem>>) src(%dma_wait3A_120 : memref<10000x128xf32, #tpu.memory_space<hbm>>) dst(%arg11 : memref<128x128xf32, #tpu.memory_space<vmem>>)
      %mul3A_121 = arith.constant 128 : i32
      %mul3A_122 = arith.muli %add3A_103, %mul3A_121 : i32
      %add3A_123 = arith.addi %mul3A_2, %mul3A_122 : i32
      %dma_start3A_124 = tpu.memref_slice %arg3[%add3A_123] : memref<327680xi32, #tpu.memory_space<hbm>> -> memref<128xi32, #tpu.memory_space<hbm>>
      %dma_start3A_125 = tpu.memref_slice %arg3[%add3A_123] : memref<327680xi32, #tpu.memory_space<hbm>> -> memref<128xi32, #tpu.memory_space<hbm>>
      tpu.enqueue_dma source(%dma_start3A_125 : memref<128xi32, #tpu.memory_space<hbm>>) target(%arg9 : memref<128xi32, #tpu.memory_space<vmem>>) target_semaphore(%arg13 : memref<!tpu.dma_semaphore, #tpu.memory_space<semaphore_mem>>)
      %sub3A = arith.constant 1 : i32
      %sub3A_126 = arith.subi %mul3A_101, %sub3A : i32
      %dma_start3A_127 = arith.constant 0 : i32
      %dma_start3A_128 = tpu.memref_slice %arg7[%sub3A_126, %dma_start3A_127] : memref<80x128xi32, #tpu.memory_space<vmem>> -> memref<1x128xi32, #tpu.memory_space<vmem>>
      %dma_start3A_129 = tpu.memref_squeeze %dma_start3A_128 : memref<1x128xi32, #tpu.memory_space<vmem>> -> memref<128xi32, #tpu.memory_space<vmem>>
      %dma_start3A_130 = arith.constant 0 : i32
      %dma_start3A_131 = arith.constant 0 : i32
      %dma_start3A_132 = tpu.memref_slice %arg6[%dma_start3A_130, %dma_start3A_131] : memref<10112x128xf32, #tpu.memory_space<vmem_shared>> -> memref<10112x128xf32, #tpu.memory_space<vmem_shared>>
      tpu.enqueue_indirect_dma source(%arg11 : memref<128x128xf32, #tpu.memory_space<vmem>>) target(%dma_start3A_132 : memref<10112x128xf32, #tpu.memory_space<vmem_shared>>) offsets(%dma_start3A_129 : memref<128xi32, #tpu.memory_space<vmem>>) semaphore(%arg17 : memref<!tpu.dma_semaphore, #tpu.memory_space<semaphore_mem>>) {add = true}
      %dma_wait3A_133 = tpu.memref_slice %arg3[%mul3A_2] : memref<327680xi32, #tpu.memory_space<hbm>> -> memref<128xi32, #tpu.memory_space<hbm>>
      %dma_wait3A_134 = tpu.memref_slice %arg3[%mul3A_2] : memref<327680xi32, #tpu.memory_space<hbm>> -> memref<128xi32, #tpu.memory_space<hbm>>
      tpu.wait_dma2 semaphore(%arg13 : memref<!tpu.dma_semaphore, #tpu.memory_space<semaphore_mem>>) src(%dma_wait3A_134 : memref<128xi32, #tpu.memory_space<hbm>>) dst(%arg9 : memref<128xi32, #tpu.memory_space<vmem>>)
      %dma_wait3A_135 = arith.constant 0 : i32
      %dma_wait3A_136 = tpu.memref_slice %arg7[%add3A_103, %dma_wait3A_135] : memref<80x128xi32, #tpu.memory_space<vmem>> -> memref<1x128xi32, #tpu.memory_space<vmem>>
      %dma_wait3A_137 = tpu.memref_squeeze %dma_wait3A_136 : memref<1x128xi32, #tpu.memory_space<vmem>> -> memref<128xi32, #tpu.memory_space<vmem>>
      %dma_wait3A_138 = arith.constant 0 : i32
      %dma_wait3A_139 = arith.constant 0 : i32
      %dma_wait3A_140 = tpu.memref_slice %arg6[%dma_wait3A_138, %dma_wait3A_139] : memref<10112x128xf32, #tpu.memory_space<vmem_shared>> -> memref<10112x128xf32, #tpu.memory_space<vmem_shared>>
      tpu.wait_indirect_dma semaphore(%arg17 : memref<!tpu.dma_semaphore, #tpu.memory_space<semaphore_mem>>) src(%arg11 : memref<128x128xf32, #tpu.memory_space<vmem>>) dst(%dma_wait3A_140 : memref<10112x128xf32, #tpu.memory_space<vmem_shared>>)
      %dma_start3A_141 = arith.constant 0 : i32
      %dma_start3A_142 = arith.constant 0 : i32
      %dma_start3A_143 = tpu.memref_slice %arg2[%dma_start3A_141, %dma_start3A_142] : memref<10000x128xf32, #tpu.memory_space<hbm>> -> memref<10000x128xf32, #tpu.memory_space<hbm>>
      tpu.enqueue_indirect_dma source(%dma_start3A_143 : memref<10000x128xf32, #tpu.memory_space<hbm>>) target(%arg11 : memref<128x128xf32, #tpu.memory_space<vmem>>) offsets(%arg9 : memref<128xi32, #tpu.memory_space<vmem>>) semaphore(%arg15 : memref<!tpu.dma_semaphore, #tpu.memory_space<semaphore_mem>>)
      %dma_wait3A_144 = arith.constant 0 : i32
      %dma_wait3A_145 = arith.constant 0 : i32
      %dma_wait3A_146 = tpu.memref_slice %arg2[%dma_wait3A_144, %dma_wait3A_145] : memref<10000x128xf32, #tpu.memory_space<hbm>> -> memref<10000x128xf32, #tpu.memory_space<hbm>>
      tpu.wait_indirect_dma semaphore(%arg14 : memref<!tpu.dma_semaphore, #tpu.memory_space<semaphore_mem>>) src(%dma_wait3A_146 : memref<10000x128xf32, #tpu.memory_space<hbm>>) dst(%arg10 : memref<128x128xf32, #tpu.memory_space<vmem>>)
      %mul3A_147 = arith.constant 128 : i32
      %mul3A_148 = arith.muli %min3A_106, %mul3A_147 : i32
      %add3A_149 = arith.addi %mul3A_2, %mul3A_148 : i32
      %dma_start3A_150 = tpu.memref_slice %arg3[%add3A_149] : memref<327680xi32, #tpu.memory_space<hbm>> -> memref<128xi32, #tpu.memory_space<hbm>>
      %dma_start3A_151 = tpu.memref_slice %arg3[%add3A_149] : memref<327680xi32, #tpu.memory_space<hbm>> -> memref<128xi32, #tpu.memory_space<hbm>>
      tpu.enqueue_dma source(%dma_start3A_151 : memref<128xi32, #tpu.memory_space<hbm>>) target(%arg8 : memref<128xi32, #tpu.memory_space<vmem>>) target_semaphore(%arg12 : memref<!tpu.dma_semaphore, #tpu.memory_space<semaphore_mem>>)
      %dma_start3A_152 = arith.constant 0 : i32
      %dma_start3A_153 = tpu.memref_slice %arg7[%mul3A_101, %dma_start3A_152] : memref<80x128xi32, #tpu.memory_space<vmem>> -> memref<1x128xi32, #tpu.memory_space<vmem>>
      %dma_start3A_154 = tpu.memref_squeeze %dma_start3A_153 : memref<1x128xi32, #tpu.memory_space<vmem>> -> memref<128xi32, #tpu.memory_space<vmem>>
      %dma_start3A_155 = arith.constant 0 : i32
      %dma_start3A_156 = arith.constant 0 : i32
      %dma_start3A_157 = tpu.memref_slice %arg6[%dma_start3A_155, %dma_start3A_156] : memref<10112x128xf32, #tpu.memory_space<vmem_shared>> -> memref<10112x128xf32, #tpu.memory_space<vmem_shared>>
      tpu.enqueue_indirect_dma source(%arg10 : memref<128x128xf32, #tpu.memory_space<vmem>>) target(%dma_start3A_157 : memref<10112x128xf32, #tpu.memory_space<vmem_shared>>) offsets(%dma_start3A_154 : memref<128xi32, #tpu.memory_space<vmem>>) semaphore(%arg16 : memref<!tpu.dma_semaphore, #tpu.memory_space<semaphore_mem>>) {add = true}
      %scan3A_158 = arith.constant 0 : i32
      scf.yield %scan3A_158 : i32
    }
    %scan3A_66 = arith.constant 39 : i32
    %dma_wait3A_67 = arith.constant 0 : i32
    %dma_wait3A_68 = arith.constant 0 : i32
    %dma_wait3A_69 = tpu.memref_slice %arg2[%dma_wait3A_67, %dma_wait3A_68] : memref<10000x128xf32, #tpu.memory_space<hbm>> -> memref<10000x128xf32, #tpu.memory_space<hbm>>
    tpu.wait_indirect_dma semaphore(%arg15 : memref<!tpu.dma_semaphore, #tpu.memory_space<semaphore_mem>>) src(%dma_wait3A_69 : memref<10000x128xf32, #tpu.memory_space<hbm>>) dst(%arg11 : memref<128x128xf32, #tpu.memory_space<vmem>>)
    %dma_start3A_70 = arith.constant 79 : i32
    %dma_start3A_71 = arith.constant 0 : i32
    %dma_start3A_72 = tpu.memref_slice %arg7[%dma_start3A_70, %dma_start3A_71] : memref<80x128xi32, #tpu.memory_space<vmem>> -> memref<1x128xi32, #tpu.memory_space<vmem>>
    %dma_start3A_73 = tpu.memref_squeeze %dma_start3A_72 : memref<1x128xi32, #tpu.memory_space<vmem>> -> memref<128xi32, #tpu.memory_space<vmem>>
    %dma_start3A_74 = arith.constant 0 : i32
    %dma_start3A_75 = arith.constant 0 : i32
    %dma_start3A_76 = tpu.memref_slice %arg6[%dma_start3A_74, %dma_start3A_75] : memref<10112x128xf32, #tpu.memory_space<vmem_shared>> -> memref<10112x128xf32, #tpu.memory_space<vmem_shared>>
    tpu.enqueue_indirect_dma source(%arg11 : memref<128x128xf32, #tpu.memory_space<vmem>>) target(%dma_start3A_76 : memref<10112x128xf32, #tpu.memory_space<vmem_shared>>) offsets(%dma_start3A_73 : memref<128xi32, #tpu.memory_space<vmem>>) semaphore(%arg17 : memref<!tpu.dma_semaphore, #tpu.memory_space<semaphore_mem>>) {add = true}
    %dma_wait3A_77 = tpu.memref_slice %arg3[%mul3A_2] : memref<327680xi32, #tpu.memory_space<hbm>> -> memref<128xi32, #tpu.memory_space<hbm>>
    %dma_wait3A_78 = tpu.memref_slice %arg3[%mul3A_2] : memref<327680xi32, #tpu.memory_space<hbm>> -> memref<128xi32, #tpu.memory_space<hbm>>
    tpu.wait_dma2 semaphore(%arg12 : memref<!tpu.dma_semaphore, #tpu.memory_space<semaphore_mem>>) src(%dma_wait3A_78 : memref<128xi32, #tpu.memory_space<hbm>>) dst(%arg8 : memref<128xi32, #tpu.memory_space<vmem>>)
    %dma_wait3A_79 = arith.constant 0 : i32
    %dma_wait3A_80 = arith.constant 0 : i32
    %dma_wait3A_81 = tpu.memref_slice %arg7[%dma_wait3A_79, %dma_wait3A_80] : memref<80x128xi32, #tpu.memory_space<vmem>> -> memref<1x128xi32, #tpu.memory_space<vmem>>
    %dma_wait3A_82 = tpu.memref_squeeze %dma_wait3A_81 : memref<1x128xi32, #tpu.memory_space<vmem>> -> memref<128xi32, #tpu.memory_space<vmem>>
    %dma_wait3A_83 = arith.constant 0 : i32
    %dma_wait3A_84 = arith.constant 0 : i32
    %dma_wait3A_85 = tpu.memref_slice %arg6[%dma_wait3A_83, %dma_wait3A_84] : memref<10112x128xf32, #tpu.memory_space<vmem_shared>> -> memref<10112x128xf32, #tpu.memory_space<vmem_shared>>
    tpu.wait_indirect_dma semaphore(%arg16 : memref<!tpu.dma_semaphore, #tpu.memory_space<semaphore_mem>>) src(%arg10 : memref<128x128xf32, #tpu.memory_space<vmem>>) dst(%dma_wait3A_85 : memref<10112x128xf32, #tpu.memory_space<vmem_shared>>)
    %dma_wait3A_86 = arith.constant 0 : i32
    %dma_wait3A_87 = arith.constant 0 : i32
    %dma_wait3A_88 = tpu.memref_slice %arg7[%dma_wait3A_86, %dma_wait3A_87] : memref<80x128xi32, #tpu.memory_space<vmem>> -> memref<1x128xi32, #tpu.memory_space<vmem>>
    %dma_wait3A_89 = tpu.memref_squeeze %dma_wait3A_88 : memref<1x128xi32, #tpu.memory_space<vmem>> -> memref<128xi32, #tpu.memory_space<vmem>>
    %dma_wait3A_90 = arith.constant 0 : i32
    %dma_wait3A_91 = arith.constant 0 : i32
    %dma_wait3A_92 = tpu.memref_slice %arg6[%dma_wait3A_90, %dma_wait3A_91] : memref<10112x128xf32, #tpu.memory_space<vmem_shared>> -> memref<10112x128xf32, #tpu.memory_space<vmem_shared>>
    tpu.wait_indirect_dma semaphore(%arg17 : memref<!tpu.dma_semaphore, #tpu.memory_space<semaphore_mem>>) src(%arg11 : memref<128x128xf32, #tpu.memory_space<vmem>>) dst(%dma_wait3A_92 : memref<10112x128xf32, #tpu.memory_space<vmem_shared>>)
    %barrier3A_93 = arith.constant 0 : index
    tpu.barrier barrier_id(%barrier3A_93)
    %mul3A_94 = arith.constant 632 : i32
    %mul3A_95 = arith.muli %arg1, %mul3A_94 : i32
    %mul3A_96 = arith.constant 632 : i32
    %mul3A_97 = arith.muli %arg1, %mul3A_96 : i32
    "tpu.region"() ({
      %run_scoped3A = tpu.sem_alloc : memref<!tpu.dma_semaphore, #tpu.memory_space<semaphore_mem>>
      %dma_start3A_98 = arith.constant 0 : i32
      %dma_start3A_99 = tpu.memref_slice %arg5[%arg0, %mul3A_97, %dma_start3A_98] : memref<2x10112x128xf32, #tpu.memory_space<hbm>> -> memref<1x632x128xf32, #tpu.memory_space<hbm>>
      %dma_start3A_100 = tpu.memref_squeeze %dma_start3A_99 : memref<1x632x128xf32, #tpu.memory_space<hbm>> -> memref<632x128xf32, #tpu.memory_space<hbm>>
      %dma_start3A_101 = arith.constant 0 : i32
      %dma_start3A_102 = tpu.memref_slice %arg6[%mul3A_95, %dma_start3A_101] : memref<10112x128xf32, #tpu.memory_space<vmem_shared>> -> memref<632x128xf32, #tpu.memory_space<vmem_shared>>
      tpu.enqueue_dma source(%dma_start3A_102 : memref<632x128xf32, #tpu.memory_space<vmem_shared>>) target(%dma_start3A_100 : memref<632x128xf32, #tpu.memory_space<hbm>>) target_semaphore(%run_scoped3A : memref<!tpu.dma_semaphore, #tpu.memory_space<semaphore_mem>>)
      %dma_wait3A_103 = arith.constant 0 : i32
      %dma_wait3A_104 = tpu.memref_slice %arg5[%arg0, %mul3A_97, %dma_wait3A_103] : memref<2x10112x128xf32, #tpu.memory_space<hbm>> -> memref<1x632x128xf32, #tpu.memory_space<hbm>>
      %dma_wait3A_105 = tpu.memref_squeeze %dma_wait3A_104 : memref<1x632x128xf32, #tpu.memory_space<hbm>> -> memref<632x128xf32, #tpu.memory_space<hbm>>
      %dma_wait3A_106 = arith.constant 0 : i32
      %dma_wait3A_107 = tpu.memref_slice %arg6[%mul3A_95, %dma_wait3A_106] : memref<10112x128xf32, #tpu.memory_space<vmem_shared>> -> memref<632x128xf32, #tpu.memory_space<vmem_shared>>
      tpu.wait_dma2 semaphore(%run_scoped3A : memref<!tpu.dma_semaphore, #tpu.memory_space<semaphore_mem>>) src(%dma_wait3A_107 : memref<632x128xf32, #tpu.memory_space<vmem_shared>>) dst(%dma_wait3A_105 : memref<632x128xf32, #tpu.memory_space<hbm>>)
      tpu.yield
    }) : () -> ()
    return
  }
}

#map = affine_map<(d0, d1) -> (0, 0)>
#map1 = affine_map<(d0, d1) -> (0)>
#map2 = affine_map<(d0, d1) -> (0, 0, 0)>
module attributes {stable_mosaic.version = 14 : i64} {
  func.func @segsum(%arg0: i32, %arg1: i32, %arg2: memref<10000x128xf32, #tpu.memory_space<hbm>>, %arg3: memref<327680xi32, #tpu.memory_space<hbm>>, %arg4: memref<2560x128xi32, #tpu.memory_space<hbm>>, %arg5: memref<2x10112x128xf32, #tpu.memory_space<hbm>>, %arg6: memref<10112x128xf32, #tpu.memory_space<vmem_shared>>, %arg7: memref<80x128xi32, #tpu.memory_space<vmem>>, %arg8: memref<128xi32, #tpu.memory_space<vmem>>, %arg9: memref<128xi32, #tpu.memory_space<vmem>>, %arg10: memref<128x128xf32, #tpu.memory_space<vmem>>, %arg11: memref<128x128xf32, #tpu.memory_space<vmem>>, %arg12: memref<!tpu.dma_semaphore, #tpu.memory_space<semaphore_mem>>, %arg13: memref<!tpu.dma_semaphore, #tpu.memory_space<semaphore_mem>>, %arg14: memref<!tpu.dma_semaphore, #tpu.memory_space<semaphore_mem>>, %arg15: memref<!tpu.dma_semaphore, #tpu.memory_space<semaphore_mem>>, %arg16: memref<!tpu.dma_semaphore, #tpu.memory_space<semaphore_mem>>, %arg17: memref<!tpu.dma_semaphore, #tpu.memory_space<semaphore_mem>>) attributes {dimension_semantics = [#tpu.dimension_semantics<core_parallel>, #tpu.dimension_semantics<subcore_parallel>], iteration_bounds = array<i64: 2, 16>, scalar_prefetch = 0 : i64, scratch_operands = 12 : i64, tpu.core_type = #tpu.core_type<sc_vector_subcore>, window_params = [{transform_indices = #map}, {transform_indices = #map1}, {transform_indices = #map}, {transform_indices = #map2}]} {
    %mul3A = arith.constant 2 : i32
    %mul3A_0 = arith.muli %arg1, %mul3A : i32
    %add3A = arith.addi %mul3A_0, %arg0 : i32
    %mul3A_1 = arith.constant 10240 : i32
    %mul3A_2 = arith.muli %add3A, %mul3A_1 : i32
    %dma_start3A = tpu.memref_slice %arg3[%mul3A_2] : memref<327680xi32, #tpu.memory_space<hbm>> -> memref<128xi32, #tpu.memory_space<hbm>>
    %dma_start3A_3 = tpu.memref_slice %arg3[%mul3A_2] : memref<327680xi32, #tpu.memory_space<hbm>> -> memref<128xi32, #tpu.memory_space<hbm>>
    tpu.enqueue_dma source(%dma_start3A_3 : memref<128xi32, #tpu.memory_space<hbm>>) target(%arg8 : memref<128xi32, #tpu.memory_space<vmem>>) target_semaphore(%arg12 : memref<!tpu.dma_semaphore, #tpu.memory_space<semaphore_mem>>)
    %mul3A_4 = arith.constant 80 : i32
    %mul3A_5 = arith.muli %add3A, %mul3A_4 : i32
    "tpu.region"() ({
      %run_scoped3A = tpu.sem_alloc : memref<!tpu.dma_semaphore, #tpu.memory_space<semaphore_mem>>
      %dma_start3A_98 = arith.constant 0 : i32
      %dma_start3A_99 = tpu.memref_slice %arg4[%mul3A_5, %dma_start3A_98] : memref<2560x128xi32, #tpu.memory_space<hbm>> -> memref<80x128xi32, #tpu.memory_space<hbm>>
      %dma_start3A_100 = arith.constant 0 : i32
      %dma_start3A_101 = tpu.memref_slice %arg4[%mul3A_5, %dma_start3A_100] : memref<2560x128xi32, #tpu.memory_space<hbm>> -> memref<80x128xi32, #tpu.memory_space<hbm>>
      tpu.enqueue_dma source(%dma_start3A_101 : memref<80x128xi32, #tpu.memory_space<hbm>>) target(%arg7 : memref<80x128xi32, #tpu.memory_space<vmem>>) target_semaphore(%run_scoped3A : memref<!tpu.dma_semaphore, #tpu.memory_space<semaphore_mem>>)
      %dma_wait3A_102 = arith.constant 0 : i32
      %dma_wait3A_103 = tpu.memref_slice %arg4[%mul3A_5, %dma_wait3A_102] : memref<2560x128xi32, #tpu.memory_space<hbm>> -> memref<80x128xi32, #tpu.memory_space<hbm>>
      %dma_wait3A_104 = arith.constant 0 : i32
      %dma_wait3A_105 = tpu.memref_slice %arg4[%mul3A_5, %dma_wait3A_104] : memref<2560x128xi32, #tpu.memory_space<hbm>> -> memref<80x128xi32, #tpu.memory_space<hbm>>
      tpu.wait_dma2 semaphore(%run_scoped3A : memref<!tpu.dma_semaphore, #tpu.memory_space<semaphore_mem>>) src(%dma_wait3A_105 : memref<80x128xi32, #tpu.memory_space<hbm>>) dst(%arg7 : memref<80x128xi32, #tpu.memory_space<vmem>>)
      tpu.yield
    }) : () -> ()
    %dma_wait3A = tpu.memref_slice %arg3[%mul3A_2] : memref<327680xi32, #tpu.memory_space<hbm>> -> memref<128xi32, #tpu.memory_space<hbm>>
    %dma_wait3A_6 = tpu.memref_slice %arg3[%mul3A_2] : memref<327680xi32, #tpu.memory_space<hbm>> -> memref<128xi32, #tpu.memory_space<hbm>>
    tpu.wait_dma2 semaphore(%arg12 : memref<!tpu.dma_semaphore, #tpu.memory_space<semaphore_mem>>) src(%dma_wait3A_6 : memref<128xi32, #tpu.memory_space<hbm>>) dst(%arg8 : memref<128xi32, #tpu.memory_space<vmem>>)
    %dma_start3A_7 = arith.constant 0 : i32
    %dma_start3A_8 = arith.constant 0 : i32
    %dma_start3A_9 = tpu.memref_slice %arg2[%dma_start3A_7, %dma_start3A_8] : memref<10000x128xf32, #tpu.memory_space<hbm>> -> memref<10000x128xf32, #tpu.memory_space<hbm>>
    tpu.enqueue_indirect_dma source(%dma_start3A_9 : memref<10000x128xf32, #tpu.memory_space<hbm>>) target(%arg10 : memref<128x128xf32, #tpu.memory_space<vmem>>) offsets(%arg8 : memref<128xi32, #tpu.memory_space<vmem>>) semaphore(%arg14 : memref<!tpu.dma_semaphore, #tpu.memory_space<semaphore_mem>>)
    %add3A_10 = arith.constant 128 : i32
    %add3A_11 = arith.addi %mul3A_2, %add3A_10 : i32
    %dma_start3A_12 = tpu.memref_slice %arg3[%add3A_11] : memref<327680xi32, #tpu.memory_space<hbm>> -> memref<128xi32, #tpu.memory_space<hbm>>
    %dma_start3A_13 = tpu.memref_slice %arg3[%add3A_11] : memref<327680xi32, #tpu.memory_space<hbm>> -> memref<128xi32, #tpu.memory_space<hbm>>
    tpu.enqueue_dma source(%dma_start3A_13 : memref<128xi32, #tpu.memory_space<hbm>>) target(%arg9 : memref<128xi32, #tpu.memory_space<vmem>>) target_semaphore(%arg13 : memref<!tpu.dma_semaphore, #tpu.memory_space<semaphore_mem>>)
    %broadcast_in_dim3A = arith.constant 0.000000e+00 : f32
    %broadcast_in_dim3A_14 = vector.broadcast %broadcast_in_dim3A : f32 to vector<16xf32>
    %scan3A = arith.constant 0 : i32
    %scan3A_15 = arith.constant 0 : i32
    %scan3A_16 = arith.constant 128 : i32
    %scan3A_17 = arith.addi %scan3A_15, %scan3A_16 : i32
    %scan3A_18 = arith.constant 1 : i32
    %scan3A_19 = scf.for %scan3A_98 = %scan3A_15 to %scan3A_17 step %scan3A_18 iter_args(%scan3A_99 = %scan3A) -> (i32)  : i32 {
      %swap3A = arith.index_cast %scan3A_98 : i32 to index
      %swap3A_100 = arith.constant 0 : index
      %swap3A_101 = tpu.vector_load %arg11[%swap3A, %swap3A_100] {strides = array<i32>} : memref<128x128xf32, #tpu.memory_space<vmem>>, vector<1x16xf32>,
      %swap3A_102 = vector.shape_cast %swap3A_101 : vector<1x16xf32> to vector<16xf32>
      %swap3A_103 = vector.shape_cast %broadcast_in_dim3A_14 : vector<16xf32> to vector<1x16xf32>
      tpu.vector_store %arg11[%swap3A, %swap3A_100], %swap3A_103 {strides = array<i32>} : memref<128x128xf32, #tpu.memory_space<vmem>>, vector<1x16xf32>,
      %swap3A_104 = arith.index_cast %scan3A_98 : i32 to index
      %swap3A_105 = arith.constant 16 : index
      %swap3A_106 = tpu.vector_load %arg11[%swap3A_104, %swap3A_105] {strides = array<i32>} : memref<128x128xf32, #tpu.memory_space<vmem>>, vector<1x16xf32>,
      %swap3A_107 = vector.shape_cast %swap3A_106 : vector<1x16xf32> to vector<16xf32>
      %swap3A_108 = vector.shape_cast %broadcast_in_dim3A_14 : vector<16xf32> to vector<1x16xf32>
      tpu.vector_store %arg11[%swap3A_104, %swap3A_105], %swap3A_108 {strides = array<i32>} : memref<128x128xf32, #tpu.memory_space<vmem>>, vector<1x16xf32>,
      %swap3A_109 = arith.index_cast %scan3A_98 : i32 to index
      %swap3A_110 = arith.constant 32 : index
      %swap3A_111 = tpu.vector_load %arg11[%swap3A_109, %swap3A_110] {strides = array<i32>} : memref<128x128xf32, #tpu.memory_space<vmem>>, vector<1x16xf32>,
      %swap3A_112 = vector.shape_cast %swap3A_111 : vector<1x16xf32> to vector<16xf32>
      %swap3A_113 = vector.shape_cast %broadcast_in_dim3A_14 : vector<16xf32> to vector<1x16xf32>
      tpu.vector_store %arg11[%swap3A_109, %swap3A_110], %swap3A_113 {strides = array<i32>} : memref<128x128xf32, #tpu.memory_space<vmem>>, vector<1x16xf32>,
      %swap3A_114 = arith.index_cast %scan3A_98 : i32 to index
      %swap3A_115 = arith.constant 48 : index
      %swap3A_116 = tpu.vector_load %arg11[%swap3A_114, %swap3A_115] {strides = array<i32>} : memref<128x128xf32, #tpu.memory_space<vmem>>, vector<1x16xf32>,
      %swap3A_117 = vector.shape_cast %swap3A_116 : vector<1x16xf32> to vector<16xf32>
      %swap3A_118 = vector.shape_cast %broadcast_in_dim3A_14 : vector<16xf32> to vector<1x16xf32>
      tpu.vector_store %arg11[%swap3A_114, %swap3A_115], %swap3A_118 {strides = array<i32>} : memref<128x128xf32, #tpu.memory_space<vmem>>, vector<1x16xf32>,
      %swap3A_119 = arith.index_cast %scan3A_98 : i32 to index
      %swap3A_120 = arith.constant 64 : index
      %swap3A_121 = tpu.vector_load %arg11[%swap3A_119, %swap3A_120] {strides = array<i32>} : memref<128x128xf32, #tpu.memory_space<vmem>>, vector<1x16xf32>,
      %swap3A_122 = vector.shape_cast %swap3A_121 : vector<1x16xf32> to vector<16xf32>
      %swap3A_123 = vector.shape_cast %broadcast_in_dim3A_14 : vector<16xf32> to vector<1x16xf32>
      tpu.vector_store %arg11[%swap3A_119, %swap3A_120], %swap3A_123 {strides = array<i32>} : memref<128x128xf32, #tpu.memory_space<vmem>>, vector<1x16xf32>,
      %swap3A_124 = arith.index_cast %scan3A_98 : i32 to index
      %swap3A_125 = arith.constant 80 : index
      %swap3A_126 = tpu.vector_load %arg11[%swap3A_124, %swap3A_125] {strides = array<i32>} : memref<128x128xf32, #tpu.memory_space<vmem>>, vector<1x16xf32>,
      %swap3A_127 = vector.shape_cast %swap3A_126 : vector<1x16xf32> to vector<16xf32>
      %swap3A_128 = vector.shape_cast %broadcast_in_dim3A_14 : vector<16xf32> to vector<1x16xf32>
      tpu.vector_store %arg11[%swap3A_124, %swap3A_125], %swap3A_128 {strides = array<i32>} : memref<128x128xf32, #tpu.memory_space<vmem>>, vector<1x16xf32>,
      %swap3A_129 = arith.index_cast %scan3A_98 : i32 to index
      %swap3A_130 = arith.constant 96 : index
      %swap3A_131 = tpu.vector_load %arg11[%swap3A_129, %swap3A_130] {strides = array<i32>} : memref<128x128xf32, #tpu.memory_space<vmem>>, vector<1x16xf32>,
      %swap3A_132 = vector.shape_cast %swap3A_131 : vector<1x16xf32> to vector<16xf32>
      %swap3A_133 = vector.shape_cast %broadcast_in_dim3A_14 : vector<16xf32> to vector<1x16xf32>
      tpu.vector_store %arg11[%swap3A_129, %swap3A_130], %swap3A_133 {strides = array<i32>} : memref<128x128xf32, #tpu.memory_space<vmem>>, vector<1x16xf32>,
      %swap3A_134 = arith.index_cast %scan3A_98 : i32 to index
      %swap3A_135 = arith.constant 112 : index
      %swap3A_136 = tpu.vector_load %arg11[%swap3A_134, %swap3A_135] {strides = array<i32>} : memref<128x128xf32, #tpu.memory_space<vmem>>, vector<1x16xf32>,
      %swap3A_137 = vector.shape_cast %swap3A_136 : vector<1x16xf32> to vector<16xf32>
      %swap3A_138 = vector.shape_cast %broadcast_in_dim3A_14 : vector<16xf32> to vector<1x16xf32>
      tpu.vector_store %arg11[%swap3A_134, %swap3A_135], %swap3A_138 {strides = array<i32>} : memref<128x128xf32, #tpu.memory_space<vmem>>, vector<1x16xf32>,
      %scan3A_139 = arith.constant 0 : i32
      scf.yield %scan3A_139 : i32
    }
    %scan3A_20 = arith.constant 128 : i32
    %mul3A_21 = arith.constant 632 : i32
    %mul3A_22 = arith.muli %arg1, %mul3A_21 : i32
    %add3A_23 = arith.constant 0 : i32
    %add3A_24 = arith.addi %mul3A_22, %add3A_23 : i32
    "tpu.region"() ({
      %run_scoped3A = tpu.sem_alloc : memref<!tpu.dma_semaphore, #tpu.memory_space<semaphore_mem>>
      %dma_start3A_98 = arith.constant 0 : i32
      %dma_start3A_99 = tpu.memref_slice %arg6[%add3A_24, %dma_start3A_98] : memref<10112x128xf32, #tpu.memory_space<vmem_shared>> -> memref<128x128xf32, #tpu.memory_space<vmem_shared>>
      %dma_start3A_100 = arith.constant 0 : i32
      %dma_start3A_101 = tpu.memref_slice %arg6[%add3A_24, %dma_start3A_100] : memref<10112x128xf32, #tpu.memory_space<vmem_shared>> -> memref<128x128xf32, #tpu.memory_space<vmem_shared>>
      tpu.enqueue_dma source(%arg11 : memref<128x128xf32, #tpu.memory_space<vmem>>) target(%dma_start3A_101 : memref<128x128xf32, #tpu.memory_space<vmem_shared>>) target_semaphore(%run_scoped3A : memref<!tpu.dma_semaphore, #tpu.memory_space<semaphore_mem>>)
      %dma_wait3A_102 = arith.constant 0 : i32
      %dma_wait3A_103 = tpu.memref_slice %arg6[%add3A_24, %dma_wait3A_102] : memref<10112x128xf32, #tpu.memory_space<vmem_shared>> -> memref<128x128xf32, #tpu.memory_space<vmem_shared>>
      %dma_wait3A_104 = arith.constant 0 : i32
      %dma_wait3A_105 = tpu.memref_slice %arg6[%add3A_24, %dma_wait3A_104] : memref<10112x128xf32, #tpu.memory_space<vmem_shared>> -> memref<128x128xf32, #tpu.memory_space<vmem_shared>>
      tpu.wait_dma2 semaphore(%run_scoped3A : memref<!tpu.dma_semaphore, #tpu.memory_space<semaphore_mem>>) src(%arg11 : memref<128x128xf32, #tpu.memory_space<vmem>>) dst(%dma_wait3A_105 : memref<128x128xf32, #tpu.memory_space<vmem_shared>>)
      tpu.yield
    }) : () -> ()
    %mul3A_25 = arith.constant 632 : i32
    %mul3A_26 = arith.muli %arg1, %mul3A_25 : i32
    %add3A_27 = arith.constant 128 : i32
    %add3A_28 = arith.addi %mul3A_26, %add3A_27 : i32
    "tpu.region"() ({
      %run_scoped3A = tpu.sem_alloc : memref<!tpu.dma_semaphore, #tpu.memory_space<semaphore_mem>>
      %dma_start3A_98 = arith.constant 0 : i32
      %dma_start3A_99 = tpu.memref_slice %arg6[%add3A_28, %dma_start3A_98] : memref<10112x128xf32, #tpu.memory_space<vmem_shared>> -> memref<128x128xf32, #tpu.memory_space<vmem_shared>>
      %dma_start3A_100 = arith.constant 0 : i32
      %dma_start3A_101 = tpu.memref_slice %arg6[%add3A_28, %dma_start3A_100] : memref<10112x128xf32, #tpu.memory_space<vmem_shared>> -> memref<128x128xf32, #tpu.memory_space<vmem_shared>>
      tpu.enqueue_dma source(%arg11 : memref<128x128xf32, #tpu.memory_space<vmem>>) target(%dma_start3A_101 : memref<128x128xf32, #tpu.memory_space<vmem_shared>>) target_semaphore(%run_scoped3A : memref<!tpu.dma_semaphore, #tpu.memory_space<semaphore_mem>>)
      %dma_wait3A_102 = arith.constant 0 : i32
      %dma_wait3A_103 = tpu.memref_slice %arg6[%add3A_28, %dma_wait3A_102] : memref<10112x128xf32, #tpu.memory_space<vmem_shared>> -> memref<128x128xf32, #tpu.memory_space<vmem_shared>>
      %dma_wait3A_104 = arith.constant 0 : i32
      %dma_wait3A_105 = tpu.memref_slice %arg6[%add3A_28, %dma_wait3A_104] : memref<10112x128xf32, #tpu.memory_space<vmem_shared>> -> memref<128x128xf32, #tpu.memory_space<vmem_shared>>
      tpu.wait_dma2 semaphore(%run_scoped3A : memref<!tpu.dma_semaphore, #tpu.memory_space<semaphore_mem>>) src(%arg11 : memref<128x128xf32, #tpu.memory_space<vmem>>) dst(%dma_wait3A_105 : memref<128x128xf32, #tpu.memory_space<vmem_shared>>)
      tpu.yield
    }) : () -> ()
    %mul3A_29 = arith.constant 632 : i32
    %mul3A_30 = arith.muli %arg1, %mul3A_29 : i32
    %add3A_31 = arith.constant 256 : i32
    %add3A_32 = arith.addi %mul3A_30, %add3A_31 : i32
    "tpu.region"() ({
      %run_scoped3A = tpu.sem_alloc : memref<!tpu.dma_semaphore, #tpu.memory_space<semaphore_mem>>
      %dma_start3A_98 = arith.constant 0 : i32
      %dma_start3A_99 = tpu.memref_slice %arg6[%add3A_32, %dma_start3A_98] : memref<10112x128xf32, #tpu.memory_space<vmem_shared>> -> memref<128x128xf32, #tpu.memory_space<vmem_shared>>
      %dma_start3A_100 = arith.constant 0 : i32
      %dma_start3A_101 = tpu.memref_slice %arg6[%add3A_32, %dma_start3A_100] : memref<10112x128xf32, #tpu.memory_space<vmem_shared>> -> memref<128x128xf32, #tpu.memory_space<vmem_shared>>
      tpu.enqueue_dma source(%arg11 : memref<128x128xf32, #tpu.memory_space<vmem>>) target(%dma_start3A_101 : memref<128x128xf32, #tpu.memory_space<vmem_shared>>) target_semaphore(%run_scoped3A : memref<!tpu.dma_semaphore, #tpu.memory_space<semaphore_mem>>)
      %dma_wait3A_102 = arith.constant 0 : i32
      %dma_wait3A_103 = tpu.memref_slice %arg6[%add3A_32, %dma_wait3A_102] : memref<10112x128xf32, #tpu.memory_space<vmem_shared>> -> memref<128x128xf32, #tpu.memory_space<vmem_shared>>
      %dma_wait3A_104 = arith.constant 0 : i32
      %dma_wait3A_105 = tpu.memref_slice %arg6[%add3A_32, %dma_wait3A_104] : memref<10112x128xf32, #tpu.memory_space<vmem_shared>> -> memref<128x128xf32, #tpu.memory_space<vmem_shared>>
      tpu.wait_dma2 semaphore(%run_scoped3A : memref<!tpu.dma_semaphore, #tpu.memory_space<semaphore_mem>>) src(%arg11 : memref<128x128xf32, #tpu.memory_space<vmem>>) dst(%dma_wait3A_105 : memref<128x128xf32, #tpu.memory_space<vmem_shared>>)
      tpu.yield
    }) : () -> ()
    %mul3A_33 = arith.constant 632 : i32
    %mul3A_34 = arith.muli %arg1, %mul3A_33 : i32
    %add3A_35 = arith.constant 384 : i32
    %add3A_36 = arith.addi %mul3A_34, %add3A_35 : i32
    "tpu.region"() ({
      %run_scoped3A = tpu.sem_alloc : memref<!tpu.dma_semaphore, #tpu.memory_space<semaphore_mem>>
      %dma_start3A_98 = arith.constant 0 : i32
      %dma_start3A_99 = tpu.memref_slice %arg6[%add3A_36, %dma_start3A_98] : memref<10112x128xf32, #tpu.memory_space<vmem_shared>> -> memref<128x128xf32, #tpu.memory_space<vmem_shared>>
      %dma_start3A_100 = arith.constant 0 : i32
      %dma_start3A_101 = tpu.memref_slice %arg6[%add3A_36, %dma_start3A_100] : memref<10112x128xf32, #tpu.memory_space<vmem_shared>> -> memref<128x128xf32, #tpu.memory_space<vmem_shared>>
      tpu.enqueue_dma source(%arg11 : memref<128x128xf32, #tpu.memory_space<vmem>>) target(%dma_start3A_101 : memref<128x128xf32, #tpu.memory_space<vmem_shared>>) target_semaphore(%run_scoped3A : memref<!tpu.dma_semaphore, #tpu.memory_space<semaphore_mem>>)
      %dma_wait3A_102 = arith.constant 0 : i32
      %dma_wait3A_103 = tpu.memref_slice %arg6[%add3A_36, %dma_wait3A_102] : memref<10112x128xf32, #tpu.memory_space<vmem_shared>> -> memref<128x128xf32, #tpu.memory_space<vmem_shared>>
      %dma_wait3A_104 = arith.constant 0 : i32
      %dma_wait3A_105 = tpu.memref_slice %arg6[%add3A_36, %dma_wait3A_104] : memref<10112x128xf32, #tpu.memory_space<vmem_shared>> -> memref<128x128xf32, #tpu.memory_space<vmem_shared>>
      tpu.wait_dma2 semaphore(%run_scoped3A : memref<!tpu.dma_semaphore, #tpu.memory_space<semaphore_mem>>) src(%arg11 : memref<128x128xf32, #tpu.memory_space<vmem>>) dst(%dma_wait3A_105 : memref<128x128xf32, #tpu.memory_space<vmem_shared>>)
      tpu.yield
    }) : () -> ()
    %mul3A_37 = arith.constant 632 : i32
    %mul3A_38 = arith.muli %arg1, %mul3A_37 : i32
    %add3A_39 = arith.constant 512 : i32
    %add3A_40 = arith.addi %mul3A_38, %add3A_39 : i32
    "tpu.region"() ({
      %run_scoped3A = tpu.sem_alloc : memref<!tpu.dma_semaphore, #tpu.memory_space<semaphore_mem>>
      %dma_start3A_98 = arith.constant 0 : i32
      %dma_start3A_99 = arith.constant 0 : i32
      %dma_start3A_100 = tpu.memref_slice %arg11[%dma_start3A_98, %dma_start3A_99] : memref<128x128xf32, #tpu.memory_space<vmem>> -> memref<120x128xf32, #tpu.memory_space<vmem>>
      %dma_start3A_101 = arith.constant 0 : i32
      %dma_start3A_102 = tpu.memref_slice %arg6[%add3A_40, %dma_start3A_101] : memref<10112x128xf32, #tpu.memory_space<vmem_shared>> -> memref<120x128xf32, #tpu.memory_space<vmem_shared>>
      %dma_start3A_103 = arith.constant 0 : i32
      %dma_start3A_104 = tpu.memref_slice %arg6[%add3A_40, %dma_start3A_103] : memref<10112x128xf32, #tpu.memory_space<vmem_shared>> -> memref<120x128xf32, #tpu.memory_space<vmem_shared>>
      %dma_start3A_105 = arith.constant 0 : i32
      %dma_start3A_106 = arith.constant 0 : i32
      %dma_start3A_107 = tpu.memref_slice %arg11[%dma_start3A_105, %dma_start3A_106] : memref<128x128xf32, #tpu.memory_space<vmem>> -> memref<120x128xf32, #tpu.memory_space<vmem>>
      tpu.enqueue_dma source(%dma_start3A_107 : memref<120x128xf32, #tpu.memory_space<vmem>>) target(%dma_start3A_104 : memref<120x128xf32, #tpu.memory_space<vmem_shared>>) target_semaphore(%run_scoped3A : memref<!tpu.dma_semaphore, #tpu.memory_space<semaphore_mem>>)
      %dma_wait3A_108 = arith.constant 0 : i32
      %dma_wait3A_109 = arith.constant 0 : i32
      %dma_wait3A_110 = tpu.memref_slice %arg11[%dma_wait3A_108, %dma_wait3A_109] : memref<128x128xf32, #tpu.memory_space<vmem>> -> memref<120x128xf32, #tpu.memory_space<vmem>>
      %dma_wait3A_111 = arith.constant 0 : i32
      %dma_wait3A_112 = tpu.memref_slice %arg6[%add3A_40, %dma_wait3A_111] : memref<10112x128xf32, #tpu.memory_space<vmem_shared>> -> memref<120x128xf32, #tpu.memory_space<vmem_shared>>
      %dma_wait3A_113 = arith.constant 0 : i32
      %dma_wait3A_114 = tpu.memref_slice %arg6[%add3A_40, %dma_wait3A_113] : memref<10112x128xf32, #tpu.memory_space<vmem_shared>> -> memref<120x128xf32, #tpu.memory_space<vmem_shared>>
      %dma_wait3A_115 = arith.constant 0 : i32
      %dma_wait3A_116 = arith.constant 0 : i32
      %dma_wait3A_117 = tpu.memref_slice %arg11[%dma_wait3A_115, %dma_wait3A_116] : memref<128x128xf32, #tpu.memory_space<vmem>> -> memref<120x128xf32, #tpu.memory_space<vmem>>
      tpu.wait_dma2 semaphore(%run_scoped3A : memref<!tpu.dma_semaphore, #tpu.memory_space<semaphore_mem>>) src(%dma_wait3A_117 : memref<120x128xf32, #tpu.memory_space<vmem>>) dst(%dma_wait3A_114 : memref<120x128xf32, #tpu.memory_space<vmem_shared>>)
      tpu.yield
    }) : () -> ()
    %barrier3A = arith.constant 0 : index
    tpu.barrier barrier_id(%barrier3A)
    %dma_wait3A_41 = tpu.memref_slice %arg3[%mul3A_2] : memref<327680xi32, #tpu.memory_space<hbm>> -> memref<128xi32, #tpu.memory_space<hbm>>
    %dma_wait3A_42 = tpu.memref_slice %arg3[%mul3A_2] : memref<327680xi32, #tpu.memory_space<hbm>> -> memref<128xi32, #tpu.memory_space<hbm>>
    tpu.wait_dma2 semaphore(%arg13 : memref<!tpu.dma_semaphore, #tpu.memory_space<semaphore_mem>>) src(%dma_wait3A_42 : memref<128xi32, #tpu.memory_space<hbm>>) dst(%arg9 : memref<128xi32, #tpu.memory_space<vmem>>)
    %dma_start3A_43 = arith.constant 0 : i32
    %dma_start3A_44 = arith.constant 0 : i32
    %dma_start3A_45 = tpu.memref_slice %arg2[%dma_start3A_43, %dma_start3A_44] : memref<10000x128xf32, #tpu.memory_space<hbm>> -> memref<10000x128xf32, #tpu.memory_space<hbm>>
    tpu.enqueue_indirect_dma source(%dma_start3A_45 : memref<10000x128xf32, #tpu.memory_space<hbm>>) target(%arg11 : memref<128x128xf32, #tpu.memory_space<vmem>>) offsets(%arg9 : memref<128xi32, #tpu.memory_space<vmem>>) semaphore(%arg15 : memref<!tpu.dma_semaphore, #tpu.memory_space<semaphore_mem>>)
    %dma_wait3A_46 = arith.constant 0 : i32
    %dma_wait3A_47 = arith.constant 0 : i32
    %dma_wait3A_48 = tpu.memref_slice %arg2[%dma_wait3A_46, %dma_wait3A_47] : memref<10000x128xf32, #tpu.memory_space<hbm>> -> memref<10000x128xf32, #tpu.memory_space<hbm>>
    tpu.wait_indirect_dma semaphore(%arg14 : memref<!tpu.dma_semaphore, #tpu.memory_space<semaphore_mem>>) src(%dma_wait3A_48 : memref<10000x128xf32, #tpu.memory_space<hbm>>) dst(%arg10 : memref<128x128xf32, #tpu.memory_space<vmem>>)
    %add3A_49 = arith.constant 256 : i32
    %add3A_50 = arith.addi %mul3A_2, %add3A_49 : i32
    %dma_start3A_51 = tpu.memref_slice %arg3[%add3A_50] : memref<327680xi32, #tpu.memory_space<hbm>> -> memref<128xi32, #tpu.memory_space<hbm>>
    %dma_start3A_52 = tpu.memref_slice %arg3[%add3A_50] : memref<327680xi32, #tpu.memory_space<hbm>> -> memref<128xi32, #tpu.memory_space<hbm>>
    tpu.enqueue_dma source(%dma_start3A_52 : memref<128xi32, #tpu.memory_space<hbm>>) target(%arg8 : memref<128xi32, #tpu.memory_space<vmem>>) target_semaphore(%arg12 : memref<!tpu.dma_semaphore, #tpu.memory_space<semaphore_mem>>)
    %dma_start3A_53 = arith.constant 0 : i32
    %dma_start3A_54 = arith.constant 0 : i32
    %dma_start3A_55 = tpu.memref_slice %arg7[%dma_start3A_53, %dma_start3A_54] : memref<80x128xi32, #tpu.memory_space<vmem>> -> memref<1x128xi32, #tpu.memory_space<vmem>>
    %dma_start3A_56 = tpu.memref_squeeze %dma_start3A_55 : memref<1x128xi32, #tpu.memory_space<vmem>> -> memref<128xi32, #tpu.memory_space<vmem>>
    %dma_start3A_57 = arith.constant 0 : i32
    %dma_start3A_58 = arith.constant 0 : i32
    %dma_start3A_59 = tpu.memref_slice %arg6[%dma_start3A_57, %dma_start3A_58] : memref<10112x128xf32, #tpu.memory_space<vmem_shared>> -> memref<10112x128xf32, #tpu.memory_space<vmem_shared>>
    tpu.enqueue_indirect_dma source(%arg10 : memref<128x128xf32, #tpu.memory_space<vmem>>) target(%dma_start3A_59 : memref<10112x128xf32, #tpu.memory_space<vmem_shared>>) offsets(%dma_start3A_56 : memref<128xi32, #tpu.memory_space<vmem>>) semaphore(%arg16 : memref<!tpu.dma_semaphore, #tpu.memory_space<semaphore_mem>>) {add = true}
    %scan3A_60 = arith.constant 0 : i32
    %scan3A_61 = arith.constant 1 : i32
    %scan3A_62 = arith.constant 39 : i32
    %scan3A_63 = arith.addi %scan3A_61, %scan3A_62 : i32
    %scan3A_64 = arith.constant 1 : i32
    %scan3A_65 = scf.for %scan3A_98 = %scan3A_61 to %scan3A_63 step %scan3A_64 iter_args(%scan3A_99 = %scan3A_60) -> (i32)  : i32 {
      %mul3A_100 = arith.constant 2 : i32
      %mul3A_101 = arith.muli %mul3A_100, %scan3A_98 : i32
      %add3A_102 = arith.constant 1 : i32
      %add3A_103 = arith.addi %mul3A_101, %add3A_102 : i32
      %add3A_104 = arith.constant 1 : i32
      %add3A_105 = arith.addi %add3A_103, %add3A_104 : i32
      %min3A = arith.constant 79 : i32
      %min3A_106 = arith.minsi %add3A_105, %min3A : i32
      %dma_wait3A_107 = tpu.memref_slice %arg3[%mul3A_2] : memref<327680xi32, #tpu.memory_space<hbm>> -> memref<128xi32, #tpu.memory_space<hbm>>
      %dma_wait3A_108 = tpu.memref_slice %arg3[%mul3A_2] : memref<327680xi32, #tpu.memory_space<hbm>> -> memref<128xi32, #tpu.memory_space<hbm>>
      tpu.wait_dma2 semaphore(%arg12 : memref<!tpu.dma_semaphore, #tpu.memory_space<semaphore_mem>>) src(%dma_wait3A_108 : memref<128xi32, #tpu.memory_space<hbm>>) dst(%arg8 : memref<128xi32, #tpu.memory_space<vmem>>)
      %dma_wait3A_109 = arith.constant 0 : i32
      %dma_wait3A_110 = tpu.memref_slice %arg7[%mul3A_101, %dma_wait3A_109] : memref<80x128xi32, #tpu.memory_space<vmem>> -> memref<1x128xi32, #tpu.memory_space<vmem>>
      %dma_wait3A_111 = tpu.memref_squeeze %dma_wait3A_110 : memref<1x128xi32, #tpu.memory_space<vmem>> -> memref<128xi32, #tpu.memory_space<vmem>>
      %dma_wait3A_112 = arith.constant 0 : i32
      %dma_wait3A_113 = arith.constant 0 : i32
      %dma_wait3A_114 = tpu.memref_slice %arg6[%dma_wait3A_112, %dma_wait3A_113] : memref<10112x128xf32, #tpu.memory_space<vmem_shared>> -> memref<10112x128xf32, #tpu.memory_space<vmem_shared>>
      tpu.wait_indirect_dma semaphore(%arg16 : memref<!tpu.dma_semaphore, #tpu.memory_space<semaphore_mem>>) src(%arg10 : memref<128x128xf32, #tpu.memory_space<vmem>>) dst(%dma_wait3A_114 : memref<10112x128xf32, #tpu.memory_space<vmem_shared>>)
      %dma_start3A_115 = arith.constant 0 : i32
      %dma_start3A_116 = arith.constant 0 : i32
      %dma_start3A_117 = tpu.memref_slice %arg2[%dma_start3A_115, %dma_start3A_116] : memref<10000x128xf32, #tpu.memory_space<hbm>> -> memref<10000x128xf32, #tpu.memory_space<hbm>>
      tpu.enqueue_indirect_dma source(%dma_start3A_117 : memref<10000x128xf32, #tpu.memory_space<hbm>>) target(%arg10 : memref<128x128xf32, #tpu.memory_space<vmem>>) offsets(%arg8 : memref<128xi32, #tpu.memory_space<vmem>>) semaphore(%arg14 : memref<!tpu.dma_semaphore, #tpu.memory_space<semaphore_mem>>)
      %dma_wait3A_118 = arith.constant 0 : i32
      %dma_wait3A_119 = arith.constant 0 : i32
      %dma_wait3A_120 = tpu.memref_slice %arg2[%dma_wait3A_118, %dma_wait3A_119] : memref<10000x128xf32, #tpu.memory_space<hbm>> -> memref<10000x128xf32, #tpu.memory_space<hbm>>
      tpu.wait_indirect_dma semaphore(%arg15 : memref<!tpu.dma_semaphore, #tpu.memory_space<semaphore_mem>>) src(%dma_wait3A_120 : memref<10000x128xf32, #tpu.memory_space<hbm>>) dst(%arg11 : memref<128x128xf32, #tpu.memory_space<vmem>>)
      %mul3A_121 = arith.constant 128 : i32
      %mul3A_122 = arith.muli %add3A_103, %mul3A_121 : i32
      %add3A_123 = arith.addi %mul3A_2, %mul3A_122 : i32
      %dma_start3A_124 = tpu.memref_slice %arg3[%add3A_123] : memref<327680xi32, #tpu.memory_space<hbm>> -> memref<128xi32, #tpu.memory_space<hbm>>
      %dma_start3A_125 = tpu.memref_slice %arg3[%add3A_123] : memref<327680xi32, #tpu.memory_space<hbm>> -> memref<128xi32, #tpu.memory_space<hbm>>
      tpu.enqueue_dma source(%dma_start3A_125 : memref<128xi32, #tpu.memory_space<hbm>>) target(%arg9 : memref<128xi32, #tpu.memory_space<vmem>>) target_semaphore(%arg13 : memref<!tpu.dma_semaphore, #tpu.memory_space<semaphore_mem>>)
      %sub3A = arith.constant 1 : i32
      %sub3A_126 = arith.subi %mul3A_101, %sub3A : i32
      %dma_start3A_127 = arith.constant 0 : i32
      %dma_start3A_128 = tpu.memref_slice %arg7[%sub3A_126, %dma_start3A_127] : memref<80x128xi32, #tpu.memory_space<vmem>> -> memref<1x128xi32, #tpu.memory_space<vmem>>
      %dma_start3A_129 = tpu.memref_squeeze %dma_start3A_128 : memref<1x128xi32, #tpu.memory_space<vmem>> -> memref<128xi32, #tpu.memory_space<vmem>>
      %dma_start3A_130 = arith.constant 0 : i32
      %dma_start3A_131 = arith.constant 0 : i32
      %dma_start3A_132 = tpu.memref_slice %arg6[%dma_start3A_130, %dma_start3A_131] : memref<10112x128xf32, #tpu.memory_space<vmem_shared>> -> memref<10112x128xf32, #tpu.memory_space<vmem_shared>>
      tpu.enqueue_indirect_dma source(%arg11 : memref<128x128xf32, #tpu.memory_space<vmem>>) target(%dma_start3A_132 : memref<10112x128xf32, #tpu.memory_space<vmem_shared>>) offsets(%dma_start3A_129 : memref<128xi32, #tpu.memory_space<vmem>>) semaphore(%arg17 : memref<!tpu.dma_semaphore, #tpu.memory_space<semaphore_mem>>) {add = true}
      %dma_wait3A_133 = tpu.memref_slice %arg3[%mul3A_2] : memref<327680xi32, #tpu.memory_space<hbm>> -> memref<128xi32, #tpu.memory_space<hbm>>
      %dma_wait3A_134 = tpu.memref_slice %arg3[%mul3A_2] : memref<327680xi32, #tpu.memory_space<hbm>> -> memref<128xi32, #tpu.memory_space<hbm>>
      tpu.wait_dma2 semaphore(%arg13 : memref<!tpu.dma_semaphore, #tpu.memory_space<semaphore_mem>>) src(%dma_wait3A_134 : memref<128xi32, #tpu.memory_space<hbm>>) dst(%arg9 : memref<128xi32, #tpu.memory_space<vmem>>)
      %dma_wait3A_135 = arith.constant 0 : i32
      %dma_wait3A_136 = tpu.memref_slice %arg7[%add3A_103, %dma_wait3A_135] : memref<80x128xi32, #tpu.memory_space<vmem>> -> memref<1x128xi32, #tpu.memory_space<vmem>>
      %dma_wait3A_137 = tpu.memref_squeeze %dma_wait3A_136 : memref<1x128xi32, #tpu.memory_space<vmem>> -> memref<128xi32, #tpu.memory_space<vmem>>
      %dma_wait3A_138 = arith.constant 0 : i32
      %dma_wait3A_139 = arith.constant 0 : i32
      %dma_wait3A_140 = tpu.memref_slice %arg6[%dma_wait3A_138, %dma_wait3A_139] : memref<10112x128xf32, #tpu.memory_space<vmem_shared>> -> memref<10112x128xf32, #tpu.memory_space<vmem_shared>>
      tpu.wait_indirect_dma semaphore(%arg17 : memref<!tpu.dma_semaphore, #tpu.memory_space<semaphore_mem>>) src(%arg11 : memref<128x128xf32, #tpu.memory_space<vmem>>) dst(%dma_wait3A_140 : memref<10112x128xf32, #tpu.memory_space<vmem_shared>>)
      %dma_start3A_141 = arith.constant 0 : i32
      %dma_start3A_142 = arith.constant 0 : i32
      %dma_start3A_143 = tpu.memref_slice %arg2[%dma_start3A_141, %dma_start3A_142] : memref<10000x128xf32, #tpu.memory_space<hbm>> -> memref<10000x128xf32, #tpu.memory_space<hbm>>
      tpu.enqueue_indirect_dma source(%dma_start3A_143 : memref<10000x128xf32, #tpu.memory_space<hbm>>) target(%arg11 : memref<128x128xf32, #tpu.memory_space<vmem>>) offsets(%arg9 : memref<128xi32, #tpu.memory_space<vmem>>) semaphore(%arg15 : memref<!tpu.dma_semaphore, #tpu.memory_space<semaphore_mem>>)
      %dma_wait3A_144 = arith.constant 0 : i32
      %dma_wait3A_145 = arith.constant 0 : i32
      %dma_wait3A_146 = tpu.memref_slice %arg2[%dma_wait3A_144, %dma_wait3A_145] : memref<10000x128xf32, #tpu.memory_space<hbm>> -> memref<10000x128xf32, #tpu.memory_space<hbm>>
      tpu.wait_indirect_dma semaphore(%arg14 : memref<!tpu.dma_semaphore, #tpu.memory_space<semaphore_mem>>) src(%dma_wait3A_146 : memref<10000x128xf32, #tpu.memory_space<hbm>>) dst(%arg10 : memref<128x128xf32, #tpu.memory_space<vmem>>)
      %mul3A_147 = arith.constant 128 : i32
      %mul3A_148 = arith.muli %min3A_106, %mul3A_147 : i32
      %add3A_149 = arith.addi %mul3A_2, %mul3A_148 : i32
      %dma_start3A_150 = tpu.memref_slice %arg3[%add3A_149] : memref<327680xi32, #tpu.memory_space<hbm>> -> memref<128xi32, #tpu.memory_space<hbm>>
      %dma_start3A_151 = tpu.memref_slice %arg3[%add3A_149] : memref<327680xi32, #tpu.memory_space<hbm>> -> memref<128xi32, #tpu.memory_space<hbm>>
      tpu.enqueue_dma source(%dma_start3A_151 : memref<128xi32, #tpu.memory_space<hbm>>) target(%arg8 : memref<128xi32, #tpu.memory_space<vmem>>) target_semaphore(%arg12 : memref<!tpu.dma_semaphore, #tpu.memory_space<semaphore_mem>>)
      %dma_start3A_152 = arith.constant 0 : i32
      %dma_start3A_153 = tpu.memref_slice %arg7[%mul3A_101, %dma_start3A_152] : memref<80x128xi32, #tpu.memory_space<vmem>> -> memref<1x128xi32, #tpu.memory_space<vmem>>
      %dma_start3A_154 = tpu.memref_squeeze %dma_start3A_153 : memref<1x128xi32, #tpu.memory_space<vmem>> -> memref<128xi32, #tpu.memory_space<vmem>>
      %dma_start3A_155 = arith.constant 0 : i32
      %dma_start3A_156 = arith.constant 0 : i32
      %dma_start3A_157 = tpu.memref_slice %arg6[%dma_start3A_155, %dma_start3A_156] : memref<10112x128xf32, #tpu.memory_space<vmem_shared>> -> memref<10112x128xf32, #tpu.memory_space<vmem_shared>>
      tpu.enqueue_indirect_dma source(%arg10 : memref<128x128xf32, #tpu.memory_space<vmem>>) target(%dma_start3A_157 : memref<10112x128xf32, #tpu.memory_space<vmem_shared>>) offsets(%dma_start3A_154 : memref<128xi32, #tpu.memory_space<vmem>>) semaphore(%arg16 : memref<!tpu.dma_semaphore, #tpu.memory_space<semaphore_mem>>) {add = true}
      %scan3A_158 = arith.constant 0 : i32
      scf.yield %scan3A_158 : i32
    }
    %scan3A_66 = arith.constant 39 : i32
    %dma_wait3A_67 = arith.constant 0 : i32
    %dma_wait3A_68 = arith.constant 0 : i32
    %dma_wait3A_69 = tpu.memref_slice %arg2[%dma_wait3A_67, %dma_wait3A_68] : memref<10000x128xf32, #tpu.memory_space<hbm>> -> memref<10000x128xf32, #tpu.memory_space<hbm>>
    tpu.wait_indirect_dma semaphore(%arg15 : memref<!tpu.dma_semaphore, #tpu.memory_space<semaphore_mem>>) src(%dma_wait3A_69 : memref<10000x128xf32, #tpu.memory_space<hbm>>) dst(%arg11 : memref<128x128xf32, #tpu.memory_space<vmem>>)
    %dma_start3A_70 = arith.constant 79 : i32
    %dma_start3A_71 = arith.constant 0 : i32
    %dma_start3A_72 = tpu.memref_slice %arg7[%dma_start3A_70, %dma_start3A_71] : memref<80x128xi32, #tpu.memory_space<vmem>> -> memref<1x128xi32, #tpu.memory_space<vmem>>
    %dma_start3A_73 = tpu.memref_squeeze %dma_start3A_72 : memref<1x128xi32, #tpu.memory_space<vmem>> -> memref<128xi32, #tpu.memory_space<vmem>>
    %dma_start3A_74 = arith.constant 0 : i32
    %dma_start3A_75 = arith.constant 0 : i32
    %dma_start3A_76 = tpu.memref_slice %arg6[%dma_start3A_74, %dma_start3A_75] : memref<10112x128xf32, #tpu.memory_space<vmem_shared>> -> memref<10112x128xf32, #tpu.memory_space<vmem_shared>>
    tpu.enqueue_indirect_dma source(%arg11 : memref<128x128xf32, #tpu.memory_space<vmem>>) target(%dma_start3A_76 : memref<10112x128xf32, #tpu.memory_space<vmem_shared>>) offsets(%dma_start3A_73 : memref<128xi32, #tpu.memory_space<vmem>>) semaphore(%arg17 : memref<!tpu.dma_semaphore, #tpu.memory_space<semaphore_mem>>) {add = true}
    %dma_wait3A_77 = tpu.memref_slice %arg3[%mul3A_2] : memref<327680xi32, #tpu.memory_space<hbm>> -> memref<128xi32, #tpu.memory_space<hbm>>
    %dma_wait3A_78 = tpu.memref_slice %arg3[%mul3A_2] : memref<327680xi32, #tpu.memory_space<hbm>> -> memref<128xi32, #tpu.memory_space<hbm>>
    tpu.wait_dma2 semaphore(%arg12 : memref<!tpu.dma_semaphore, #tpu.memory_space<semaphore_mem>>) src(%dma_wait3A_78 : memref<128xi32, #tpu.memory_space<hbm>>) dst(%arg8 : memref<128xi32, #tpu.memory_space<vmem>>)
    %dma_wait3A_79 = arith.constant 0 : i32
    %dma_wait3A_80 = arith.constant 0 : i32
    %dma_wait3A_81 = tpu.memref_slice %arg7[%dma_wait3A_79, %dma_wait3A_80] : memref<80x128xi32, #tpu.memory_space<vmem>> -> memref<1x128xi32, #tpu.memory_space<vmem>>
    %dma_wait3A_82 = tpu.memref_squeeze %dma_wait3A_81 : memref<1x128xi32, #tpu.memory_space<vmem>> -> memref<128xi32, #tpu.memory_space<vmem>>
    %dma_wait3A_83 = arith.constant 0 : i32
    %dma_wait3A_84 = arith.constant 0 : i32
    %dma_wait3A_85 = tpu.memref_slice %arg6[%dma_wait3A_83, %dma_wait3A_84] : memref<10112x128xf32, #tpu.memory_space<vmem_shared>> -> memref<10112x128xf32, #tpu.memory_space<vmem_shared>>
    tpu.wait_indirect_dma semaphore(%arg16 : memref<!tpu.dma_semaphore, #tpu.memory_space<semaphore_mem>>) src(%arg10 : memref<128x128xf32, #tpu.memory_space<vmem>>) dst(%dma_wait3A_85 : memref<10112x128xf32, #tpu.memory_space<vmem_shared>>)
    %dma_wait3A_86 = arith.constant 0 : i32
    %dma_wait3A_87 = arith.constant 0 : i32
    %dma_wait3A_88 = tpu.memref_slice %arg7[%dma_wait3A_86, %dma_wait3A_87] : memref<80x128xi32, #tpu.memory_space<vmem>> -> memref<1x128xi32, #tpu.memory_space<vmem>>
    %dma_wait3A_89 = tpu.memref_squeeze %dma_wait3A_88 : memref<1x128xi32, #tpu.memory_space<vmem>> -> memref<128xi32, #tpu.memory_space<vmem>>
    %dma_wait3A_90 = arith.constant 0 : i32
    %dma_wait3A_91 = arith.constant 0 : i32
    %dma_wait3A_92 = tpu.memref_slice %arg6[%dma_wait3A_90, %dma_wait3A_91] : memref<10112x128xf32, #tpu.memory_space<vmem_shared>> -> memref<10112x128xf32, #tpu.memory_space<vmem_shared>>
    tpu.wait_indirect_dma semaphore(%arg17 : memref<!tpu.dma_semaphore, #tpu.memory_space<semaphore_mem>>) src(%arg11 : memref<128x128xf32, #tpu.memory_space<vmem>>) dst(%dma_wait3A_92 : memref<10112x128xf32, #tpu.memory_space<vmem_shared>>)
    %barrier3A_93 = arith.constant 0 : index
    tpu.barrier barrier_id(%barrier3A_93)
    %mul3A_94 = arith.constant 632 : i32
    %mul3A_95 = arith.muli %arg1, %mul3A_94 : i32
    %mul3A_96 = arith.constant 632 : i32
    %mul3A_97 = arith.muli %arg1, %mul3A_96 : i32
    "tpu.region"() ({
      %run_scoped3A = tpu.sem_alloc : memref<!tpu.dma_semaphore, #tpu.memory_space<semaphore_mem>>
      %dma_start3A_98 = arith.constant 0 : i32
      %dma_start3A_99 = tpu.memref_slice %arg5[%arg0, %mul3A_97, %dma_start3A_98] : memref<2x10112x128xf32, #tpu.memory_space<hbm>> -> memref<1x632x128xf32, #tpu.memory_space<hbm>>
      %dma_start3A_100 = tpu.memref_squeeze %dma_start3A_99 : memref<1x632x128xf32, #tpu.memory_space<hbm>> -> memref<632x128xf32, #tpu.memory_space<hbm>>
      %dma_start3A_101 = arith.constant 0 : i32
      %dma_start3A_102 = tpu.memref_slice %arg6[%mul3A_95, %dma_start3A_101] : memref<10112x128xf32, #tpu.memory_space<vmem_shared>> -> memref<632x128xf32, #tpu.memory_space<vmem_shared>>
      tpu.enqueue_dma source(%dma_start3A_102 : memref<632x128xf32, #tpu.memory_space<vmem_shared>>) target(%dma_start3A_100 : memref<632x128xf32, #tpu.memory_space<hbm>>) target_semaphore(%run_scoped3A : memref<!tpu.dma_semaphore, #tpu.memory_space<semaphore_mem>>)
      %dma_wait3A_103 = arith.constant 0 : i32
      %dma_wait3A_104 = tpu.memref_slice %arg5[%arg0, %mul3A_97, %dma_wait3A_103] : memref<2x10112x128xf32, #tpu.memory_space<hbm>> -> memref<1x632x128xf32, #tpu.memory_space<hbm>>
      %dma_wait3A_105 = tpu.memref_squeeze %dma_wait3A_104 : memref<1x632x128xf32, #tpu.memory_space<hbm>> -> memref<632x128xf32, #tpu.memory_space<hbm>>
      %dma_wait3A_106 = arith.constant 0 : i32
      %dma_wait3A_107 = tpu.memref_slice %arg6[%mul3A_95, %dma_wait3A_106] : memref<10112x128xf32, #tpu.memory_space<vmem_shared>> -> memref<632x128xf32, #tpu.memory_space<vmem_shared>>
      tpu.wait_dma2 semaphore(%run_scoped3A : memref<!tpu.dma_semaphore, #tpu.memory_space<semaphore_mem>>) src(%dma_wait3A_107 : memref<632x128xf32, #tpu.memory_space<vmem_shared>>) dst(%dma_wait3A_105 : memref<632x128xf32, #tpu.memory_space<hbm>>)
      tpu.yield
    }) : () -> ()
    return
  }
}

#map = affine_map<(d0, d1) -> (0, 0)>
#map1 = affine_map<(d0, d1) -> (0)>
#map2 = affine_map<(d0, d1) -> (0, 0, 0)>
module attributes {stable_mosaic.version = 14 : i64} {
  func.func @segsum(%arg0: i32, %arg1: i32, %arg2: memref<10000x128xf32, #tpu.memory_space<hbm>>, %arg3: memref<327680xi32, #tpu.memory_space<hbm>>, %arg4: memref<2560x128xi32, #tpu.memory_space<hbm>>, %arg5: memref<2x10112x128xf32, #tpu.memory_space<hbm>>, %arg6: memref<10112x128xf32, #tpu.memory_space<vmem_shared>>, %arg7: memref<80x128xi32, #tpu.memory_space<vmem>>, %arg8: memref<128xi32, #tpu.memory_space<vmem>>, %arg9: memref<128xi32, #tpu.memory_space<vmem>>, %arg10: memref<128x128xf32, #tpu.memory_space<vmem>>, %arg11: memref<128x128xf32, #tpu.memory_space<vmem>>, %arg12: memref<!tpu.dma_semaphore, #tpu.memory_space<semaphore_mem>>, %arg13: memref<!tpu.dma_semaphore, #tpu.memory_space<semaphore_mem>>, %arg14: memref<!tpu.dma_semaphore, #tpu.memory_space<semaphore_mem>>, %arg15: memref<!tpu.dma_semaphore, #tpu.memory_space<semaphore_mem>>, %arg16: memref<!tpu.dma_semaphore, #tpu.memory_space<semaphore_mem>>, %arg17: memref<!tpu.dma_semaphore, #tpu.memory_space<semaphore_mem>>) attributes {dimension_semantics = [#tpu.dimension_semantics<core_parallel>, #tpu.dimension_semantics<subcore_parallel>], iteration_bounds = array<i64: 2, 16>, scalar_prefetch = 0 : i64, scratch_operands = 12 : i64, tpu.core_type = #tpu.core_type<sc_vector_subcore>, window_params = [{transform_indices = #map}, {transform_indices = #map1}, {transform_indices = #map}, {transform_indices = #map2}]} {
    %mul3A = arith.constant 2 : i32
    %mul3A_0 = arith.muli %arg1, %mul3A : i32
    %add3A = arith.addi %mul3A_0, %arg0 : i32
    %mul3A_1 = arith.constant 10240 : i32
    %mul3A_2 = arith.muli %add3A, %mul3A_1 : i32
    %dma_start3A = tpu.memref_slice %arg3[%mul3A_2] : memref<327680xi32, #tpu.memory_space<hbm>> -> memref<128xi32, #tpu.memory_space<hbm>>
    %dma_start3A_3 = tpu.memref_slice %arg3[%mul3A_2] : memref<327680xi32, #tpu.memory_space<hbm>> -> memref<128xi32, #tpu.memory_space<hbm>>
    tpu.enqueue_dma source(%dma_start3A_3 : memref<128xi32, #tpu.memory_space<hbm>>) target(%arg8 : memref<128xi32, #tpu.memory_space<vmem>>) target_semaphore(%arg12 : memref<!tpu.dma_semaphore, #tpu.memory_space<semaphore_mem>>)
    %mul3A_4 = arith.constant 80 : i32
    %mul3A_5 = arith.muli %add3A, %mul3A_4 : i32
    "tpu.region"() ({
      %run_scoped3A = tpu.sem_alloc : memref<!tpu.dma_semaphore, #tpu.memory_space<semaphore_mem>>
      %dma_start3A_98 = arith.constant 0 : i32
      %dma_start3A_99 = tpu.memref_slice %arg4[%mul3A_5, %dma_start3A_98] : memref<2560x128xi32, #tpu.memory_space<hbm>> -> memref<80x128xi32, #tpu.memory_space<hbm>>
      %dma_start3A_100 = arith.constant 0 : i32
      %dma_start3A_101 = tpu.memref_slice %arg4[%mul3A_5, %dma_start3A_100] : memref<2560x128xi32, #tpu.memory_space<hbm>> -> memref<80x128xi32, #tpu.memory_space<hbm>>
      tpu.enqueue_dma source(%dma_start3A_101 : memref<80x128xi32, #tpu.memory_space<hbm>>) target(%arg7 : memref<80x128xi32, #tpu.memory_space<vmem>>) target_semaphore(%run_scoped3A : memref<!tpu.dma_semaphore, #tpu.memory_space<semaphore_mem>>)
      %dma_wait3A_102 = arith.constant 0 : i32
      %dma_wait3A_103 = tpu.memref_slice %arg4[%mul3A_5, %dma_wait3A_102] : memref<2560x128xi32, #tpu.memory_space<hbm>> -> memref<80x128xi32, #tpu.memory_space<hbm>>
      %dma_wait3A_104 = arith.constant 0 : i32
      %dma_wait3A_105 = tpu.memref_slice %arg4[%mul3A_5, %dma_wait3A_104] : memref<2560x128xi32, #tpu.memory_space<hbm>> -> memref<80x128xi32, #tpu.memory_space<hbm>>
      tpu.wait_dma2 semaphore(%run_scoped3A : memref<!tpu.dma_semaphore, #tpu.memory_space<semaphore_mem>>) src(%dma_wait3A_105 : memref<80x128xi32, #tpu.memory_space<hbm>>) dst(%arg7 : memref<80x128xi32, #tpu.memory_space<vmem>>)
      tpu.yield
    }) : () -> ()
    %dma_wait3A = tpu.memref_slice %arg3[%mul3A_2] : memref<327680xi32, #tpu.memory_space<hbm>> -> memref<128xi32, #tpu.memory_space<hbm>>
    %dma_wait3A_6 = tpu.memref_slice %arg3[%mul3A_2] : memref<327680xi32, #tpu.memory_space<hbm>> -> memref<128xi32, #tpu.memory_space<hbm>>
    tpu.wait_dma2 semaphore(%arg12 : memref<!tpu.dma_semaphore, #tpu.memory_space<semaphore_mem>>) src(%dma_wait3A_6 : memref<128xi32, #tpu.memory_space<hbm>>) dst(%arg8 : memref<128xi32, #tpu.memory_space<vmem>>)
    %dma_start3A_7 = arith.constant 0 : i32
    %dma_start3A_8 = arith.constant 0 : i32
    %dma_start3A_9 = tpu.memref_slice %arg2[%dma_start3A_7, %dma_start3A_8] : memref<10000x128xf32, #tpu.memory_space<hbm>> -> memref<10000x128xf32, #tpu.memory_space<hbm>>
    tpu.enqueue_indirect_dma source(%dma_start3A_9 : memref<10000x128xf32, #tpu.memory_space<hbm>>) target(%arg10 : memref<128x128xf32, #tpu.memory_space<vmem>>) offsets(%arg8 : memref<128xi32, #tpu.memory_space<vmem>>) semaphore(%arg14 : memref<!tpu.dma_semaphore, #tpu.memory_space<semaphore_mem>>)
    %add3A_10 = arith.constant 128 : i32
    %add3A_11 = arith.addi %mul3A_2, %add3A_10 : i32
    %dma_start3A_12 = tpu.memref_slice %arg3[%add3A_11] : memref<327680xi32, #tpu.memory_space<hbm>> -> memref<128xi32, #tpu.memory_space<hbm>>
    %dma_start3A_13 = tpu.memref_slice %arg3[%add3A_11] : memref<327680xi32, #tpu.memory_space<hbm>> -> memref<128xi32, #tpu.memory_space<hbm>>
    tpu.enqueue_dma source(%dma_start3A_13 : memref<128xi32, #tpu.memory_space<hbm>>) target(%arg9 : memref<128xi32, #tpu.memory_space<vmem>>) target_semaphore(%arg13 : memref<!tpu.dma_semaphore, #tpu.memory_space<semaphore_mem>>)
    %broadcast_in_dim3A = arith.constant 0.000000e+00 : f32
    %broadcast_in_dim3A_14 = vector.broadcast %broadcast_in_dim3A : f32 to vector<16xf32>
    %scan3A = arith.constant 0 : i32
    %scan3A_15 = arith.constant 0 : i32
    %scan3A_16 = arith.constant 128 : i32
    %scan3A_17 = arith.addi %scan3A_15, %scan3A_16 : i32
    %scan3A_18 = arith.constant 1 : i32
    %scan3A_19 = scf.for %scan3A_98 = %scan3A_15 to %scan3A_17 step %scan3A_18 iter_args(%scan3A_99 = %scan3A) -> (i32)  : i32 {
      %swap3A = arith.index_cast %scan3A_98 : i32 to index
      %swap3A_100 = arith.constant 0 : index
      %swap3A_101 = tpu.vector_load %arg11[%swap3A, %swap3A_100] {strides = array<i32>} : memref<128x128xf32, #tpu.memory_space<vmem>>, vector<1x16xf32>,
      %swap3A_102 = vector.shape_cast %swap3A_101 : vector<1x16xf32> to vector<16xf32>
      %swap3A_103 = vector.shape_cast %broadcast_in_dim3A_14 : vector<16xf32> to vector<1x16xf32>
      tpu.vector_store %arg11[%swap3A, %swap3A_100], %swap3A_103 {strides = array<i32>} : memref<128x128xf32, #tpu.memory_space<vmem>>, vector<1x16xf32>,
      %swap3A_104 = arith.index_cast %scan3A_98 : i32 to index
      %swap3A_105 = arith.constant 16 : index
      %swap3A_106 = tpu.vector_load %arg11[%swap3A_104, %swap3A_105] {strides = array<i32>} : memref<128x128xf32, #tpu.memory_space<vmem>>, vector<1x16xf32>,
      %swap3A_107 = vector.shape_cast %swap3A_106 : vector<1x16xf32> to vector<16xf32>
      %swap3A_108 = vector.shape_cast %broadcast_in_dim3A_14 : vector<16xf32> to vector<1x16xf32>
      tpu.vector_store %arg11[%swap3A_104, %swap3A_105], %swap3A_108 {strides = array<i32>} : memref<128x128xf32, #tpu.memory_space<vmem>>, vector<1x16xf32>,
      %swap3A_109 = arith.index_cast %scan3A_98 : i32 to index
      %swap3A_110 = arith.constant 32 : index
      %swap3A_111 = tpu.vector_load %arg11[%swap3A_109, %swap3A_110] {strides = array<i32>} : memref<128x128xf32, #tpu.memory_space<vmem>>, vector<1x16xf32>,
      %swap3A_112 = vector.shape_cast %swap3A_111 : vector<1x16xf32> to vector<16xf32>
      %swap3A_113 = vector.shape_cast %broadcast_in_dim3A_14 : vector<16xf32> to vector<1x16xf32>
      tpu.vector_store %arg11[%swap3A_109, %swap3A_110], %swap3A_113 {strides = array<i32>} : memref<128x128xf32, #tpu.memory_space<vmem>>, vector<1x16xf32>,
      %swap3A_114 = arith.index_cast %scan3A_98 : i32 to index
      %swap3A_115 = arith.constant 48 : index
      %swap3A_116 = tpu.vector_load %arg11[%swap3A_114, %swap3A_115] {strides = array<i32>} : memref<128x128xf32, #tpu.memory_space<vmem>>, vector<1x16xf32>,
      %swap3A_117 = vector.shape_cast %swap3A_116 : vector<1x16xf32> to vector<16xf32>
      %swap3A_118 = vector.shape_cast %broadcast_in_dim3A_14 : vector<16xf32> to vector<1x16xf32>
      tpu.vector_store %arg11[%swap3A_114, %swap3A_115], %swap3A_118 {strides = array<i32>} : memref<128x128xf32, #tpu.memory_space<vmem>>, vector<1x16xf32>,
      %swap3A_119 = arith.index_cast %scan3A_98 : i32 to index
      %swap3A_120 = arith.constant 64 : index
      %swap3A_121 = tpu.vector_load %arg11[%swap3A_119, %swap3A_120] {strides = array<i32>} : memref<128x128xf32, #tpu.memory_space<vmem>>, vector<1x16xf32>,
      %swap3A_122 = vector.shape_cast %swap3A_121 : vector<1x16xf32> to vector<16xf32>
      %swap3A_123 = vector.shape_cast %broadcast_in_dim3A_14 : vector<16xf32> to vector<1x16xf32>
      tpu.vector_store %arg11[%swap3A_119, %swap3A_120], %swap3A_123 {strides = array<i32>} : memref<128x128xf32, #tpu.memory_space<vmem>>, vector<1x16xf32>,
      %swap3A_124 = arith.index_cast %scan3A_98 : i32 to index
      %swap3A_125 = arith.constant 80 : index
      %swap3A_126 = tpu.vector_load %arg11[%swap3A_124, %swap3A_125] {strides = array<i32>} : memref<128x128xf32, #tpu.memory_space<vmem>>, vector<1x16xf32>,
      %swap3A_127 = vector.shape_cast %swap3A_126 : vector<1x16xf32> to vector<16xf32>
      %swap3A_128 = vector.shape_cast %broadcast_in_dim3A_14 : vector<16xf32> to vector<1x16xf32>
      tpu.vector_store %arg11[%swap3A_124, %swap3A_125], %swap3A_128 {strides = array<i32>} : memref<128x128xf32, #tpu.memory_space<vmem>>, vector<1x16xf32>,
      %swap3A_129 = arith.index_cast %scan3A_98 : i32 to index
      %swap3A_130 = arith.constant 96 : index
      %swap3A_131 = tpu.vector_load %arg11[%swap3A_129, %swap3A_130] {strides = array<i32>} : memref<128x128xf32, #tpu.memory_space<vmem>>, vector<1x16xf32>,
      %swap3A_132 = vector.shape_cast %swap3A_131 : vector<1x16xf32> to vector<16xf32>
      %swap3A_133 = vector.shape_cast %broadcast_in_dim3A_14 : vector<16xf32> to vector<1x16xf32>
      tpu.vector_store %arg11[%swap3A_129, %swap3A_130], %swap3A_133 {strides = array<i32>} : memref<128x128xf32, #tpu.memory_space<vmem>>, vector<1x16xf32>,
      %swap3A_134 = arith.index_cast %scan3A_98 : i32 to index
      %swap3A_135 = arith.constant 112 : index
      %swap3A_136 = tpu.vector_load %arg11[%swap3A_134, %swap3A_135] {strides = array<i32>} : memref<128x128xf32, #tpu.memory_space<vmem>>, vector<1x16xf32>,
      %swap3A_137 = vector.shape_cast %swap3A_136 : vector<1x16xf32> to vector<16xf32>
      %swap3A_138 = vector.shape_cast %broadcast_in_dim3A_14 : vector<16xf32> to vector<1x16xf32>
      tpu.vector_store %arg11[%swap3A_134, %swap3A_135], %swap3A_138 {strides = array<i32>} : memref<128x128xf32, #tpu.memory_space<vmem>>, vector<1x16xf32>,
      %scan3A_139 = arith.constant 0 : i32
      scf.yield %scan3A_139 : i32
    }
    %scan3A_20 = arith.constant 128 : i32
    %mul3A_21 = arith.constant 632 : i32
    %mul3A_22 = arith.muli %arg1, %mul3A_21 : i32
    %add3A_23 = arith.constant 0 : i32
    %add3A_24 = arith.addi %mul3A_22, %add3A_23 : i32
    "tpu.region"() ({
      %run_scoped3A = tpu.sem_alloc : memref<!tpu.dma_semaphore, #tpu.memory_space<semaphore_mem>>
      %dma_start3A_98 = arith.constant 0 : i32
      %dma_start3A_99 = tpu.memref_slice %arg6[%add3A_24, %dma_start3A_98] : memref<10112x128xf32, #tpu.memory_space<vmem_shared>> -> memref<128x128xf32, #tpu.memory_space<vmem_shared>>
      %dma_start3A_100 = arith.constant 0 : i32
      %dma_start3A_101 = tpu.memref_slice %arg6[%add3A_24, %dma_start3A_100] : memref<10112x128xf32, #tpu.memory_space<vmem_shared>> -> memref<128x128xf32, #tpu.memory_space<vmem_shared>>
      tpu.enqueue_dma source(%arg11 : memref<128x128xf32, #tpu.memory_space<vmem>>) target(%dma_start3A_101 : memref<128x128xf32, #tpu.memory_space<vmem_shared>>) target_semaphore(%run_scoped3A : memref<!tpu.dma_semaphore, #tpu.memory_space<semaphore_mem>>)
      %dma_wait3A_102 = arith.constant 0 : i32
      %dma_wait3A_103 = tpu.memref_slice %arg6[%add3A_24, %dma_wait3A_102] : memref<10112x128xf32, #tpu.memory_space<vmem_shared>> -> memref<128x128xf32, #tpu.memory_space<vmem_shared>>
      %dma_wait3A_104 = arith.constant 0 : i32
      %dma_wait3A_105 = tpu.memref_slice %arg6[%add3A_24, %dma_wait3A_104] : memref<10112x128xf32, #tpu.memory_space<vmem_shared>> -> memref<128x128xf32, #tpu.memory_space<vmem_shared>>
      tpu.wait_dma2 semaphore(%run_scoped3A : memref<!tpu.dma_semaphore, #tpu.memory_space<semaphore_mem>>) src(%arg11 : memref<128x128xf32, #tpu.memory_space<vmem>>) dst(%dma_wait3A_105 : memref<128x128xf32, #tpu.memory_space<vmem_shared>>)
      tpu.yield
    }) : () -> ()
    %mul3A_25 = arith.constant 632 : i32
    %mul3A_26 = arith.muli %arg1, %mul3A_25 : i32
    %add3A_27 = arith.constant 128 : i32
    %add3A_28 = arith.addi %mul3A_26, %add3A_27 : i32
    "tpu.region"() ({
      %run_scoped3A = tpu.sem_alloc : memref<!tpu.dma_semaphore, #tpu.memory_space<semaphore_mem>>
      %dma_start3A_98 = arith.constant 0 : i32
      %dma_start3A_99 = tpu.memref_slice %arg6[%add3A_28, %dma_start3A_98] : memref<10112x128xf32, #tpu.memory_space<vmem_shared>> -> memref<128x128xf32, #tpu.memory_space<vmem_shared>>
      %dma_start3A_100 = arith.constant 0 : i32
      %dma_start3A_101 = tpu.memref_slice %arg6[%add3A_28, %dma_start3A_100] : memref<10112x128xf32, #tpu.memory_space<vmem_shared>> -> memref<128x128xf32, #tpu.memory_space<vmem_shared>>
      tpu.enqueue_dma source(%arg11 : memref<128x128xf32, #tpu.memory_space<vmem>>) target(%dma_start3A_101 : memref<128x128xf32, #tpu.memory_space<vmem_shared>>) target_semaphore(%run_scoped3A : memref<!tpu.dma_semaphore, #tpu.memory_space<semaphore_mem>>)
      %dma_wait3A_102 = arith.constant 0 : i32
      %dma_wait3A_103 = tpu.memref_slice %arg6[%add3A_28, %dma_wait3A_102] : memref<10112x128xf32, #tpu.memory_space<vmem_shared>> -> memref<128x128xf32, #tpu.memory_space<vmem_shared>>
      %dma_wait3A_104 = arith.constant 0 : i32
      %dma_wait3A_105 = tpu.memref_slice %arg6[%add3A_28, %dma_wait3A_104] : memref<10112x128xf32, #tpu.memory_space<vmem_shared>> -> memref<128x128xf32, #tpu.memory_space<vmem_shared>>
      tpu.wait_dma2 semaphore(%run_scoped3A : memref<!tpu.dma_semaphore, #tpu.memory_space<semaphore_mem>>) src(%arg11 : memref<128x128xf32, #tpu.memory_space<vmem>>) dst(%dma_wait3A_105 : memref<128x128xf32, #tpu.memory_space<vmem_shared>>)
      tpu.yield
    }) : () -> ()
    %mul3A_29 = arith.constant 632 : i32
    %mul3A_30 = arith.muli %arg1, %mul3A_29 : i32
    %add3A_31 = arith.constant 256 : i32
    %add3A_32 = arith.addi %mul3A_30, %add3A_31 : i32
    "tpu.region"() ({
      %run_scoped3A = tpu.sem_alloc : memref<!tpu.dma_semaphore, #tpu.memory_space<semaphore_mem>>
      %dma_start3A_98 = arith.constant 0 : i32
      %dma_start3A_99 = tpu.memref_slice %arg6[%add3A_32, %dma_start3A_98] : memref<10112x128xf32, #tpu.memory_space<vmem_shared>> -> memref<128x128xf32, #tpu.memory_space<vmem_shared>>
      %dma_start3A_100 = arith.constant 0 : i32
      %dma_start3A_101 = tpu.memref_slice %arg6[%add3A_32, %dma_start3A_100] : memref<10112x128xf32, #tpu.memory_space<vmem_shared>> -> memref<128x128xf32, #tpu.memory_space<vmem_shared>>
      tpu.enqueue_dma source(%arg11 : memref<128x128xf32, #tpu.memory_space<vmem>>) target(%dma_start3A_101 : memref<128x128xf32, #tpu.memory_space<vmem_shared>>) target_semaphore(%run_scoped3A : memref<!tpu.dma_semaphore, #tpu.memory_space<semaphore_mem>>)
      %dma_wait3A_102 = arith.constant 0 : i32
      %dma_wait3A_103 = tpu.memref_slice %arg6[%add3A_32, %dma_wait3A_102] : memref<10112x128xf32, #tpu.memory_space<vmem_shared>> -> memref<128x128xf32, #tpu.memory_space<vmem_shared>>
      %dma_wait3A_104 = arith.constant 0 : i32
      %dma_wait3A_105 = tpu.memref_slice %arg6[%add3A_32, %dma_wait3A_104] : memref<10112x128xf32, #tpu.memory_space<vmem_shared>> -> memref<128x128xf32, #tpu.memory_space<vmem_shared>>
      tpu.wait_dma2 semaphore(%run_scoped3A : memref<!tpu.dma_semaphore, #tpu.memory_space<semaphore_mem>>) src(%arg11 : memref<128x128xf32, #tpu.memory_space<vmem>>) dst(%dma_wait3A_105 : memref<128x128xf32, #tpu.memory_space<vmem_shared>>)
      tpu.yield
    }) : () -> ()
    %mul3A_33 = arith.constant 632 : i32
    %mul3A_34 = arith.muli %arg1, %mul3A_33 : i32
    %add3A_35 = arith.constant 384 : i32
    %add3A_36 = arith.addi %mul3A_34, %add3A_35 : i32
    "tpu.region"() ({
      %run_scoped3A = tpu.sem_alloc : memref<!tpu.dma_semaphore, #tpu.memory_space<semaphore_mem>>
      %dma_start3A_98 = arith.constant 0 : i32
      %dma_start3A_99 = tpu.memref_slice %arg6[%add3A_36, %dma_start3A_98] : memref<10112x128xf32, #tpu.memory_space<vmem_shared>> -> memref<128x128xf32, #tpu.memory_space<vmem_shared>>
      %dma_start3A_100 = arith.constant 0 : i32
      %dma_start3A_101 = tpu.memref_slice %arg6[%add3A_36, %dma_start3A_100] : memref<10112x128xf32, #tpu.memory_space<vmem_shared>> -> memref<128x128xf32, #tpu.memory_space<vmem_shared>>
      tpu.enqueue_dma source(%arg11 : memref<128x128xf32, #tpu.memory_space<vmem>>) target(%dma_start3A_101 : memref<128x128xf32, #tpu.memory_space<vmem_shared>>) target_semaphore(%run_scoped3A : memref<!tpu.dma_semaphore, #tpu.memory_space<semaphore_mem>>)
      %dma_wait3A_102 = arith.constant 0 : i32
      %dma_wait3A_103 = tpu.memref_slice %arg6[%add3A_36, %dma_wait3A_102] : memref<10112x128xf32, #tpu.memory_space<vmem_shared>> -> memref<128x128xf32, #tpu.memory_space<vmem_shared>>
      %dma_wait3A_104 = arith.constant 0 : i32
      %dma_wait3A_105 = tpu.memref_slice %arg6[%add3A_36, %dma_wait3A_104] : memref<10112x128xf32, #tpu.memory_space<vmem_shared>> -> memref<128x128xf32, #tpu.memory_space<vmem_shared>>
      tpu.wait_dma2 semaphore(%run_scoped3A : memref<!tpu.dma_semaphore, #tpu.memory_space<semaphore_mem>>) src(%arg11 : memref<128x128xf32, #tpu.memory_space<vmem>>) dst(%dma_wait3A_105 : memref<128x128xf32, #tpu.memory_space<vmem_shared>>)
      tpu.yield
    }) : () -> ()
    %mul3A_37 = arith.constant 632 : i32
    %mul3A_38 = arith.muli %arg1, %mul3A_37 : i32
    %add3A_39 = arith.constant 512 : i32
    %add3A_40 = arith.addi %mul3A_38, %add3A_39 : i32
    "tpu.region"() ({
      %run_scoped3A = tpu.sem_alloc : memref<!tpu.dma_semaphore, #tpu.memory_space<semaphore_mem>>
      %dma_start3A_98 = arith.constant 0 : i32
      %dma_start3A_99 = arith.constant 0 : i32
      %dma_start3A_100 = tpu.memref_slice %arg11[%dma_start3A_98, %dma_start3A_99] : memref<128x128xf32, #tpu.memory_space<vmem>> -> memref<120x128xf32, #tpu.memory_space<vmem>>
      %dma_start3A_101 = arith.constant 0 : i32
      %dma_start3A_102 = tpu.memref_slice %arg6[%add3A_40, %dma_start3A_101] : memref<10112x128xf32, #tpu.memory_space<vmem_shared>> -> memref<120x128xf32, #tpu.memory_space<vmem_shared>>
      %dma_start3A_103 = arith.constant 0 : i32
      %dma_start3A_104 = tpu.memref_slice %arg6[%add3A_40, %dma_start3A_103] : memref<10112x128xf32, #tpu.memory_space<vmem_shared>> -> memref<120x128xf32, #tpu.memory_space<vmem_shared>>
      %dma_start3A_105 = arith.constant 0 : i32
      %dma_start3A_106 = arith.constant 0 : i32
      %dma_start3A_107 = tpu.memref_slice %arg11[%dma_start3A_105, %dma_start3A_106] : memref<128x128xf32, #tpu.memory_space<vmem>> -> memref<120x128xf32, #tpu.memory_space<vmem>>
      tpu.enqueue_dma source(%dma_start3A_107 : memref<120x128xf32, #tpu.memory_space<vmem>>) target(%dma_start3A_104 : memref<120x128xf32, #tpu.memory_space<vmem_shared>>) target_semaphore(%run_scoped3A : memref<!tpu.dma_semaphore, #tpu.memory_space<semaphore_mem>>)
      %dma_wait3A_108 = arith.constant 0 : i32
      %dma_wait3A_109 = arith.constant 0 : i32
      %dma_wait3A_110 = tpu.memref_slice %arg11[%dma_wait3A_108, %dma_wait3A_109] : memref<128x128xf32, #tpu.memory_space<vmem>> -> memref<120x128xf32, #tpu.memory_space<vmem>>
      %dma_wait3A_111 = arith.constant 0 : i32
      %dma_wait3A_112 = tpu.memref_slice %arg6[%add3A_40, %dma_wait3A_111] : memref<10112x128xf32, #tpu.memory_space<vmem_shared>> -> memref<120x128xf32, #tpu.memory_space<vmem_shared>>
      %dma_wait3A_113 = arith.constant 0 : i32
      %dma_wait3A_114 = tpu.memref_slice %arg6[%add3A_40, %dma_wait3A_113] : memref<10112x128xf32, #tpu.memory_space<vmem_shared>> -> memref<120x128xf32, #tpu.memory_space<vmem_shared>>
      %dma_wait3A_115 = arith.constant 0 : i32
      %dma_wait3A_116 = arith.constant 0 : i32
      %dma_wait3A_117 = tpu.memref_slice %arg11[%dma_wait3A_115, %dma_wait3A_116] : memref<128x128xf32, #tpu.memory_space<vmem>> -> memref<120x128xf32, #tpu.memory_space<vmem>>
      tpu.wait_dma2 semaphore(%run_scoped3A : memref<!tpu.dma_semaphore, #tpu.memory_space<semaphore_mem>>) src(%dma_wait3A_117 : memref<120x128xf32, #tpu.memory_space<vmem>>) dst(%dma_wait3A_114 : memref<120x128xf32, #tpu.memory_space<vmem_shared>>)
      tpu.yield
    }) : () -> ()
    %barrier3A = arith.constant 0 : index
    tpu.barrier barrier_id(%barrier3A)
    %dma_wait3A_41 = tpu.memref_slice %arg3[%mul3A_2] : memref<327680xi32, #tpu.memory_space<hbm>> -> memref<128xi32, #tpu.memory_space<hbm>>
    %dma_wait3A_42 = tpu.memref_slice %arg3[%mul3A_2] : memref<327680xi32, #tpu.memory_space<hbm>> -> memref<128xi32, #tpu.memory_space<hbm>>
    tpu.wait_dma2 semaphore(%arg13 : memref<!tpu.dma_semaphore, #tpu.memory_space<semaphore_mem>>) src(%dma_wait3A_42 : memref<128xi32, #tpu.memory_space<hbm>>) dst(%arg9 : memref<128xi32, #tpu.memory_space<vmem>>)
    %dma_start3A_43 = arith.constant 0 : i32
    %dma_start3A_44 = arith.constant 0 : i32
    %dma_start3A_45 = tpu.memref_slice %arg2[%dma_start3A_43, %dma_start3A_44] : memref<10000x128xf32, #tpu.memory_space<hbm>> -> memref<10000x128xf32, #tpu.memory_space<hbm>>
    tpu.enqueue_indirect_dma source(%dma_start3A_45 : memref<10000x128xf32, #tpu.memory_space<hbm>>) target(%arg11 : memref<128x128xf32, #tpu.memory_space<vmem>>) offsets(%arg9 : memref<128xi32, #tpu.memory_space<vmem>>) semaphore(%arg15 : memref<!tpu.dma_semaphore, #tpu.memory_space<semaphore_mem>>)
    %dma_wait3A_46 = arith.constant 0 : i32
    %dma_wait3A_47 = arith.constant 0 : i32
    %dma_wait3A_48 = tpu.memref_slice %arg2[%dma_wait3A_46, %dma_wait3A_47] : memref<10000x128xf32, #tpu.memory_space<hbm>> -> memref<10000x128xf32, #tpu.memory_space<hbm>>
    tpu.wait_indirect_dma semaphore(%arg14 : memref<!tpu.dma_semaphore, #tpu.memory_space<semaphore_mem>>) src(%dma_wait3A_48 : memref<10000x128xf32, #tpu.memory_space<hbm>>) dst(%arg10 : memref<128x128xf32, #tpu.memory_space<vmem>>)
    %add3A_49 = arith.constant 256 : i32
    %add3A_50 = arith.addi %mul3A_2, %add3A_49 : i32
    %dma_start3A_51 = tpu.memref_slice %arg3[%add3A_50] : memref<327680xi32, #tpu.memory_space<hbm>> -> memref<128xi32, #tpu.memory_space<hbm>>
    %dma_start3A_52 = tpu.memref_slice %arg3[%add3A_50] : memref<327680xi32, #tpu.memory_space<hbm>> -> memref<128xi32, #tpu.memory_space<hbm>>
    tpu.enqueue_dma source(%dma_start3A_52 : memref<128xi32, #tpu.memory_space<hbm>>) target(%arg8 : memref<128xi32, #tpu.memory_space<vmem>>) target_semaphore(%arg12 : memref<!tpu.dma_semaphore, #tpu.memory_space<semaphore_mem>>)
    %dma_start3A_53 = arith.constant 0 : i32
    %dma_start3A_54 = arith.constant 0 : i32
    %dma_start3A_55 = tpu.memref_slice %arg7[%dma_start3A_53, %dma_start3A_54] : memref<80x128xi32, #tpu.memory_space<vmem>> -> memref<1x128xi32, #tpu.memory_space<vmem>>
    %dma_start3A_56 = tpu.memref_squeeze %dma_start3A_55 : memref<1x128xi32, #tpu.memory_space<vmem>> -> memref<128xi32, #tpu.memory_space<vmem>>
    %dma_start3A_57 = arith.constant 0 : i32
    %dma_start3A_58 = arith.constant 0 : i32
    %dma_start3A_59 = tpu.memref_slice %arg6[%dma_start3A_57, %dma_start3A_58] : memref<10112x128xf32, #tpu.memory_space<vmem_shared>> -> memref<10112x128xf32, #tpu.memory_space<vmem_shared>>
    tpu.enqueue_indirect_dma source(%arg10 : memref<128x128xf32, #tpu.memory_space<vmem>>) target(%dma_start3A_59 : memref<10112x128xf32, #tpu.memory_space<vmem_shared>>) offsets(%dma_start3A_56 : memref<128xi32, #tpu.memory_space<vmem>>) semaphore(%arg16 : memref<!tpu.dma_semaphore, #tpu.memory_space<semaphore_mem>>) {add = true}
    %scan3A_60 = arith.constant 0 : i32
    %scan3A_61 = arith.constant 1 : i32
    %scan3A_62 = arith.constant 39 : i32
    %scan3A_63 = arith.addi %scan3A_61, %scan3A_62 : i32
    %scan3A_64 = arith.constant 1 : i32
    %scan3A_65 = scf.for %scan3A_98 = %scan3A_61 to %scan3A_63 step %scan3A_64 iter_args(%scan3A_99 = %scan3A_60) -> (i32)  : i32 {
      %mul3A_100 = arith.constant 2 : i32
      %mul3A_101 = arith.muli %mul3A_100, %scan3A_98 : i32
      %add3A_102 = arith.constant 1 : i32
      %add3A_103 = arith.addi %mul3A_101, %add3A_102 : i32
      %add3A_104 = arith.constant 1 : i32
      %add3A_105 = arith.addi %add3A_103, %add3A_104 : i32
      %min3A = arith.constant 79 : i32
      %min3A_106 = arith.minsi %add3A_105, %min3A : i32
      %dma_wait3A_107 = tpu.memref_slice %arg3[%mul3A_2] : memref<327680xi32, #tpu.memory_space<hbm>> -> memref<128xi32, #tpu.memory_space<hbm>>
      %dma_wait3A_108 = tpu.memref_slice %arg3[%mul3A_2] : memref<327680xi32, #tpu.memory_space<hbm>> -> memref<128xi32, #tpu.memory_space<hbm>>
      tpu.wait_dma2 semaphore(%arg12 : memref<!tpu.dma_semaphore, #tpu.memory_space<semaphore_mem>>) src(%dma_wait3A_108 : memref<128xi32, #tpu.memory_space<hbm>>) dst(%arg8 : memref<128xi32, #tpu.memory_space<vmem>>)
      %dma_wait3A_109 = arith.constant 0 : i32
      %dma_wait3A_110 = tpu.memref_slice %arg7[%mul3A_101, %dma_wait3A_109] : memref<80x128xi32, #tpu.memory_space<vmem>> -> memref<1x128xi32, #tpu.memory_space<vmem>>
      %dma_wait3A_111 = tpu.memref_squeeze %dma_wait3A_110 : memref<1x128xi32, #tpu.memory_space<vmem>> -> memref<128xi32, #tpu.memory_space<vmem>>
      %dma_wait3A_112 = arith.constant 0 : i32
      %dma_wait3A_113 = arith.constant 0 : i32
      %dma_wait3A_114 = tpu.memref_slice %arg6[%dma_wait3A_112, %dma_wait3A_113] : memref<10112x128xf32, #tpu.memory_space<vmem_shared>> -> memref<10112x128xf32, #tpu.memory_space<vmem_shared>>
      tpu.wait_indirect_dma semaphore(%arg16 : memref<!tpu.dma_semaphore, #tpu.memory_space<semaphore_mem>>) src(%arg10 : memref<128x128xf32, #tpu.memory_space<vmem>>) dst(%dma_wait3A_114 : memref<10112x128xf32, #tpu.memory_space<vmem_shared>>)
      %dma_start3A_115 = arith.constant 0 : i32
      %dma_start3A_116 = arith.constant 0 : i32
      %dma_start3A_117 = tpu.memref_slice %arg2[%dma_start3A_115, %dma_start3A_116] : memref<10000x128xf32, #tpu.memory_space<hbm>> -> memref<10000x128xf32, #tpu.memory_space<hbm>>
      tpu.enqueue_indirect_dma source(%dma_start3A_117 : memref<10000x128xf32, #tpu.memory_space<hbm>>) target(%arg10 : memref<128x128xf32, #tpu.memory_space<vmem>>) offsets(%arg8 : memref<128xi32, #tpu.memory_space<vmem>>) semaphore(%arg14 : memref<!tpu.dma_semaphore, #tpu.memory_space<semaphore_mem>>)
      %dma_wait3A_118 = arith.constant 0 : i32
      %dma_wait3A_119 = arith.constant 0 : i32
      %dma_wait3A_120 = tpu.memref_slice %arg2[%dma_wait3A_118, %dma_wait3A_119] : memref<10000x128xf32, #tpu.memory_space<hbm>> -> memref<10000x128xf32, #tpu.memory_space<hbm>>
      tpu.wait_indirect_dma semaphore(%arg15 : memref<!tpu.dma_semaphore, #tpu.memory_space<semaphore_mem>>) src(%dma_wait3A_120 : memref<10000x128xf32, #tpu.memory_space<hbm>>) dst(%arg11 : memref<128x128xf32, #tpu.memory_space<vmem>>)
      %mul3A_121 = arith.constant 128 : i32
      %mul3A_122 = arith.muli %add3A_103, %mul3A_121 : i32
      %add3A_123 = arith.addi %mul3A_2, %mul3A_122 : i32
      %dma_start3A_124 = tpu.memref_slice %arg3[%add3A_123] : memref<327680xi32, #tpu.memory_space<hbm>> -> memref<128xi32, #tpu.memory_space<hbm>>
      %dma_start3A_125 = tpu.memref_slice %arg3[%add3A_123] : memref<327680xi32, #tpu.memory_space<hbm>> -> memref<128xi32, #tpu.memory_space<hbm>>
      tpu.enqueue_dma source(%dma_start3A_125 : memref<128xi32, #tpu.memory_space<hbm>>) target(%arg9 : memref<128xi32, #tpu.memory_space<vmem>>) target_semaphore(%arg13 : memref<!tpu.dma_semaphore, #tpu.memory_space<semaphore_mem>>)
      %sub3A = arith.constant 1 : i32
      %sub3A_126 = arith.subi %mul3A_101, %sub3A : i32
      %dma_start3A_127 = arith.constant 0 : i32
      %dma_start3A_128 = tpu.memref_slice %arg7[%sub3A_126, %dma_start3A_127] : memref<80x128xi32, #tpu.memory_space<vmem>> -> memref<1x128xi32, #tpu.memory_space<vmem>>
      %dma_start3A_129 = tpu.memref_squeeze %dma_start3A_128 : memref<1x128xi32, #tpu.memory_space<vmem>> -> memref<128xi32, #tpu.memory_space<vmem>>
      %dma_start3A_130 = arith.constant 0 : i32
      %dma_start3A_131 = arith.constant 0 : i32
      %dma_start3A_132 = tpu.memref_slice %arg6[%dma_start3A_130, %dma_start3A_131] : memref<10112x128xf32, #tpu.memory_space<vmem_shared>> -> memref<10112x128xf32, #tpu.memory_space<vmem_shared>>
      tpu.enqueue_indirect_dma source(%arg11 : memref<128x128xf32, #tpu.memory_space<vmem>>) target(%dma_start3A_132 : memref<10112x128xf32, #tpu.memory_space<vmem_shared>>) offsets(%dma_start3A_129 : memref<128xi32, #tpu.memory_space<vmem>>) semaphore(%arg17 : memref<!tpu.dma_semaphore, #tpu.memory_space<semaphore_mem>>) {add = true}
      %dma_wait3A_133 = tpu.memref_slice %arg3[%mul3A_2] : memref<327680xi32, #tpu.memory_space<hbm>> -> memref<128xi32, #tpu.memory_space<hbm>>
      %dma_wait3A_134 = tpu.memref_slice %arg3[%mul3A_2] : memref<327680xi32, #tpu.memory_space<hbm>> -> memref<128xi32, #tpu.memory_space<hbm>>
      tpu.wait_dma2 semaphore(%arg13 : memref<!tpu.dma_semaphore, #tpu.memory_space<semaphore_mem>>) src(%dma_wait3A_134 : memref<128xi32, #tpu.memory_space<hbm>>) dst(%arg9 : memref<128xi32, #tpu.memory_space<vmem>>)
      %dma_wait3A_135 = arith.constant 0 : i32
      %dma_wait3A_136 = tpu.memref_slice %arg7[%add3A_103, %dma_wait3A_135] : memref<80x128xi32, #tpu.memory_space<vmem>> -> memref<1x128xi32, #tpu.memory_space<vmem>>
      %dma_wait3A_137 = tpu.memref_squeeze %dma_wait3A_136 : memref<1x128xi32, #tpu.memory_space<vmem>> -> memref<128xi32, #tpu.memory_space<vmem>>
      %dma_wait3A_138 = arith.constant 0 : i32
      %dma_wait3A_139 = arith.constant 0 : i32
      %dma_wait3A_140 = tpu.memref_slice %arg6[%dma_wait3A_138, %dma_wait3A_139] : memref<10112x128xf32, #tpu.memory_space<vmem_shared>> -> memref<10112x128xf32, #tpu.memory_space<vmem_shared>>
      tpu.wait_indirect_dma semaphore(%arg17 : memref<!tpu.dma_semaphore, #tpu.memory_space<semaphore_mem>>) src(%arg11 : memref<128x128xf32, #tpu.memory_space<vmem>>) dst(%dma_wait3A_140 : memref<10112x128xf32, #tpu.memory_space<vmem_shared>>)
      %dma_start3A_141 = arith.constant 0 : i32
      %dma_start3A_142 = arith.constant 0 : i32
      %dma_start3A_143 = tpu.memref_slice %arg2[%dma_start3A_141, %dma_start3A_142] : memref<10000x128xf32, #tpu.memory_space<hbm>> -> memref<10000x128xf32, #tpu.memory_space<hbm>>
      tpu.enqueue_indirect_dma source(%dma_start3A_143 : memref<10000x128xf32, #tpu.memory_space<hbm>>) target(%arg11 : memref<128x128xf32, #tpu.memory_space<vmem>>) offsets(%arg9 : memref<128xi32, #tpu.memory_space<vmem>>) semaphore(%arg15 : memref<!tpu.dma_semaphore, #tpu.memory_space<semaphore_mem>>)
      %dma_wait3A_144 = arith.constant 0 : i32
      %dma_wait3A_145 = arith.constant 0 : i32
      %dma_wait3A_146 = tpu.memref_slice %arg2[%dma_wait3A_144, %dma_wait3A_145] : memref<10000x128xf32, #tpu.memory_space<hbm>> -> memref<10000x128xf32, #tpu.memory_space<hbm>>
      tpu.wait_indirect_dma semaphore(%arg14 : memref<!tpu.dma_semaphore, #tpu.memory_space<semaphore_mem>>) src(%dma_wait3A_146 : memref<10000x128xf32, #tpu.memory_space<hbm>>) dst(%arg10 : memref<128x128xf32, #tpu.memory_space<vmem>>)
      %mul3A_147 = arith.constant 128 : i32
      %mul3A_148 = arith.muli %min3A_106, %mul3A_147 : i32
      %add3A_149 = arith.addi %mul3A_2, %mul3A_148 : i32
      %dma_start3A_150 = tpu.memref_slice %arg3[%add3A_149] : memref<327680xi32, #tpu.memory_space<hbm>> -> memref<128xi32, #tpu.memory_space<hbm>>
      %dma_start3A_151 = tpu.memref_slice %arg3[%add3A_149] : memref<327680xi32, #tpu.memory_space<hbm>> -> memref<128xi32, #tpu.memory_space<hbm>>
      tpu.enqueue_dma source(%dma_start3A_151 : memref<128xi32, #tpu.memory_space<hbm>>) target(%arg8 : memref<128xi32, #tpu.memory_space<vmem>>) target_semaphore(%arg12 : memref<!tpu.dma_semaphore, #tpu.memory_space<semaphore_mem>>)
      %dma_start3A_152 = arith.constant 0 : i32
      %dma_start3A_153 = tpu.memref_slice %arg7[%mul3A_101, %dma_start3A_152] : memref<80x128xi32, #tpu.memory_space<vmem>> -> memref<1x128xi32, #tpu.memory_space<vmem>>
      %dma_start3A_154 = tpu.memref_squeeze %dma_start3A_153 : memref<1x128xi32, #tpu.memory_space<vmem>> -> memref<128xi32, #tpu.memory_space<vmem>>
      %dma_start3A_155 = arith.constant 0 : i32
      %dma_start3A_156 = arith.constant 0 : i32
      %dma_start3A_157 = tpu.memref_slice %arg6[%dma_start3A_155, %dma_start3A_156] : memref<10112x128xf32, #tpu.memory_space<vmem_shared>> -> memref<10112x128xf32, #tpu.memory_space<vmem_shared>>
      tpu.enqueue_indirect_dma source(%arg10 : memref<128x128xf32, #tpu.memory_space<vmem>>) target(%dma_start3A_157 : memref<10112x128xf32, #tpu.memory_space<vmem_shared>>) offsets(%dma_start3A_154 : memref<128xi32, #tpu.memory_space<vmem>>) semaphore(%arg16 : memref<!tpu.dma_semaphore, #tpu.memory_space<semaphore_mem>>) {add = true}
      %scan3A_158 = arith.constant 0 : i32
      scf.yield %scan3A_158 : i32
    }
    %scan3A_66 = arith.constant 39 : i32
    %dma_wait3A_67 = arith.constant 0 : i32
    %dma_wait3A_68 = arith.constant 0 : i32
    %dma_wait3A_69 = tpu.memref_slice %arg2[%dma_wait3A_67, %dma_wait3A_68] : memref<10000x128xf32, #tpu.memory_space<hbm>> -> memref<10000x128xf32, #tpu.memory_space<hbm>>
    tpu.wait_indirect_dma semaphore(%arg15 : memref<!tpu.dma_semaphore, #tpu.memory_space<semaphore_mem>>) src(%dma_wait3A_69 : memref<10000x128xf32, #tpu.memory_space<hbm>>) dst(%arg11 : memref<128x128xf32, #tpu.memory_space<vmem>>)
    %dma_start3A_70 = arith.constant 79 : i32
    %dma_start3A_71 = arith.constant 0 : i32
    %dma_start3A_72 = tpu.memref_slice %arg7[%dma_start3A_70, %dma_start3A_71] : memref<80x128xi32, #tpu.memory_space<vmem>> -> memref<1x128xi32, #tpu.memory_space<vmem>>
    %dma_start3A_73 = tpu.memref_squeeze %dma_start3A_72 : memref<1x128xi32, #tpu.memory_space<vmem>> -> memref<128xi32, #tpu.memory_space<vmem>>
    %dma_start3A_74 = arith.constant 0 : i32
    %dma_start3A_75 = arith.constant 0 : i32
    %dma_start3A_76 = tpu.memref_slice %arg6[%dma_start3A_74, %dma_start3A_75] : memref<10112x128xf32, #tpu.memory_space<vmem_shared>> -> memref<10112x128xf32, #tpu.memory_space<vmem_shared>>
    tpu.enqueue_indirect_dma source(%arg11 : memref<128x128xf32, #tpu.memory_space<vmem>>) target(%dma_start3A_76 : memref<10112x128xf32, #tpu.memory_space<vmem_shared>>) offsets(%dma_start3A_73 : memref<128xi32, #tpu.memory_space<vmem>>) semaphore(%arg17 : memref<!tpu.dma_semaphore, #tpu.memory_space<semaphore_mem>>) {add = true}
    %dma_wait3A_77 = tpu.memref_slice %arg3[%mul3A_2] : memref<327680xi32, #tpu.memory_space<hbm>> -> memref<128xi32, #tpu.memory_space<hbm>>
    %dma_wait3A_78 = tpu.memref_slice %arg3[%mul3A_2] : memref<327680xi32, #tpu.memory_space<hbm>> -> memref<128xi32, #tpu.memory_space<hbm>>
    tpu.wait_dma2 semaphore(%arg12 : memref<!tpu.dma_semaphore, #tpu.memory_space<semaphore_mem>>) src(%dma_wait3A_78 : memref<128xi32, #tpu.memory_space<hbm>>) dst(%arg8 : memref<128xi32, #tpu.memory_space<vmem>>)
    %dma_wait3A_79 = arith.constant 0 : i32
    %dma_wait3A_80 = arith.constant 0 : i32
    %dma_wait3A_81 = tpu.memref_slice %arg7[%dma_wait3A_79, %dma_wait3A_80] : memref<80x128xi32, #tpu.memory_space<vmem>> -> memref<1x128xi32, #tpu.memory_space<vmem>>
    %dma_wait3A_82 = tpu.memref_squeeze %dma_wait3A_81 : memref<1x128xi32, #tpu.memory_space<vmem>> -> memref<128xi32, #tpu.memory_space<vmem>>
    %dma_wait3A_83 = arith.constant 0 : i32
    %dma_wait3A_84 = arith.constant 0 : i32
    %dma_wait3A_85 = tpu.memref_slice %arg6[%dma_wait3A_83, %dma_wait3A_84] : memref<10112x128xf32, #tpu.memory_space<vmem_shared>> -> memref<10112x128xf32, #tpu.memory_space<vmem_shared>>
    tpu.wait_indirect_dma semaphore(%arg16 : memref<!tpu.dma_semaphore, #tpu.memory_space<semaphore_mem>>) src(%arg10 : memref<128x128xf32, #tpu.memory_space<vmem>>) dst(%dma_wait3A_85 : memref<10112x128xf32, #tpu.memory_space<vmem_shared>>)
    %dma_wait3A_86 = arith.constant 0 : i32
    %dma_wait3A_87 = arith.constant 0 : i32
    %dma_wait3A_88 = tpu.memref_slice %arg7[%dma_wait3A_86, %dma_wait3A_87] : memref<80x128xi32, #tpu.memory_space<vmem>> -> memref<1x128xi32, #tpu.memory_space<vmem>>
    %dma_wait3A_89 = tpu.memref_squeeze %dma_wait3A_88 : memref<1x128xi32, #tpu.memory_space<vmem>> -> memref<128xi32, #tpu.memory_space<vmem>>
    %dma_wait3A_90 = arith.constant 0 : i32
    %dma_wait3A_91 = arith.constant 0 : i32
    %dma_wait3A_92 = tpu.memref_slice %arg6[%dma_wait3A_90, %dma_wait3A_91] : memref<10112x128xf32, #tpu.memory_space<vmem_shared>> -> memref<10112x128xf32, #tpu.memory_space<vmem_shared>>
    tpu.wait_indirect_dma semaphore(%arg17 : memref<!tpu.dma_semaphore, #tpu.memory_space<semaphore_mem>>) src(%arg11 : memref<128x128xf32, #tpu.memory_space<vmem>>) dst(%dma_wait3A_92 : memref<10112x128xf32, #tpu.memory_space<vmem_shared>>)
    %barrier3A_93 = arith.constant 0 : index
    tpu.barrier barrier_id(%barrier3A_93)
    %mul3A_94 = arith.constant 632 : i32
    %mul3A_95 = arith.muli %arg1, %mul3A_94 : i32
    %mul3A_96 = arith.constant 632 : i32
    %mul3A_97 = arith.muli %arg1, %mul3A_96 : i32
    "tpu.region"() ({
      %run_scoped3A = tpu.sem_alloc : memref<!tpu.dma_semaphore, #tpu.memory_space<semaphore_mem>>
      %dma_start3A_98 = arith.constant 0 : i32
      %dma_start3A_99 = tpu.memref_slice %arg5[%arg0, %mul3A_97, %dma_start3A_98] : memref<2x10112x128xf32, #tpu.memory_space<hbm>> -> memref<1x632x128xf32, #tpu.memory_space<hbm>>
      %dma_start3A_100 = tpu.memref_squeeze %dma_start3A_99 : memref<1x632x128xf32, #tpu.memory_space<hbm>> -> memref<632x128xf32, #tpu.memory_space<hbm>>
      %dma_start3A_101 = arith.constant 0 : i32
      %dma_start3A_102 = tpu.memref_slice %arg6[%mul3A_95, %dma_start3A_101] : memref<10112x128xf32, #tpu.memory_space<vmem_shared>> -> memref<632x128xf32, #tpu.memory_space<vmem_shared>>
      tpu.enqueue_dma source(%dma_start3A_102 : memref<632x128xf32, #tpu.memory_space<vmem_shared>>) target(%dma_start3A_100 : memref<632x128xf32, #tpu.memory_space<hbm>>) target_semaphore(%run_scoped3A : memref<!tpu.dma_semaphore, #tpu.memory_space<semaphore_mem>>)
      %dma_wait3A_103 = arith.constant 0 : i32
      %dma_wait3A_104 = tpu.memref_slice %arg5[%arg0, %mul3A_97, %dma_wait3A_103] : memref<2x10112x128xf32, #tpu.memory_space<hbm>> -> memref<1x632x128xf32, #tpu.memory_space<hbm>>
      %dma_wait3A_105 = tpu.memref_squeeze %dma_wait3A_104 : memref<1x632x128xf32, #tpu.memory_space<hbm>> -> memref<632x128xf32, #tpu.memory_space<hbm>>
      %dma_wait3A_106 = arith.constant 0 : i32
      %dma_wait3A_107 = tpu.memref_slice %arg6[%mul3A_95, %dma_wait3A_106] : memref<10112x128xf32, #tpu.memory_space<vmem_shared>> -> memref<632x128xf32, #tpu.memory_space<vmem_shared>>
      tpu.wait_dma2 semaphore(%run_scoped3A : memref<!tpu.dma_semaphore, #tpu.memory_space<semaphore_mem>>) src(%dma_wait3A_107 : memref<632x128xf32, #tpu.memory_space<vmem_shared>>) dst(%dma_wait3A_105 : memref<632x128xf32, #tpu.memory_space<hbm>>)
      tpu.yield
    }) : () -> ()
    return
  }
}

module attributes {stable_mosaic.version = 14 : i64} {
  func.func @_tc_layer_body(%arg0: i32, %arg1: memref<1x1000x128xf32, #tpu.memory_space<vmem>>, %arg2: memref<1x1000x128xf32, #tpu.memory_space<vmem>>, %arg3: memref<1000x128xf32, #tpu.memory_space<vmem>>, %arg4: memref<128x128xf32, #tpu.memory_space<vmem>>, %arg5: memref<128x128xf32, #tpu.memory_space<vmem>>, %arg6: memref<1x128xf32, #tpu.memory_space<vmem>>, %arg7: memref<1000x128xf32, #tpu.memory_space<vmem>>) attributes {dimension_semantics = [#tpu.dimension_semantics<arbitrary>], iteration_bounds = array<i64: 10>, scalar_prefetch = 0 : i64, scratch_operands = 0 : i64, tpu.core_type = #tpu.core_type<tc>, window_params = [{transform_indices = @transform_0, window_bounds = array<i64: 1, 1000, 128>}, {transform_indices = @transform_1, window_bounds = array<i64: 1, 1000, 128>}, {transform_indices = @transform_2, window_bounds = array<i64: 1000, 128>}, {pipeline_mode = #tpu.pipeline_mode<synchronous>, transform_indices = @transform_3, window_bounds = array<i64: 128, 128>}, {pipeline_mode = #tpu.pipeline_mode<synchronous>, transform_indices = @transform_4, window_bounds = array<i64: 128, 128>}, {pipeline_mode = #tpu.pipeline_mode<synchronous>, transform_indices = @transform_5, window_bounds = array<i64: 1, 128>}, {transform_indices = @transform_6, window_bounds = array<i64: 1000, 128>}]} {
    %get3A = arith.constant 0 : index
    %get3A_0 = arith.constant 0 : index
    %get3A_1 = arith.constant 0 : index
    %get3A_2 = vector.load %arg1[%get3A, %get3A_0, %get3A_1] : memref<1x1000x128xf32, #tpu.memory_space<vmem>>, vector<1x1000x128xf32>
    %get3A_3 = vector.shape_cast %get3A_2 : vector<1x1000x128xf32> to vector<1000x128xf32>
    %get3A_4 = arith.constant 0 : index
    %get3A_5 = arith.constant 0 : index
    %get3A_6 = arith.constant 0 : index
    %get3A_7 = vector.load %arg2[%get3A_4, %get3A_5, %get3A_6] : memref<1x1000x128xf32, #tpu.memory_space<vmem>>, vector<1x1000x128xf32>
    %get3A_8 = vector.shape_cast %get3A_7 : vector<1x1000x128xf32> to vector<1000x128xf32>
    %add3A = arith.addf %get3A_3, %get3A_8 : vector<1000x128xf32>
    %get3A_9 = arith.constant 0 : index
    %get3A_10 = arith.constant 0 : index
    %get3A_11 = vector.load %arg4[%get3A_9, %get3A_10] : memref<128x128xf32, #tpu.memory_space<vmem>>, vector<128x128xf32>
    %dot_general3A = arith.constant dense<0.000000e+00> : vector<1000x128xf32>
    %dot_general3A_12 = tpu.matmul %add3A, %get3A_11, %dot_general3A {dimension_numbers = #tpu.dot_dimension_numbers<[1], [0], [0], [1], [0, 0, 1, 1], [], []>, transpose_lhs_hint = false} : vector<1000x128xf32>, vector<128x128xf32>, vector<1000x128xf32> -> vector<1000x128xf32>
    %get3A_13 = arith.constant 0 : index
    %get3A_14 = arith.constant 0 : index
    %get3A_15 = vector.load %arg3[%get3A_13, %get3A_14] : memref<1000x128xf32, #tpu.memory_space<vmem>>, vector<1000x128xf32>
    %get3A_16 = arith.constant 0 : index
    %get3A_17 = arith.constant 0 : index
    %get3A_18 = vector.load %arg5[%get3A_16, %get3A_17] : memref<128x128xf32, #tpu.memory_space<vmem>>, vector<128x128xf32>
    %dot_general3A_19 = arith.constant dense<0.000000e+00> : vector<1000x128xf32>
    %dot_general3A_20 = tpu.matmul %get3A_15, %get3A_18, %dot_general3A_19 {dimension_numbers = #tpu.dot_dimension_numbers<[1], [0], [0], [1], [0, 0, 1, 1], [], []>, transpose_lhs_hint = false} : vector<1000x128xf32>, vector<128x128xf32>, vector<1000x128xf32> -> vector<1000x128xf32>
    %add3A_21 = arith.addf %dot_general3A_12, %dot_general3A_20 : vector<1000x128xf32>
    %get3A_22 = arith.constant 0 : index
    %get3A_23 = arith.constant 0 : index
    %get3A_24 = vector.load %arg6[%get3A_22, %get3A_23] : memref<1x128xf32, #tpu.memory_space<vmem>>, vector<1x128xf32>
    %add3A_25 = vector.broadcast %get3A_24 : vector<1x128xf32> to vector<1000x128xf32>
    %add3A_26 = arith.addf %add3A_21, %add3A_25 : vector<1000x128xf32>
    %max3A = arith.constant 0.000000e+00 : f32
    %max3A_27 = vector.broadcast %max3A : f32 to vector<1000x128xf32>
    %max3A_28 = arith.maximumf %add3A_26, %max3A_27 : vector<1000x128xf32>
    %swap3A = arith.constant 0 : index
    %swap3A_29 = arith.constant 0 : index
    %swap3A_30 = vector.load %arg7[%swap3A, %swap3A_29] : memref<1000x128xf32, #tpu.memory_space<vmem>>, vector<1000x128xf32>
    tpu.vector_store %arg7[%swap3A, %swap3A_29], %max3A_28 {strides = array<i32>} : memref<1000x128xf32, #tpu.memory_space<vmem>>, vector<1000x128xf32>,
    return
  }
  func.func @transform_0(%arg0: i32) -> (i32, i32, i32) {
    %c0_i32 = arith.constant 0 : i32
    %c0_i32_0 = arith.constant 0 : i32
    %c0_i32_1 = arith.constant 0 : i32
    return %c0_i32, %arg0, %c0_i32_0 : i32, i32, i32
  }
  func.func @transform_1(%arg0: i32) -> (i32, i32, i32) {
    %c1_i32 = arith.constant 1 : i32
    %c0_i32 = arith.constant 0 : i32
    %c0_i32_0 = arith.constant 0 : i32
    return %c1_i32, %arg0, %c0_i32 : i32, i32, i32
  }
  func.func @transform_2(%arg0: i32) -> (i32, i32) {
    %c0_i32 = arith.constant 0 : i32
    %c0_i32_0 = arith.constant 0 : i32
    return %arg0, %c0_i32 : i32, i32
  }
  func.func @transform_3(%arg0: i32) -> (i32, i32) {
    %c0_i32 = arith.constant 0 : i32
    %c0_i32_0 = arith.constant 0 : i32
    %c0_i32_1 = arith.constant 0 : i32
    return %c0_i32, %c0_i32_0 : i32, i32
  }
  func.func @transform_4(%arg0: i32) -> (i32, i32) {
    %c0_i32 = arith.constant 0 : i32
    %c0_i32_0 = arith.constant 0 : i32
    %c0_i32_1 = arith.constant 0 : i32
    return %c0_i32, %c0_i32_0 : i32, i32
  }
  func.func @transform_5(%arg0: i32) -> (i32, i32) {
    %c0_i32 = arith.constant 0 : i32
    %c0_i32_0 = arith.constant 0 : i32
    %c0_i32_1 = arith.constant 0 : i32
    return %c0_i32, %c0_i32_0 : i32, i32
  }
  func.func @transform_6(%arg0: i32) -> (i32, i32) {
    %c0_i32 = arith.constant 0 : i32
    %c0_i32_0 = arith.constant 0 : i32
    return %arg0, %c0_i32 : i32, i32
  }
}

module attributes {stable_mosaic.version = 14 : i64} {
  func.func @_tc_final_body(%arg0: i32, %arg1: memref<1x1000x128xf32, #tpu.memory_space<vmem>>, %arg2: memref<1x1000x128xf32, #tpu.memory_space<vmem>>, %arg3: memref<1000x128xf32, #tpu.memory_space<vmem>>, %arg4: memref<1x1x1000xi32, #tpu.memory_space<vmem>>, %arg5: memref<128x128xf32, #tpu.memory_space<vmem>>, %arg6: memref<128x128xf32, #tpu.memory_space<vmem>>, %arg7: memref<1x128xf32, #tpu.memory_space<vmem>>, %arg8: memref<128x128xf32, #tpu.memory_space<vmem>>, %arg9: memref<1x128xf32, #tpu.memory_space<vmem>>, %arg10: memref<64x128xf32, #tpu.memory_space<vmem>>, %arg11: memref<64x128xf32, #tpu.memory_space<vmem>>, %arg12: memref<64x128xf32, #tpu.memory_space<vmem>>) attributes {dimension_semantics = [#tpu.dimension_semantics<arbitrary>], iteration_bounds = array<i64: 10>, scalar_prefetch = 0 : i64, scratch_operands = 2 : i64, tpu.core_type = #tpu.core_type<tc>, window_params = [{transform_indices = @transform_0, window_bounds = array<i64: 1, 1000, 128>}, {transform_indices = @transform_1, window_bounds = array<i64: 1, 1000, 128>}, {transform_indices = @transform_2, window_bounds = array<i64: 1000, 128>}, {transform_indices = @transform_3, window_bounds = array<i64: 1, 1, 1000>}, {pipeline_mode = #tpu.pipeline_mode<synchronous>, transform_indices = @transform_4, window_bounds = array<i64: 128, 128>}, {pipeline_mode = #tpu.pipeline_mode<synchronous>, transform_indices = @transform_5, window_bounds = array<i64: 128, 128>}, {pipeline_mode = #tpu.pipeline_mode<synchronous>, transform_indices = @transform_6, window_bounds = array<i64: 1, 128>}, {pipeline_mode = #tpu.pipeline_mode<synchronous>, transform_indices = @transform_7, window_bounds = array<i64: 128, 128>}, {pipeline_mode = #tpu.pipeline_mode<synchronous>, transform_indices = @transform_8, window_bounds = array<i64: 1, 128>}, {pipeline_mode = #tpu.pipeline_mode<synchronous>, transform_indices = @transform_9, window_bounds = array<i64: 64, 128>}]} {
    %get3A = arith.constant 0 : index
    %get3A_0 = arith.constant 0 : index
    %get3A_1 = arith.constant 0 : index
    %get3A_2 = vector.load %arg1[%get3A, %get3A_0, %get3A_1] : memref<1x1000x128xf32, #tpu.memory_space<vmem>>, vector<1x1000x128xf32>
    %get3A_3 = vector.shape_cast %get3A_2 : vector<1x1000x128xf32> to vector<1000x128xf32>
    %get3A_4 = arith.constant 0 : index
    %get3A_5 = arith.constant 0 : index
    %get3A_6 = arith.constant 0 : index
    %get3A_7 = vector.load %arg2[%get3A_4, %get3A_5, %get3A_6] : memref<1x1000x128xf32, #tpu.memory_space<vmem>>, vector<1x1000x128xf32>
    %get3A_8 = vector.shape_cast %get3A_7 : vector<1x1000x128xf32> to vector<1000x128xf32>
    %add3A = arith.addf %get3A_3, %get3A_8 : vector<1000x128xf32>
    %get3A_9 = arith.constant 0 : index
    %get3A_10 = arith.constant 0 : index
    %get3A_11 = vector.load %arg5[%get3A_9, %get3A_10] : memref<128x128xf32, #tpu.memory_space<vmem>>, vector<128x128xf32>
    %dot_general3A = arith.constant dense<0.000000e+00> : vector<1000x128xf32>
    %dot_general3A_12 = tpu.matmul %add3A, %get3A_11, %dot_general3A {dimension_numbers = #tpu.dot_dimension_numbers<[1], [0], [0], [1], [0, 0, 1, 1], [], []>, transpose_lhs_hint = false} : vector<1000x128xf32>, vector<128x128xf32>, vector<1000x128xf32> -> vector<1000x128xf32>
    %get3A_13 = arith.constant 0 : index
    %get3A_14 = arith.constant 0 : index
    %get3A_15 = vector.load %arg3[%get3A_13, %get3A_14] : memref<1000x128xf32, #tpu.memory_space<vmem>>, vector<1000x128xf32>
    %get3A_16 = arith.constant 0 : index
    %get3A_17 = arith.constant 0 : index
    %get3A_18 = vector.load %arg6[%get3A_16, %get3A_17] : memref<128x128xf32, #tpu.memory_space<vmem>>, vector<128x128xf32>
    %dot_general3A_19 = arith.constant dense<0.000000e+00> : vector<1000x128xf32>
    %dot_general3A_20 = tpu.matmul %get3A_15, %get3A_18, %dot_general3A_19 {dimension_numbers = #tpu.dot_dimension_numbers<[1], [0], [0], [1], [0, 0, 1, 1], [], []>, transpose_lhs_hint = false} : vector<1000x128xf32>, vector<128x128xf32>, vector<1000x128xf32> -> vector<1000x128xf32>
    %add3A_21 = arith.addf %dot_general3A_12, %dot_general3A_20 : vector<1000x128xf32>
    %get3A_22 = arith.constant 0 : index
    %get3A_23 = arith.constant 0 : index
    %get3A_24 = vector.load %arg7[%get3A_22, %get3A_23] : memref<1x128xf32, #tpu.memory_space<vmem>>, vector<1x128xf32>
    %add3A_25 = vector.broadcast %get3A_24 : vector<1x128xf32> to vector<1000x128xf32>
    %add3A_26 = arith.addf %add3A_21, %add3A_25 : vector<1000x128xf32>
    %get3A_27 = arith.constant 0 : index
    %get3A_28 = arith.constant 0 : index
    %get3A_29 = arith.constant 0 : index
    %get3A_30 = vector.load %arg4[%get3A_27, %get3A_28, %get3A_29] : memref<1x1x1000xi32, #tpu.memory_space<vmem>>, vector<1x1x1000xi32>
    %get3A_31 = vector.shape_cast %get3A_30 : vector<1x1x1000xi32> to vector<1000xi32>
    %iota3A = tpu.iota {dimensions = array<i32: 0>} : vector<64x1000xi32>
    %broadcast_in_dim3A = vector.shape_cast %get3A_31 : vector<1000xi32> to vector<1x1000xi32>
    %eq3A = vector.broadcast %broadcast_in_dim3A : vector<1x1000xi32> to vector<64x1000xi32>
    %eq3A_32 = arith.cmpi eq, %eq3A, %iota3A : vector<64x1000xi32>
    %convert_element_type3A = arith.extui %eq3A_32 : vector<64x1000xi1> to vector<64x1000xi32>
    %convert_element_type3A_33 = arith.sitofp %convert_element_type3A : vector<64x1000xi32> to vector<64x1000xf32>
    %eq3A_34 = arith.constant 0 : i32
    %eq3A_35 = arith.cmpi eq, %arg0, %eq3A_34 : i32
    %convert_element_type3A_36 = arith.extui %eq3A_35 : i1 to i32
    %cond3A = arith.constant 0 : i32
    %cond3A_37 = arith.cmpi ne, %convert_element_type3A_36, %cond3A : i32
    scf.if %cond3A_37 {
      %broadcast_in_dim3A_61 = arith.constant 0.000000e+00 : f32
      %broadcast_in_dim3A_62 = vector.broadcast %broadcast_in_dim3A_61 : f32 to vector<64x128xf32>
      %swap3A_63 = arith.constant 0 : index
      %swap3A_64 = arith.constant 0 : index
      %swap3A_65 = vector.load %arg11[%swap3A_63, %swap3A_64] : memref<64x128xf32, #tpu.memory_space<vmem>>, vector<64x128xf32>
      tpu.vector_store %arg11[%swap3A_63, %swap3A_64], %broadcast_in_dim3A_62 {strides = array<i32>} : memref<64x128xf32, #tpu.memory_space<vmem>>, vector<64x128xf32>,
      %broadcast_in_dim3A_66 = arith.constant 0.000000e+00 : f32
      %broadcast_in_dim3A_67 = vector.broadcast %broadcast_in_dim3A_66 : f32 to vector<64x128xf32>
      %swap3A_68 = arith.constant 0 : index
      %swap3A_69 = arith.constant 0 : index
      %swap3A_70 = vector.load %arg12[%swap3A_68, %swap3A_69] : memref<64x128xf32, #tpu.memory_space<vmem>>, vector<64x128xf32>
      tpu.vector_store %arg12[%swap3A_68, %swap3A_69], %broadcast_in_dim3A_67 {strides = array<i32>} : memref<64x128xf32, #tpu.memory_space<vmem>>, vector<64x128xf32>,
    } else {
    }
    %get3A_38 = arith.constant 0 : index
    %get3A_39 = arith.constant 0 : index
    %get3A_40 = vector.load %arg11[%get3A_38, %get3A_39] : memref<64x128xf32, #tpu.memory_space<vmem>>, vector<64x128xf32>
    %dot_general3A_41 = arith.constant dense<0.000000e+00> : vector<64x128xf32>
    %dot_general3A_42 = tpu.matmul %convert_element_type3A_33, %add3A_26, %dot_general3A_41 {dimension_numbers = #tpu.dot_dimension_numbers<[1], [0], [0], [1], [0, 0, 1, 1], [], []>, transpose_lhs_hint = false} : vector<64x1000xf32>, vector<1000x128xf32>, vector<64x128xf32> -> vector<64x128xf32>
    %add3A_43 = arith.addf %get3A_40, %dot_general3A_42 : vector<64x128xf32>
    %swap3A = arith.constant 0 : index
    %swap3A_44 = arith.constant 0 : index
    %swap3A_45 = vector.load %arg11[%swap3A, %swap3A_44] : memref<64x128xf32, #tpu.memory_space<vmem>>, vector<64x128xf32>
    tpu.vector_store %arg11[%swap3A, %swap3A_44], %add3A_43 {strides = array<i32>} : memref<64x128xf32, #tpu.memory_space<vmem>>, vector<64x128xf32>,
    %get3A_46 = arith.constant 0 : index
    %get3A_47 = arith.constant 0 : index
    %get3A_48 = vector.load %arg12[%get3A_46, %get3A_47] : memref<64x128xf32, #tpu.memory_space<vmem>>, vector<64x128xf32>
    %reduce_sum3A = arith.constant dense<0.000000e+00> : vector<64xf32>
    %reduce_sum3A_49 = vector.multi_reduction <add>, %convert_element_type3A_33, %reduce_sum3A [1] : vector<64x1000xf32> to vector<64xf32>
    %broadcast_in_dim3A_50 = vector.shape_cast %reduce_sum3A_49 : vector<64xf32> to vector<64x1xf32>
    %add3A_51 = vector.broadcast %broadcast_in_dim3A_50 : vector<64x1xf32> to vector<64x128xf32>
    %add3A_52 = arith.addf %get3A_48, %add3A_51 : vector<64x128xf32>
    %swap3A_53 = arith.constant 0 : index
    %swap3A_54 = arith.constant 0 : index
    %swap3A_55 = vector.load %arg12[%swap3A_53, %swap3A_54] : memref<64x128xf32, #tpu.memory_space<vmem>>, vector<64x128xf32>
    tpu.vector_store %arg12[%swap3A_53, %swap3A_54], %add3A_52 {strides = array<i32>} : memref<64x128xf32, #tpu.memory_space<vmem>>, vector<64x128xf32>,
    %eq3A_56 = arith.constant 9 : i32
    %eq3A_57 = arith.cmpi eq, %arg0, %eq3A_56 : i32
    %convert_element_type3A_58 = arith.extui %eq3A_57 : i1 to i32
    %cond3A_59 = arith.constant 0 : i32
    %cond3A_60 = arith.cmpi ne, %convert_element_type3A_58, %cond3A_59 : i32
    scf.if %cond3A_60 {
      %get3A_61 = arith.constant 0 : index
      %get3A_62 = arith.constant 0 : index
      %get3A_63 = vector.load %arg11[%get3A_61, %get3A_62] : memref<64x128xf32, #tpu.memory_space<vmem>>, vector<64x128xf32>
      %get3A_64 = arith.constant 0 : index
      %get3A_65 = arith.constant 0 : index
      %get3A_66 = vector.load %arg12[%get3A_64, %get3A_65] : memref<64x128xf32, #tpu.memory_space<vmem>>, vector<64x128xf32>
      %max3A = arith.constant 1.000000e+00 : f32
      %max3A_67 = vector.broadcast %max3A : f32 to vector<64x128xf32>
      %max3A_68 = arith.maximumf %get3A_66, %max3A_67 : vector<64x128xf32>
      %div3A = arith.divf %get3A_63, %max3A_68 : vector<64x128xf32>
      %get3A_69 = arith.constant 0 : index
      %get3A_70 = arith.constant 0 : index
      %get3A_71 = vector.load %arg8[%get3A_69, %get3A_70] : memref<128x128xf32, #tpu.memory_space<vmem>>, vector<128x128xf32>
      %dot_general3A_72 = arith.constant dense<0.000000e+00> : vector<64x128xf32>
      %dot_general3A_73 = tpu.matmul %div3A, %get3A_71, %dot_general3A_72 {dimension_numbers = #tpu.dot_dimension_numbers<[1], [0], [0], [1], [0, 0, 1, 1], [], []>, transpose_lhs_hint = false} : vector<64x128xf32>, vector<128x128xf32>, vector<64x128xf32> -> vector<64x128xf32>
      %get3A_74 = arith.constant 0 : index
      %get3A_75 = arith.constant 0 : index
      %get3A_76 = vector.load %arg9[%get3A_74, %get3A_75] : memref<1x128xf32, #tpu.memory_space<vmem>>, vector<1x128xf32>
      %add3A_77 = vector.broadcast %get3A_76 : vector<1x128xf32> to vector<64x128xf32>
      %add3A_78 = arith.addf %dot_general3A_73, %add3A_77 : vector<64x128xf32>
      %swap3A_79 = arith.constant 0 : index
      %swap3A_80 = arith.constant 0 : index
      %swap3A_81 = vector.load %arg10[%swap3A_79, %swap3A_80] : memref<64x128xf32, #tpu.memory_space<vmem>>, vector<64x128xf32>
      tpu.vector_store %arg10[%swap3A_79, %swap3A_80], %add3A_78 {strides = array<i32>} : memref<64x128xf32, #tpu.memory_space<vmem>>, vector<64x128xf32>,
    } else {
    }
    return
  }
  func.func @transform_0(%arg0: i32) -> (i32, i32, i32) {
    %c0_i32 = arith.constant 0 : i32
    %c0_i32_0 = arith.constant 0 : i32
    %c0_i32_1 = arith.constant 0 : i32
    return %c0_i32, %arg0, %c0_i32_0 : i32, i32, i32
  }
  func.func @transform_1(%arg0: i32) -> (i32, i32, i32) {
    %c1_i32 = arith.constant 1 : i32
    %c0_i32 = arith.constant 0 : i32
    %c0_i32_0 = arith.constant 0 : i32
    return %c1_i32, %arg0, %c0_i32 : i32, i32, i32
  }
  func.func @transform_2(%arg0: i32) -> (i32, i32) {
    %c0_i32 = arith.constant 0 : i32
    %c0_i32_0 = arith.constant 0 : i32
    return %arg0, %c0_i32 : i32, i32
  }
  func.func @transform_3(%arg0: i32) -> (i32, i32, i32) {
    %c0_i32 = arith.constant 0 : i32
    %c0_i32_0 = arith.constant 0 : i32
    %c0_i32_1 = arith.constant 0 : i32
    return %arg0, %c0_i32, %c0_i32_0 : i32, i32, i32
  }
  func.func @transform_4(%arg0: i32) -> (i32, i32) {
    %c0_i32 = arith.constant 0 : i32
    %c0_i32_0 = arith.constant 0 : i32
    %c0_i32_1 = arith.constant 0 : i32
    return %c0_i32, %c0_i32_0 : i32, i32
  }
  func.func @transform_5(%arg0: i32) -> (i32, i32) {
    %c0_i32 = arith.constant 0 : i32
    %c0_i32_0 = arith.constant 0 : i32
    %c0_i32_1 = arith.constant 0 : i32
    return %c0_i32, %c0_i32_0 : i32, i32
  }
  func.func @transform_6(%arg0: i32) -> (i32, i32) {
    %c0_i32 = arith.constant 0 : i32
    %c0_i32_0 = arith.constant 0 : i32
    %c0_i32_1 = arith.constant 0 : i32
    return %c0_i32, %c0_i32_0 : i32, i32
  }
  func.func @transform_7(%arg0: i32) -> (i32, i32) {
    %c0_i32 = arith.constant 0 : i32
    %c0_i32_0 = arith.constant 0 : i32
    %c0_i32_1 = arith.constant 0 : i32
    return %c0_i32, %c0_i32_0 : i32, i32
  }
  func.func @transform_8(%arg0: i32) -> (i32, i32) {
    %c0_i32 = arith.constant 0 : i32
    %c0_i32_0 = arith.constant 0 : i32
    %c0_i32_1 = arith.constant 0 : i32
    return %c0_i32, %c0_i32_0 : i32, i32
  }
  func.func @transform_9(%arg0: i32) -> (i32, i32) {
    %c0_i32 = arith.constant 0 : i32
    %c0_i32_0 = arith.constant 0 : i32
    %c0_i32_1 = arith.constant 0 : i32
    return %c0_i32, %c0_i32_0 : i32, i32
  }
}

</mosaic_0001>

<sc_bundles>
// kernel: kernel.11.cloned.1.call-start
scs
__scs_entry_jumppad:
0x0: {  	(pc) =	sbr.rel $0x88, $3  }
0x1: {  	(tag) =	ssettag $0x0;
	lr =	simm.s32 $0x1  }
0x2: {  	[smem:$0x3F93] =	sst lr;
	_ =	strace $0xD0000000  }
0x3: {  	_ = 	snop  }
0x4: {  	_ = 	snop  }
0x5: {  	_ = 	snop  }
0x6: {  	_ = 	snop  }
0x7: {  	_ = 	snop  }
__scs_overlays_trampoline_lowered:
0x8: {  	[smem:$0x3FA2] =	sst s0  }
0x9: {  	[smem:$0x3FA3] =	sst s1  }
0xa: {  	[smem:$0x3FA4] =	sst s2  }
0xb: {  	[smem:$0x3FA5] =	sst s3  }
0xc: {  	[smem:$0x3FA6] =	sst s4  }
0xd: {  	[smem:$0x3FA7] =	sst s5  }
0xe: {  	[smem:$0x3FA8] =	sst s6  }
0xf: {  	[smem:$0x3FA9] =	sst s7  }
0x10: {  	[smem:$0x3FAA] =	sst s8  }
0x11: {  	[smem:$0x3FAB] =	sst s9;
	s0 =	simm.s32 @!p0 $0x0  }
0x12: {  	s1 =	sld [smem:$0x3F91];
	s0 =	simm.s32 @p0 $0x1  }
0x13: {  	[smem:$0x3FAC] =	sst s0;
	s0 =	simm.s32 @!p1 $0x0  }
0x14: {  	s2 =	sld [smem:$0x3F90];
	s0 =	simm.s32 @p1 $0x1  }
0x15: {  	[smem:$0x3FAD] =	sst s0;
	s0 =	simm.s32 @!p2 $0x0  }
0x16: {  	s3 =	sld [smem:$0x3FDB];
	s0 =	simm.s32 @p2 $0x1  }
0x17: {  	s4 =	simm.s32 $0x1BF5;
	[smem:$0x3FAF] =	sst s0  }
0x18: {  	s0 =	sld [smem:$0x3F92];
	_ =	swait.ge [sflag:s4], $0x0  }
0x19: {  	s7 =	sld [smem:$0x3F93]  }
0x1a: {  	s8 =	sadd.s32 $0xFFFFE003, lr  }
0x1b: {  	s9 =	sadd.s32 $0xFFFFFEF7, lr;
	s5 =	simm.s32 $0xFFFFFFFF;
	p2 =	slt.u32 s8, $0xFFFFF086  }
0x1c: {  	p1 =	slt.u32 s9, $0xF7A;
	s5 =	simm.s32 @!p2 $0x0  }
0x1d: {  	s5 =	simm.s32 @p1 $0x1;
	p0 =	seq.s32 s7, s2  }
0x1e: {  	s7 =	smul.u32 @!p0 $0xF7A, s2;
	p2 =	seq.s32 @!p0 s5, $0x0  }
0x1f: {  	s9 =	smul.u32 $0xF7A, s1;
	s8 =	simm.s32 @!p0 $0x1BF5;
	p2 =	por !p2, p0  }
0x20: {  	[sflag:s8] =	ssyncset.s32 @!p0 $0xFFFFF086;
	s6 =	sadd.s32 @!p0 s3, s7;
	s7 =	simm.s32 @!p0 $0x108  }
0x21: {  	s3 =	sadd.s32 s3, s9;
	s6 =	sadd.s32 @!p0 $0x88, s6;
	s7 =	simm.s32 @p2 $0x1082  }
0x22: {  	[simem:s7], [sflag:s8] =	dma.local @!p0 [hbm:s6], $0xF7A  }
0x23: {  	s9 =	sor.u32 $0xD0000000, s2;
	s6 =	simm.s32 $0x108;
	_ =	swait.ge @!p0 [sflag:s8], $0x0  }
0x24: {  	s3 =	sadd.s32 $0x88, s3;
	s6 =	simm.s32 @!p1 $0x1082;
	[sflag:s4] =	ssyncset.s32 $0xFFFFF086  }
0x25: {  	[simem:s6], [sflag:s4] =	dma.local [hbm:s3], $0xF7A  }
0x26: {  	[smem:$0x3F93] =	sst s1;
	(tag) =	ssettag s2;
	_ =	strace s9  }
0x27: {  	s1 =	sld [smem:$0x3FA3]  }
0x28: {  	s2 =	sld [smem:$0x3FA4]  }
0x29: {  	s4 =	sld [smem:$0x3FA6]  }
0x2a: {  	p0 =	seq.s32 s5, $0x0;
	s5 =	sld [smem:$0x3FA7]  }
0x2b: {  	s6 =	sld [smem:$0x3FA8]  }
0x2c: {  	s7 =	sld [smem:$0x3FA9]  }
0x2d: {  	s3 =	simm.s32 $0x108;
	s8 =	sld [smem:$0x3FAA]  }
0x2e: {  	s3 =	simm.s32 @!p0 $0x1082;
	s9 =	sld [smem:$0x3FAB]  }
0x2f: {  	lr =	sadd.s32 s0, s3;
	s0 =	sld [smem:$0x3FA2]  }
0x30: {  	s3 =	sld [smem:$0x3FA5]  }
0x31: {  	[smem:$0x3FAE] =	sst s10  }
0x32: {  	s10 =	sld [smem:$0x3FAC];
	_ =	sdelay $0x3  }
0x33: {  	p0 =	seq.s32 s10, $0x1;
	s10 =	sld [smem:$0x3FAE];
	_ =	sdelay $0x3  }
0x34: {  	[smem:$0x3FAE] =	sst s10  }
0x35: {  	s10 =	sld [smem:$0x3FAD];
	_ =	sdelay $0x3  }
0x36: {  	p1 =	seq.s32 s10, $0x1;
	s10 =	sld [smem:$0x3FAE];
	_ =	sdelay $0x3  }
0x37: {  	[smem:$0x3FAE] =	sst s10  }
0x38: {  	s10 =	sld [smem:$0x3FAF]  }
0x39: {  	_ = 	snop;
	(pc) =	sbr.ind lr, $3  }
0x3a: {  	_ = 	snop  }
0x3b: {  	_ = 	snop  }
0x3c: {  	p2 =	seq.s32 s10, $0x1;
	s10 =	sld [smem:$0x3FAE]  }
0x3d: {  	_ =	shalt  }
0x3e: {  	_ =	shalt  }
0x3f: {  	_ =	shalt  }
0x40: {  	_ =	shalt  }
0x41: {  	_ =	shalt  }
0x42: {  	_ =	shalt  }
0x43: {  	_ =	shalt  }
0x44: {  	_ =	shalt  }
0x45: {  	_ =	shalt  }
0x46: {  	_ =	shalt  }
0x47: {  	_ =	shalt  }
0x48: {  	_ =	shalt  }
0x49: {  	_ =	shalt  }
0x4a: {  	_ =	shalt  }
0x4b: {  	_ =	shalt  }
0x4c: {  	_ =	shalt  }
0x4d: {  	_ =	shalt  }
0x4e: {  	_ =	shalt  }
0x4f: {  	_ =	shalt  }
0x50: {  	_ =	shalt  }
0x51: {  	_ =	shalt  }
0x52: {  	_ =	shalt  }
0x53: {  	_ =	shalt  }
0x54: {  	_ =	shalt  }
0x55: {  	_ =	shalt  }
0x56: {  	_ =	shalt  }
0x57: {  	_ =	shalt  }
0x58: {  	_ =	shalt  }
0x59: {  	_ =	shalt  }
0x5a: {  	_ =	shalt  }
0x5b: {  	_ =	shalt  }
0x5c: {  	_ =	shalt  }
0x5d: {  	_ =	shalt  }
0x5e: {  	_ =	shalt  }
0x5f: {  	_ =	shalt  }
0x60: {  	_ =	shalt  }
0x61: {  	_ =	shalt  }
0x62: {  	_ =	shalt  }
0x63: {  	_ =	shalt  }
0x64: {  	_ =	shalt  }
0x65: {  	_ =	shalt  }
0x66: {  	_ =	shalt  }
0x67: {  	_ =	shalt  }
0x68: {  	_ =	shalt  }
0x69: {  	_ =	shalt  }
0x6a: {  	_ =	shalt  }
0x6b: {  	_ =	shalt  }
0x6c: {  	_ =	shalt  }
0x6d: {  	_ =	shalt  }
0x6e: {  	_ =	shalt  }
0x6f: {  	_ =	shalt  }
0x70: {  	_ =	shalt  }
0x71: {  	_ =	shalt  }
0x72: {  	_ =	shalt  }
0x73: {  	_ =	shalt  }
0x74: {  	_ =	shalt  }
0x75: {  	_ =	shalt  }
0x76: {  	_ =	shalt  }
0x77: {  	_ =	shalt  }
0x78: {  	_ =	shalt  }
0x79: {  	_ =	shalt  }
0x7a: {  	_ =	shalt  }
0x7b: {  	_ =	shalt  }
0x7c: {  	_ =	shalt  }
0x7d: {  	_ =	shalt  }
0x7e: {  	_ =	shalt  }
0x7f: {  	_ =	shalt  }
0x80: {  	_ =	shalt  }
0x81: {  	_ =	shalt  }
0x82: {  	_ =	shalt  }
0x83: {  	_ =	shalt  }
0x84: {  	_ =	shalt  }
0x85: {  	_ =	shalt  }
0x86: {  	_ =	shalt  }
0x87: {  	_ =	shalt  }
.Lfunc_end0:
.L_simem_size_0:
called_computation.1_lowered:
.L_overlay_start_0:
0x88: {  	s2 =	sld [smem:$0x3FD9]  }
0x89: {  	s3 =	sld [smem:$0x3FFE];
	_ =	sdelay $0x1  }
0x8a: {  	s1 =	srdreg.scid  }
0x8b: {  	s0 =	sand.u32 $0x1, s1  }
0x8c: {  	s16 =	sshll.u32 s0, $0xA;
	s2 =	sadd.s32 s3, s2  }
0x8d: {  	s2 =	sadd.s32 s2, s16  }
0x8e: {  	[smem:$0x3FBA] =	sst s2  }
0x8f: {  	_ = 	snop  }
0x90: {  	(tm) =	ssettm $0x1  }
0x91: {  	s17 =	sld [smem:$0x3FFB];
	_ =	sdelay $0x3  }
0x92: {  	_ =	strace s17  }
0x93: {  	s2 =	sld [smem:$0x3FFC];
	_ =	sdelay $0x3  }
0x94: {  	_ =	strace s2  }
0x95: {  	s2 =	sld [smem:$0x3FFD];
	_ =	sdelay $0x3  }
0x96: {  	_ =	strace s2  }
0x97: {  	_ =	strace $0x8FFFFFFF  }
0x98: {  	s18 =	sld [smem:$0x3FDB];
	_ =	sdelay $0x1  }
0x99: {  	s19 =	simm.s32 $_scs_section_size  }
0x9a: {  	s4 =	simm.s32 $_size__tile_overlayer_lowered;
	s5 =	simm.s32 $_tile_overlayer_lowered  }
0x9b: {  	s22 =	simm.s32 $0x1BFF;
	s21 =	sshll.u32 s5, $0x1;
	s2 =	sadd.s32 s19, s18  }
0x9c: {  	s6 =	simm.s32 $0x0;
	s20 =	sshll.u32 s4, $0x1;
	s4 =	sadd.s32 s21, s2  }
0x9d: {  	[timem:s6], [sflag:s22] =	dma.local [hbm:s4], s20  }
0x9e: {  	_ =	swait.ge [sflag:s22], s20  }
0x9f: {  	s3 =	ssub.s32 $0x0, s20;
	[sflag:s22] =	ssyncset.done $0x0  }
0xa0: {  	[sflag:s22] =	ssyncadd.s32 s3;
	_ =	sdelay $0x1  }
0xa1: {  	s23 =	simm.s32 $0x1B8B  }
0xa2: {  	_ =	swait.ge [sflag:s23], $0x1  }
0xa3: {  	[sflag:s23] =	ssyncset.done $0x0  }
0xa4: {  	s25 =	simm.s32 $0x1B8E;
	s24 =	sld [smem:$0x3FFE];
	[sflag:s23] =	ssyncadd.s32 $0xFFFFFFFF  }
0xa5: {  	s26 =	simm.s32 $execute0_lowered;
	[smem:$0x3FD2] =	sst s25  }
0xa6: {  	s4 =	sshll.u32 s26, $0x1;
	_ =	strace $0x80000049;
	[dreg:$0x1] =	wrdreg $0xFFFFFFFF  }
0xa7: {  	s28 =	simm.s32 $_size_execute0_lowered;
	s2 =	sadd.s32 s2, s4;
	[dreg:$0x0] =	wrdreg $0x0  }
0xa8: {  	s4 =	sshll.u32 s28, $0x1;
	[dreg:$0x2] =	wrdreg s2  }
0xa9: {  	[dreg:$0x3] =	wrdreg s4  }
0xaa: {  	[dreg:$0x4] =	wrdreg $0xC0  }
0xab: {  	_ =	task [dreg:s6], $0x5FFFF  }
0xac: {  	[dreg:$0x1] =	wrdreg $0xFFFFFFFF  }
0xad: {  	[dreg:$0x0] =	wrdreg $0x60  }
0xae: {  	[dreg:$0x2] =	wrdreg s24  }
0xaf: {  	[dreg:$0x3] =	wrdreg $0x0  }
0xb0: {  	[dreg:$0x4] =	wrdreg $0x9  }
0xb1: {  	_ =	task.clear_ibuf [dreg:s6], $0x5FFFF;
	_ =	strace $0x90000049  }
0xb2: {  	s29 =	simm.s32 $0x9;
	_ =	strace $0x8000004B  }
0xb3: {  	_ =	swait.ge [sflag:s29], $0x1  }
0xb4: {  	[sflag:s29] =	ssyncadd.s32 $0xFFFFFFFF  }
0xb5: {  	_ =	strace $0x9000004B  }
0xb6: {  	_ =	sfence  }
0xb7: {  	s30 =	sld [smem:$0x0];
	_ =	sdelay $0x2  }
0xb8: {  	s31 =	sshll.u32 s1, $0xD;
	s1 =	sshrl.u32 s1, $0x2  }
0xb9: {  	s3 =	sand.u32 $0x4000, s31;
	s1 =	sadd.s32 s1, s30  }
0xba: {  	s0 =	sor.u32 s3, s0;
	s1 =	sshll.u32 s1, $0x11  }
0xbb: {  	s0 =	sor.u32 s1, s0  }
0xbc: {  	s0 =	sadd.s32 $0x8F2B, s0  }
0xbd: {  	[sflag:s0] =	ssyncadd.remote.s32 $0x1  }
0xbe: {  	_ =	sfence.sel $0xFFFF  }
0xbf: {  	[dreg:$0x0] =	wrdreg $0xFFFFFFFF;
	(pc) =	sbr.abs _section_cstart, $3  }
0xc0: {  	[dreg:$0x1] =	wrdreg $0xFFFFFFFF  }
0xc1: {  	_ =	task.clear_ibuf [dreg:s6], $0x2FFFF;
	_ =	strace $0x9FFFFFFF  }
0xc2: {  	(tm) =	ssettm $0x7FFFFFFF  }
0xc3: {  	_ =	shalt  }
tec
execute0_lowered:
.L_overlay_start_1:
0x0: {  	(tag) =	ssettag $0x1  }
0x1: {  	s0 =	srdreg.scid  }
0x2: {  	s12 =	stileid.u32;
	s1 =	rddreg [dreg:$0x0]  }
0x3: {  	s2 =	rddreg [dreg:$0x1];
	s19 =	simm.s32 $0x16400;
	s8 =	smul.u32 $0x13C00, s12  }
0x4: {  	s28 =	simm.s32 $0x2;
	s29 =	simm.s32 $0x3;
	s11 =	smul.u32 $0x4F000, s12  }
0x5: {  	s30 =	simm.s32 $0x5;
	s0 =	sand.u32 $0x1, s0;
	s13 =	smul.u32 $0x5000, s12  }
0x6: {  	s31 =	simm.s32 $0x4;
	s3 =	sshll.u32 s12, $0x1;
	s7 =	smul.u32 $0x13C000, s0  }
0x7: {  	s5 =	sor.u32 s0, s3;
	s20 =	ssub.s32 $0x2, s0;
	s0 =	smul.u32 $0x2800, s0  }
0x8: {  	s4 =	sadd.s32 $0x16C00, s1;
	s3 =	simm.s32 $0x0;
	s6 =	smul.u32 $0x500, s5  }
0x9: {  	s9 =	sadd.s32 $0x2C00, s1;
	[smem:$0x7FF] =	sst s3;
	s5 =	smul.u32 $0x2800, s5  }
0xa: {  	s10 =	sshrl.u32 s20, $0x1;
	s21 =	sshrl.u32 s11, $0x2;
	_ =	strace $0x8000004A  }
0xb: {  	s7 =	sadd.s32 s8, s7;
	s8 =	ssub.s32 s20, s10;
	s0 =	sadd.s32 s0, s13  }
0xc: {  	s20 =	simm.s32 $0x13C00;
	s6 =	sadd.s32 s6, s1;
	s7 =	sshrl.u32 s7, $0x3  }
0xd: {  	s5 =	sshrl.u32 s5, $0x3;
	s26 =	sor.u32 $0x180, s0;
	s15 =	smax.u32 s8, $0x1  }
0xe: {  	s0 =	sor.u32 $0x200, s0;
	s1 =	sadd.s32 s7, s1;
	s5 =	sadd.s32 s9, s5  }
0xf: {  	s6 =	sadd.s32 $0xCC00, s6;
	s7 =	sadd.s32 s21, s2;
	s0 =	sshrl.u32 s0, $0x3  }
0x10: {  	s21 =	simm.s32 $0x7;
	[dreg:$0x3] =	wrdreg s6;
	s22 =	sadd.s32 $0x10, s5  }
0x11: {  	s23 =	sadd.s32 $0x4000, s7;
	s24 =	sadd.s32 $0x8000, s7;
	s25 =	sadd.s32 $0xC000, s7  }
0x12: {  	s12 =	sadd.s32 $0x10000, s7;
	s13 =	sadd.s32 $0x20, s5;
	[dreg:$0x4] =	wrdreg s22  }
0x13: {  	s14 =	sadd.s32 $0x3DE00, s1;
	s1 =	sshrl.u32 s26, $0x3;
	[dreg:$0x5] =	wrdreg s23  }
0x14: {  	s16 =	sadd.s32 $0x4F0, s5;
	s18 =	sadd.s32 s0, s9;
	[dreg:$0x6] =	wrdreg s24  }
0x15: {  	s26 =	simm.s32 $0x1A500;
	s0 =	simm.s32 $0x0;
	[dreg:$0x7] =	wrdreg s25  }
0x16: {  	s17 =	sadd.s32 s1, s9;
	s22 =	simm.s32 $0x1;
	s23 =	simm.s32 $0x80  }
0x17: {  	v0 =	vimm.f32 $0.0e+00;
	s24 =	simm.s32 $0x16500;
	s25 =	simm.s32 $0x16480;
	s1 =	simm.s32 $0x6  }
.LBB2_1:
0x18: {  	[tilespmem:s19], [sflag:$0x1] =	stream.linear.gather [hbm4b:s5+s3], $0x80, $0x38;
	[tilespmem:$0x1E500] =	vst v63  }
0x19: {  	s6 =	rddreg [dreg:$0x3]  }
0x1a: {  	[tilespmem:s20], [sflag:$0x7] =	stream.linear.gather [hbm4b:s6+s3], $0x2800, $0x38;
	[tilespmem:$0x1E500] =	vst v63  }
0x1b: {  	_ =	swait.ge [sflag:s21], $0x2800  }
0x1c: {  	[sflag:s21] =	ssyncset.done $0x0  }
0x1d: {  	[sflag:s21] =	ssyncadd.s32 $0xFFFFD800  }
0x1e: {  	_ =	swait.ge [sflag:s22], $0x80  }
0x1f: {  	[sflag:s22] =	ssyncset.done $0x0  }
0x20: {  	[sflag:s22] =	ssyncadd.s32 $0xFFFFFF80  }
0x21: {  	[tilespmem:s24], [sflag:$0x3] =	stream.indirect.gather [hbm4b:s4+s23], $0x80, s19, s23, $0xb8;
	[tilespmem:$0x1E500] =	vst v63  }
0x22: {  	s8 =	simm.s32 $0x200;
	s6 =	simm.s32 $0x0;
	s11 =	rddreg [dreg:$0x4]  }
0x23: {  	[tilespmem:s25], [sflag:$0x2] =	stream.linear.gather [hbm4b:s11+s3], $0x80, $0x38;
	[tilespmem:$0x1E500] =	vst v63  }
.LBB2_2:
0x24: {  	p0 =	sne.s32 s8, $0xFE00;
	[tilespmem:s6+$0x1A570] =	vst v0  }
0x25: {  	[tilespmem:s6+$0x1A500] =	vst v0  }
0x26: {  	[tilespmem:s6+$0x1A510] =	vst v0  }
.Ltmp0:
0x27: {  	[tilespmem:s6+$0x1A520] =	vst v0;
	(pc) =	sbr.rel @p0 .LBB2_2-.Ltmp0, $4  }
0x28: {  	[tilespmem:s6+$0x1A530] =	vst v0  }
0x29: {  	[tilespmem:s6+$0x1A540] =	vst v0  }
0x2a: {  	[tilespmem:s6+$0x1A550] =	vst v0  }
0x2b: {  	[tilespmem:s6+$0x1A560] =	vst v0;
	s6 =	sshra.s32 s8, $0x2;
	s8 =	sadd.s32 $0x200, s8  }
0x2c: {  	[tilespmem:s6+$0x1A570] =	vst v0  }
0x2d: {  	[tilespmem:s6+$0x1A500] =	vst v0  }
0x2e: {  	[tilespmem:s6+$0x1A510] =	vst v0  }
0x2f: {  	[tilespmem:s6+$0x1A520] =	vst v0  }
0x30: {  	[tilespmem:s6+$0x1A530] =	vst v0  }
0x31: {  	[tilespmem:s6+$0x1A540] =	vst v0  }
0x32: {  	[tilespmem:s6+$0x1A550] =	vst v0  }
0x33: {  	[tilespmem:s6+$0x1A560] =	vst v0  }
0x34: {  	[spmem:s7] =	stream.linear.scatter [tilespmem:s26], [sflag:$0x7], $0x4000, $0x38;
	[tilespmem:$0x1E500] =	vst v63  }
0x35: {  	_ =	swait.ge [sflag:s21], $0x4000  }
0x36: {  	[sflag:s21] =	ssyncset.done $0x0  }
0x37: {  	s9 =	rddreg [dreg:$0x5];
	[sflag:s21] =	ssyncadd.s32 $0xFFFFC000  }
0x38: {  	[spmem:s9] =	stream.linear.scatter [tilespmem:s26], [sflag:$0x7], $0x4000, $0x38;
	[tilespmem:$0x1E500] =	vst v63  }
0x39: {  	_ =	swait.ge [sflag:s21], $0x4000  }
0x3a: {  	[sflag:s21] =	ssyncset.done $0x0  }
0x3b: {  	s10 =	rddreg [dreg:$0x6];
	[sflag:s21] =	ssyncadd.s32 $0xFFFFC000  }
0x3c: {  	[spmem:s10] =	stream.linear.scatter [tilespmem:s26], [sflag:$0x7], $0x4000, $0x38;
	[tilespmem:$0x1E500] =	vst v63  }
0x3d: {  	_ =	swait.ge [sflag:s21], $0x4000  }
0x3e: {  	[sflag:s21] =	ssyncset.done $0x0  }
0x3f: {  	s11 =	rddreg [dreg:$0x7];
	[sflag:s21] =	ssyncadd.s32 $0xFFFFC000  }
0x40: {  	[spmem:s11] =	stream.linear.scatter [tilespmem:s26], [sflag:$0x7], $0x4000, $0x38;
	[tilespmem:$0x1E500] =	vst v63  }
0x41: {  	_ =	swait.ge [sflag:s21], $0x4000  }
0x42: {  	[sflag:s21] =	ssyncset.done $0x0  }
0x43: {  	[sflag:s21] =	ssyncadd.s32 $0xFFFFC000  }
0x44: {  	[spmem:s12] =	stream.linear.scatter [tilespmem:s26], [sflag:$0x7], $0x3C00, $0x38;
	[tilespmem:$0x1E500] =	vst v63  }
0x45: {  	_ =	swait.ge [sflag:s21], $0x3C00  }
0x46: {  	[sflag:s21] =	ssyncset.done $0x0  }
0x47: {  	[sflag:s21] =	ssyncadd.s32 $0xFFFFC400  }
0x48: {  	[bflag:$0x0] =	sbarrier.arrive $0xFFFF  }
0x49: {  	_ =	swait.ge [sflag:s28], $0x80  }
0x4a: {  	[sflag:s28] =	ssyncset.done $0x0  }
0x4b: {  	[sflag:s28] =	ssyncadd.s32 $0xFFFFFF80  }
0x4c: {  	[tilespmem:s26], [sflag:$0x4] =	stream.indirect.gather [hbm4b:s4+s23], $0x80, s25, s23, $0xb8;
	[tilespmem:$0x1E500] =	vst v63  }
0x4d: {  	_ =	swait.ge [sflag:s29], $0x4000  }
0x4e: {  	[sflag:s29] =	ssyncset.done $0x0  }
0x4f: {  	s8 =	simm.s32 $0x0;
	[sflag:s29] =	ssyncadd.s32 $0xFFFFC000  }
0x50: {  	[tilespmem:s19], [sflag:$0x1] =	stream.linear.gather [hbm4b:s13+s8], $0x80, $0x38;
	[tilespmem:$0x1E500] =	vst v63  }
0x51: {  	_ = 	snop  }
0x52: {  	[spmem:s2] =	stream.indirect.scatter.add.f32 [tilespmem:s24], [sflag:$0x5], $0x80, s20, s23, $0xb8;
	[tilespmem:$0x1E500] =	vst v63  }
0x53: {  	_ =	swait.ge [sflag:s22], $0x80  }
0x54: {  	[sflag:s22] =	ssyncset.done $0x0  }
0x55: {  	[sflag:s22] =	ssyncadd.s32 $0xFFFFFF80  }
0x56: {  	_ =	swait.ge [sflag:s30], $0x4000  }
0x57: {  	[sflag:s30] =	ssyncset.done $0x0  }
0x58: {  	[sflag:s30] =	ssyncadd.s32 $0xFFFFC000  }
0x59: {  	[tilespmem:s24], [sflag:$0x3] =	stream.indirect.gather [hbm4b:s4+s23], $0x80, s19, s23, $0xb8;
	[tilespmem:$0x1E500] =	vst v63  }
0x5a: {  	_ =	swait.ge [sflag:s31], $0x4000  }
0x5b: {  	[sflag:s31] =	ssyncset.done $0x0  }
0x5c: {  	s9 =	sadd.s32 $0x0, s17;
	[sflag:s31] =	ssyncadd.s32 $0xFFFFC000  }
0x5d: {  	[tilespmem:s25], [sflag:$0x2] =	stream.linear.gather [hbm4b:s9+s3], $0x80, $0x38;
	[tilespmem:$0x1E500] =	vst v63  }
0x5e: {  	s10 =	simm.s32 $0x13C80  }
0x5f: {  	[spmem:s2] =	stream.indirect.scatter.add.f32 [tilespmem:s26], [sflag:$0x6], $0x80, s10, s23, $0xb8;
	[tilespmem:$0x1E500] =	vst v63  }
0x60: {  	_ =	swait.ge [sflag:s28], $0x80  }
0x61: {  	[sflag:s28] =	ssyncset.done $0x0  }
0x62: {  	[sflag:s28] =	ssyncadd.s32 $0xFFFFFF80  }
0x63: {  	_ =	swait.ge [sflag:s1], $0x4000  }
0x64: {  	[sflag:s1] =	ssyncset.done $0x0  }
0x65: {  	[sflag:s1] =	ssyncadd.s32 $0xFFFFC000  }
0x66: {  	[tilespmem:s26], [sflag:$0x4] =	stream.indirect.gather [hbm4b:s4+s23], $0x80, s25, s23, $0xb8;
	[tilespmem:$0x1E500] =	vst v63  }
0x67: {  	_ =	swait.ge [sflag:s29], $0x4000  }
0x68: {  	s6 =	simm.s32 $0x13D00;
	s11 =	sadd.s32 $0x0, s18;
	[sflag:s29] =	ssyncset.done $0x0  }
0x69: {  	s8 =	simm.s32 $0x20;
	s9 =	simm.s32 $0x13E00;
	[sflag:s29] =	ssyncadd.s32 $0xFFFFC000  }
0x6a: {  	[tilespmem:s19], [sflag:$0x1] =	stream.linear.gather [hbm4b:s11+s3], $0x80, $0x38;
	[tilespmem:$0x1E500] =	vst v63  }
.LBB2_4:
0x6b: {  	[spmem:s2] =	stream.indirect.scatter.add.f32 [tilespmem:s24], [sflag:$0x5], $0x80, s6, s23, $0xb8;
	[tilespmem:$0x1E500] =	vst v63  }
0x6c: {  	s10 =	smov.u32 s8;
	s6 =	smov.u32 s9  }
0x6d: {  	p0 =	sne.s32 s8, $0x4A0;
	s8 =	sadd.s32 $0x20, s8;
	_ =	swait.ge [sflag:s22], $0x80  }
0x6e: {  	[sflag:s22] =	ssyncset.done $0x0  }
0x6f: {  	[sflag:s22] =	ssyncadd.s32 $0xFFFFFF80  }
0x70: {  	_ =	swait.ge [sflag:s30], $0x4000  }
0x71: {  	[sflag:s30] =	ssyncset.done $0x0  }
0x72: {  	[sflag:s30] =	ssyncadd.s32 $0xFFFFC000  }
0x73: {  	[tilespmem:s24], [sflag:$0x3] =	stream.indirect.gather [hbm4b:s4+s23], $0x80, s19, s23, $0xb8;
	[tilespmem:$0x1E500] =	vst v63  }
0x74: {  	_ =	swait.ge [sflag:s31], $0x4000  }
0x75: {  	[sflag:s31] =	ssyncset.done $0x0  }
0x76: {  	s11 =	sadd.s32 s10, s17;
	[sflag:s31] =	ssyncadd.s32 $0xFFFFC000  }
0x77: {  	[tilespmem:s25], [sflag:$0x2] =	stream.linear.gather [hbm4b:s11+s3], $0x80, $0x38;
	[tilespmem:$0x1E500] =	vst v63  }
0x78: {  	s11 =	sadd.s32 $0xFFFFFF80, s9  }
0x79: {  	[spmem:s2] =	stream.indirect.scatter.add.f32 [tilespmem:s26], [sflag:$0x6], $0x80, s11, s23, $0xb8;
	[tilespmem:$0x1E500] =	vst v63  }
0x7a: {  	_ =	swait.ge [sflag:s28], $0x80  }
0x7b: {  	[sflag:s28] =	ssyncset.done $0x0  }
0x7c: {  	[sflag:s28] =	ssyncadd.s32 $0xFFFFFF80  }
0x7d: {  	_ =	swait.ge [sflag:s1], $0x4000  }
0x7e: {  	[sflag:s1] =	ssyncset.done $0x0  }
0x7f: {  	[sflag:s1] =	ssyncadd.s32 $0xFFFFC000  }
0x80: {  	[tilespmem:s26], [sflag:$0x4] =	stream.indirect.gather [hbm4b:s4+s23], $0x80, s25, s23, $0xb8;
	[tilespmem:$0x1E500] =	vst v63  }
.Ltmp1:
0x81: {  	_ =	swait.ge [sflag:s29], $0x4000;
	(pc) =	sbr.rel @p0 .LBB2_4-.Ltmp1, $4  }
0x82: {  	[sflag:s29] =	ssyncset.done $0x0  }
0x83: {  	s10 =	sadd.s32 s10, s18;
	[sflag:s29] =	ssyncadd.s32 $0xFFFFC000  }
0x84: {  	[tilespmem:s19], [sflag:$0x1] =	stream.linear.gather [hbm4b:s10+s3], $0x80, $0x38;
	[tilespmem:$0x1E500] =	vst v63  }
0x85: {  	s9 =	sadd.s32 $0x100, s9  }
0x86: {  	[spmem:s2] =	stream.indirect.scatter.add.f32 [tilespmem:s24], [sflag:$0x5], $0x80, s6, s23, $0xb8;
	[tilespmem:$0x1E500] =	vst v63  }
0x87: {  	_ =	swait.ge [sflag:s22], $0x80  }
0x88: {  	[sflag:s22] =	ssyncset.done $0x0  }
0x89: {  	[sflag:s22] =	ssyncadd.s32 $0xFFFFFF80  }
0x8a: {  	_ =	swait.ge [sflag:s30], $0x4000  }
0x8b: {  	[sflag:s30] =	ssyncset.done $0x0  }
0x8c: {  	[sflag:s30] =	ssyncadd.s32 $0xFFFFC000  }
0x8d: {  	[tilespmem:s24], [sflag:$0x3] =	stream.indirect.gather [hbm4b:s4+s23], $0x80, s19, s23, $0xb8;
	[tilespmem:$0x1E500] =	vst v63  }
0x8e: {  	_ =	swait.ge [sflag:s31], $0x4000  }
0x8f: {  	[sflag:s31] =	ssyncset.done $0x0  }
0x90: {  	[sflag:s31] =	ssyncadd.s32 $0xFFFFC000  }
0x91: {  	[tilespmem:s25], [sflag:$0x2] =	stream.linear.gather [hbm4b:s16+s3], $0x80, $0x38;
	[tilespmem:$0x1E500] =	vst v63  }
0x92: {  	s8 =	simm.s32 $0x16280  }
0x93: {  	[spmem:s2] =	stream.indirect.scatter.add.f32 [tilespmem:s26], [sflag:$0x6], $0x80, s8, s23, $0xb8;
	[tilespmem:$0x1E500] =	vst v63  }
0x94: {  	_ =	swait.ge [sflag:s28], $0x80  }
0x95: {  	[sflag:s28] =	ssyncset.done $0x0  }
0x96: {  	[sflag:s28] =	ssyncadd.s32 $0xFFFFFF80  }
0x97: {  	_ =	swait.ge [sflag:s1], $0x4000  }
0x98: {  	[sflag:s1] =	ssyncset.done $0x0  }
0x99: {  	[sflag:s1] =	ssyncadd.s32 $0xFFFFC000  }
0x9a: {  	[tilespmem:s26], [sflag:$0x4] =	stream.indirect.gather [hbm4b:s4+s23], $0x80, s25, s23, $0xb8;
	[tilespmem:$0x1E500] =	vst v63  }
0x9b: {  	_ =	swait.ge [sflag:s29], $0x4000  }
0x9c: {  	[sflag:s29] =	ssyncset.done $0x0  }
0x9d: {  	[sflag:s29] =	ssyncadd.s32 $0xFFFFC000  }
0x9e: {  	[tilespmem:s19], [sflag:$0x1] =	stream.linear.gather [hbm4b:s16+s3], $0x80, $0x38;
	[tilespmem:$0x1E500] =	vst v63  }
0x9f: {  	s9 =	simm.s32 $0x16300  }
0xa0: {  	[spmem:s2] =	stream.indirect.scatter.add.f32 [tilespmem:s24], [sflag:$0x5], $0x80, s9, s23, $0xb8;
	[tilespmem:$0x1E500] =	vst v63  }
0xa1: {  	_ =	swait.ge [sflag:s31], $0x4000  }
0xa2: {  	[sflag:s31] =	ssyncset.done $0x0  }
0xa3: {  	s10 =	simm.s32 $0x16380;
	[sflag:s31] =	ssyncadd.s32 $0xFFFFC000  }
0xa4: {  	[spmem:s2] =	stream.indirect.scatter.add.f32 [tilespmem:s26], [sflag:$0x6], $0x80, s10, s23, $0xb8;
	[tilespmem:$0x1E500] =	vst v63  }
0xa5: {  	_ =	swait.ge [sflag:s22], $0x80  }
0xa6: {  	[sflag:s22] =	ssyncset.done $0x0  }
0xa7: {  	[sflag:s22] =	ssyncadd.s32 $0xFFFFFF80  }
0xa8: {  	_ =	swait.ge [sflag:s30], $0x4000  }
0xa9: {  	[sflag:s30] =	ssyncset.done $0x0  }
0xaa: {  	[sflag:s30] =	ssyncadd.s32 $0xFFFFC000  }
0xab: {  	s11 =	stileid.u32;
	_ =	swait.ge [sflag:s1], $0x4000  }
0xac: {  	s0 =	sadd.s32 $0x1, s0;
	s6 =	sshll.u32 s11, $0x6;
	[sflag:s1] =	ssyncset.done $0x0  }
0xad: {  	p0 =	sne.s32 s0, s15;
	s6 =	sor.u32 $0x1C07, s6;
	[sflag:s1] =	ssyncadd.s32 $0xFFFFC000  }
.Ltmp2:
0xae: {  	s8 =	sshrl.u32 s7, $0x3;
	[bflag:$0x0] =	sbarrier.arrive $0xFFFF;
	(pc) =	sbr.rel @p0 .LBB2_1-.Ltmp2, $4  }
0xaf: {  	[hbm:s14], [sflag:s6] =	dma.local [spmem:s8], $0x2780  }
0xb0: {  	_ =	swait.ge [sflag:s21], $0x2780  }
0xb1: {  	[sflag:s21] =	ssyncset.done $0x0  }
0xb2: {  	[sflag:s21] =	ssyncadd.s32 $0xFFFFD880  }
0xb3: {  	_ =	sfence.sel $0x180000  }
0xb4: {  	[bflag:$0x0] =	sbarrier.arrive $0xFFFF  }
0xb5: {  	_ =	strace $0x9000004A  }
0xb6: {  	s0 =	stileid.u32;
	[bflag:$0x2] =	sbarrier.arrive $0xFFFF  }
0xb7: {  	p0 =	sne.s32 s0, $0x0;
	s0 =	rddreg [dreg:$0x2]  }
0xb8: {  	s0 =	sadd.s32 @!p0 $0x100000, s0  }
0xb9: {  	[sflag:s0] =	ssyncadd.tile.s32 @!p0 $0x1;
	_ =	shalt  }
.Lfunc_end2:
_tile_overlayer_lowered:
.L_overlay_start_2:
0xba: {  	(tag) =	ssettag $0x2  }
0xbb: {  	s0 =	rddreg [dreg:$0x0];
	s2 =	stileid.u32  }
0xbc: {  	s1 =	rddreg [dreg:$0x1];
	p0 =	sne.s32 s2, $0x0  }
0xbd: {  	s3 =	rddreg [dreg:$0x2];
	[bflag:$0x3] =	sbarrier.arrive $0xFFFF;
	s2 =	simm.s32 @!p0 $0x1C07  }
0xbe: {  	[timem:s3], [sflag:s2] =	dma.local @!p0 [hbm:s0], s1  }
0xbf: {  	s0 =	simm.s32 @!p0 $0x7  }
0xc0: {  	_ =	swait.ge @!p0 [sflag:s0], s1  }
0xc1: {  	s1 =	ssub.s32 @!p0 $0x0, s1;
	[sflag:s0] =	ssyncset.done @!p0 $0x0  }
0xc2: {  	[sflag:s0] =	ssyncadd.s32 @!p0 s1  }
0xc3: {  	[bflag:$0x3] =	sbarrier.arrive $0xFFFF  }
0xc4: {  	_ =	shalt  }

// kernel: kernel.14.cloned.1.call-start
scs
__scs_entry_jumppad:
0x0: {  	(pc) =	sbr.rel $0x88, $3  }
0x1: {  	(tag) =	ssettag $0x0;
	lr =	simm.s32 $0x1  }
0x2: {  	[smem:$0x3F93] =	sst lr;
	_ =	strace $0xD0000000  }
0x3: {  	_ = 	snop  }
0x4: {  	_ = 	snop  }
0x5: {  	_ = 	snop  }
0x6: {  	_ = 	snop  }
0x7: {  	_ = 	snop  }
__scs_overlays_trampoline_lowered:
0x8: {  	[smem:$0x3FA2] =	sst s0  }
0x9: {  	[smem:$0x3FA3] =	sst s1  }
0xa: {  	[smem:$0x3FA4] =	sst s2  }
0xb: {  	[smem:$0x3FA5] =	sst s3  }
0xc: {  	[smem:$0x3FA6] =	sst s4  }
0xd: {  	[smem:$0x3FA7] =	sst s5  }
0xe: {  	[smem:$0x3FA8] =	sst s6  }
0xf: {  	[smem:$0x3FA9] =	sst s7  }
0x10: {  	[smem:$0x3FAA] =	sst s8  }
0x11: {  	[smem:$0x3FAB] =	sst s9;
	s0 =	simm.s32 @!p0 $0x0  }
0x12: {  	s1 =	sld [smem:$0x3F91];
	s0 =	simm.s32 @p0 $0x1  }
0x13: {  	[smem:$0x3FAC] =	sst s0;
	s0 =	simm.s32 @!p1 $0x0  }
0x14: {  	s2 =	sld [smem:$0x3F90];
	s0 =	simm.s32 @p1 $0x1  }
0x15: {  	[smem:$0x3FAD] =	sst s0;
	s0 =	simm.s32 @!p2 $0x0  }
0x16: {  	s3 =	sld [smem:$0x3FDB];
	s0 =	simm.s32 @p2 $0x1  }
0x17: {  	s4 =	simm.s32 $0x1BF5;
	[smem:$0x3FAF] =	sst s0  }
0x18: {  	s0 =	sld [smem:$0x3F92];
	_ =	swait.ge [sflag:s4], $0x0  }
0x19: {  	s7 =	sld [smem:$0x3F93]  }
0x1a: {  	s8 =	sadd.s32 $0xFFFFE003, lr  }
0x1b: {  	s9 =	sadd.s32 $0xFFFFFEF7, lr;
	s5 =	simm.s32 $0xFFFFFFFF;
	p2 =	slt.u32 s8, $0xFFFFF086  }
0x1c: {  	p1 =	slt.u32 s9, $0xF7A;
	s5 =	simm.s32 @!p2 $0x0  }
0x1d: {  	s5 =	simm.s32 @p1 $0x1;
	p0 =	seq.s32 s7, s2  }
0x1e: {  	s7 =	smul.u32 @!p0 $0xF7A, s2;
	p2 =	seq.s32 @!p0 s5, $0x0  }
0x1f: {  	s9 =	smul.u32 $0xF7A, s1;
	s8 =	simm.s32 @!p0 $0x1BF5;
	p2 =	por !p2, p0  }
0x20: {  	[sflag:s8] =	ssyncset.s32 @!p0 $0xFFFFF086;
	s6 =	sadd.s32 @!p0 s3, s7;
	s7 =	simm.s32 @!p0 $0x108  }
0x21: {  	s3 =	sadd.s32 s3, s9;
	s6 =	sadd.s32 @!p0 $0x88, s6;
	s7 =	simm.s32 @p2 $0x1082  }
0x22: {  	[simem:s7], [sflag:s8] =	dma.local @!p0 [hbm:s6], $0xF7A  }
0x23: {  	s9 =	sor.u32 $0xD0000000, s2;
	s6 =	simm.s32 $0x108;
	_ =	swait.ge @!p0 [sflag:s8], $0x0  }
0x24: {  	s3 =	sadd.s32 $0x88, s3;
	s6 =	simm.s32 @!p1 $0x1082;
	[sflag:s4] =	ssyncset.s32 $0xFFFFF086  }
0x25: {  	[simem:s6], [sflag:s4] =	dma.local [hbm:s3], $0xF7A  }
0x26: {  	[smem:$0x3F93] =	sst s1;
	(tag) =	ssettag s2;
	_ =	strace s9  }
0x27: {  	s1 =	sld [smem:$0x3FA3]  }
0x28: {  	s2 =	sld [smem:$0x3FA4]  }
0x29: {  	s4 =	sld [smem:$0x3FA6]  }
0x2a: {  	p0 =	seq.s32 s5, $0x0;
	s5 =	sld [smem:$0x3FA7]  }
0x2b: {  	s6 =	sld [smem:$0x3FA8]  }
0x2c: {  	s7 =	sld [smem:$0x3FA9]  }
0x2d: {  	s3 =	simm.s32 $0x108;
	s8 =	sld [smem:$0x3FAA]  }
0x2e: {  	s3 =	simm.s32 @!p0 $0x1082;
	s9 =	sld [smem:$0x3FAB]  }
0x2f: {  	lr =	sadd.s32 s0, s3;
	s0 =	sld [smem:$0x3FA2]  }
0x30: {  	s3 =	sld [smem:$0x3FA5]  }
0x31: {  	[smem:$0x3FAE] =	sst s10  }
0x32: {  	s10 =	sld [smem:$0x3FAC];
	_ =	sdelay $0x3  }
0x33: {  	p0 =	seq.s32 s10, $0x1;
	s10 =	sld [smem:$0x3FAE];
	_ =	sdelay $0x3  }
0x34: {  	[smem:$0x3FAE] =	sst s10  }
0x35: {  	s10 =	sld [smem:$0x3FAD];
	_ =	sdelay $0x3  }
0x36: {  	p1 =	seq.s32 s10, $0x1;
	s10 =	sld [smem:$0x3FAE];
	_ =	sdelay $0x3  }
0x37: {  	[smem:$0x3FAE] =	sst s10  }
0x38: {  	s10 =	sld [smem:$0x3FAF]  }
0x39: {  	_ = 	snop;
	(pc) =	sbr.ind lr, $3  }
0x3a: {  	_ = 	snop  }
0x3b: {  	_ = 	snop  }
0x3c: {  	p2 =	seq.s32 s10, $0x1;
	s10 =	sld [smem:$0x3FAE]  }
0x3d: {  	_ =	shalt  }
0x3e: {  	_ =	shalt  }
0x3f: {  	_ =	shalt  }
0x40: {  	_ =	shalt  }
0x41: {  	_ =	shalt  }
0x42: {  	_ =	shalt  }
0x43: {  	_ =	shalt  }
0x44: {  	_ =	shalt  }
0x45: {  	_ =	shalt  }
0x46: {  	_ =	shalt  }
0x47: {  	_ =	shalt  }
0x48: {  	_ =	shalt  }
0x49: {  	_ =	shalt  }
0x4a: {  	_ =	shalt  }
0x4b: {  	_ =	shalt  }
0x4c: {  	_ =	shalt  }
0x4d: {  	_ =	shalt  }
0x4e: {  	_ =	shalt  }
0x4f: {  	_ =	shalt  }
0x50: {  	_ =	shalt  }
0x51: {  	_ =	shalt  }
0x52: {  	_ =	shalt  }
0x53: {  	_ =	shalt  }
0x54: {  	_ =	shalt  }
0x55: {  	_ =	shalt  }
0x56: {  	_ =	shalt  }
0x57: {  	_ =	shalt  }
0x58: {  	_ =	shalt  }
0x59: {  	_ =	shalt  }
0x5a: {  	_ =	shalt  }
0x5b: {  	_ =	shalt  }
0x5c: {  	_ =	shalt  }
0x5d: {  	_ =	shalt  }
0x5e: {  	_ =	shalt  }
0x5f: {  	_ =	shalt  }
0x60: {  	_ =	shalt  }
0x61: {  	_ =	shalt  }
0x62: {  	_ =	shalt  }
0x63: {  	_ =	shalt  }
0x64: {  	_ =	shalt  }
0x65: {  	_ =	shalt  }
0x66: {  	_ =	shalt  }
0x67: {  	_ =	shalt  }
0x68: {  	_ =	shalt  }
0x69: {  	_ =	shalt  }
0x6a: {  	_ =	shalt  }
0x6b: {  	_ =	shalt  }
0x6c: {  	_ =	shalt  }
0x6d: {  	_ =	shalt  }
0x6e: {  	_ =	shalt  }
0x6f: {  	_ =	shalt  }
0x70: {  	_ =	shalt  }
0x71: {  	_ =	shalt  }
0x72: {  	_ =	shalt  }
0x73: {  	_ =	shalt  }
0x74: {  	_ =	shalt  }
0x75: {  	_ =	shalt  }
0x76: {  	_ =	shalt  }
0x77: {  	_ =	shalt  }
0x78: {  	_ =	shalt  }
0x79: {  	_ =	shalt  }
0x7a: {  	_ =	shalt  }
0x7b: {  	_ =	shalt  }
0x7c: {  	_ =	shalt  }
0x7d: {  	_ =	shalt  }
0x7e: {  	_ =	shalt  }
0x7f: {  	_ =	shalt  }
0x80: {  	_ =	shalt  }
0x81: {  	_ =	shalt  }
0x82: {  	_ =	shalt  }
0x83: {  	_ =	shalt  }
0x84: {  	_ =	shalt  }
0x85: {  	_ =	shalt  }
0x86: {  	_ =	shalt  }
0x87: {  	_ =	shalt  }
.Lfunc_end0:
.L_simem_size_0:
called_computation.2_lowered:
.L_overlay_start_0:
0x88: {  	s2 =	sld [smem:$0x3FD9]  }
0x89: {  	s3 =	sld [smem:$0x3FFE];
	_ =	sdelay $0x1  }
0x8a: {  	s1 =	srdreg.scid  }
0x8b: {  	s0 =	sand.u32 $0x1, s1  }
0x8c: {  	s16 =	sshll.u32 s0, $0xA;
	s2 =	sadd.s32 s3, s2  }
0x8d: {  	s2 =	sadd.s32 s2, s16  }
0x8e: {  	[smem:$0x3FBA] =	sst s2  }
0x8f: {  	_ = 	snop  }
0x90: {  	(tm) =	ssettm $0x1  }
0x91: {  	s17 =	sld [smem:$0x3FFB];
	_ =	sdelay $0x3  }
0x92: {  	_ =	strace s17  }
0x93: {  	s2 =	sld [smem:$0x3FFC];
	_ =	sdelay $0x3  }
0x94: {  	_ =	strace s2  }
0x95: {  	s2 =	sld [smem:$0x3FFD];
	_ =	sdelay $0x3  }
0x96: {  	_ =	strace s2  }
0x97: {  	_ =	strace $0x8FFFFFFF  }
0x98: {  	s18 =	sld [smem:$0x3FDB];
	_ =	sdelay $0x1  }
0x99: {  	s19 =	simm.s32 $_scs_section_size  }
0x9a: {  	s4 =	simm.s32 $_size__tile_overlayer_lowered;
	s5 =	simm.s32 $_tile_overlayer_lowered  }
0x9b: {  	s22 =	simm.s32 $0x1BFF;
	s21 =	sshll.u32 s5, $0x1;
	s2 =	sadd.s32 s19, s18  }
0x9c: {  	s6 =	simm.s32 $0x0;
	s20 =	sshll.u32 s4, $0x1;
	s4 =	sadd.s32 s21, s2  }
0x9d: {  	[timem:s6], [sflag:s22] =	dma.local [hbm:s4], s20  }
0x9e: {  	_ =	swait.ge [sflag:s22], s20  }
0x9f: {  	s3 =	ssub.s32 $0x0, s20;
	[sflag:s22] =	ssyncset.done $0x0  }
0xa0: {  	[sflag:s22] =	ssyncadd.s32 s3;
	_ =	sdelay $0x1  }
0xa1: {  	s23 =	simm.s32 $0x1B8B  }
0xa2: {  	_ =	swait.ge [sflag:s23], $0x1  }
0xa3: {  	[sflag:s23] =	ssyncset.done $0x0  }
0xa4: {  	s25 =	simm.s32 $0x1B8E;
	s24 =	sld [smem:$0x3FFE];
	[sflag:s23] =	ssyncadd.s32 $0xFFFFFFFF  }
0xa5: {  	s26 =	simm.s32 $execute0_lowered;
	[smem:$0x3FD2] =	sst s25  }
0xa6: {  	s4 =	sshll.u32 s26, $0x1;
	_ =	strace $0x8000004C;
	[dreg:$0x1] =	wrdreg $0xFFFFFFFF  }
0xa7: {  	s28 =	simm.s32 $_size_execute0_lowered;
	s2 =	sadd.s32 s2, s4;
	[dreg:$0x0] =	wrdreg $0x0  }
0xa8: {  	s4 =	sshll.u32 s28, $0x1;
	[dreg:$0x2] =	wrdreg s2  }
0xa9: {  	[dreg:$0x3] =	wrdreg s4  }
0xaa: {  	[dreg:$0x4] =	wrdreg $0xC0  }
0xab: {  	_ =	task [dreg:s6], $0x5FFFF  }
0xac: {  	[dreg:$0x1] =	wrdreg $0xFFFFFFFF  }
0xad: {  	[dreg:$0x0] =	wrdreg $0x60  }
0xae: {  	[dreg:$0x2] =	wrdreg s24  }
0xaf: {  	[dreg:$0x3] =	wrdreg $0x0  }
0xb0: {  	[dreg:$0x4] =	wrdreg $0x9  }
0xb1: {  	_ =	task.clear_ibuf [dreg:s6], $0x5FFFF;
	_ =	strace $0x9000004C  }
0xb2: {  	s29 =	simm.s32 $0x9;
	_ =	strace $0x8000004E  }
0xb3: {  	_ =	swait.ge [sflag:s29], $0x1  }
0xb4: {  	[sflag:s29] =	ssyncadd.s32 $0xFFFFFFFF  }
0xb5: {  	_ =	strace $0x9000004E  }
0xb6: {  	_ =	sfence  }
0xb7: {  	s30 =	sld [smem:$0x0];
	_ =	sdelay $0x2  }
0xb8: {  	s31 =	sshll.u32 s1, $0xD;
	s1 =	sshrl.u32 s1, $0x2  }
0xb9: {  	s3 =	sand.u32 $0x4000, s31;
	s1 =	sadd.s32 s1, s30  }
0xba: {  	s0 =	sor.u32 s3, s0;
	s1 =	sshll.u32 s1, $0x11  }
0xbb: {  	s0 =	sor.u32 s1, s0  }
0xbc: {  	s0 =	sadd.s32 $0x8F2B, s0  }
0xbd: {  	[sflag:s0] =	ssyncadd.remote.s32 $0x1  }
0xbe: {  	_ =	sfence.sel $0xFFFF  }
0xbf: {  	[dreg:$0x0] =	wrdreg $0xFFFFFFFF;
	(pc) =	sbr.abs _section_cstart, $3  }
0xc0: {  	[dreg:$0x1] =	wrdreg $0xFFFFFFFF  }
0xc1: {  	_ =	task.clear_ibuf [dreg:s6], $0x2FFFF;
	_ =	strace $0x9FFFFFFF  }
0xc2: {  	(tm) =	ssettm $0x7FFFFFFF  }
0xc3: {  	_ =	shalt  }
tec
execute0_lowered:
.L_overlay_start_1:
0x0: {  	(tag) =	ssettag $0x1  }
0x1: {  	s0 =	srdreg.scid  }
0x2: {  	s12 =	stileid.u32;
	s1 =	rddreg [dreg:$0x0]  }
0x3: {  	s2 =	rddreg [dreg:$0x1];
	s19 =	simm.s32 $0x16400;
	s8 =	smul.u32 $0x13C00, s12  }
0x4: {  	s28 =	simm.s32 $0x2;
	s29 =	simm.s32 $0x3;
	s11 =	smul.u32 $0x4F000, s12  }
0x5: {  	s30 =	simm.s32 $0x5;
	s0 =	sand.u32 $0x1, s0;
	s13 =	smul.u32 $0x5000, s12  }
0x6: {  	s31 =	simm.s32 $0x4;
	s3 =	sshll.u32 s12, $0x1;
	s7 =	smul.u32 $0x13C000, s0  }
0x7: {  	s5 =	sor.u32 s0, s3;
	s20 =	ssub.s32 $0x2, s0;
	s0 =	smul.u32 $0x2800, s0  }
0x8: {  	s4 =	sadd.s32 $0x16C00, s1;
	s3 =	simm.s32 $0x0;
	s6 =	smul.u32 $0x500, s5  }
0x9: {  	s9 =	sadd.s32 $0x2C00, s1;
	[smem:$0x7FF] =	sst s3;
	s5 =	smul.u32 $0x2800, s5  }
0xa: {  	s10 =	sshrl.u32 s20, $0x1;
	s21 =	sshrl.u32 s11, $0x2;
	_ =	strace $0x8000004D  }
0xb: {  	s7 =	sadd.s32 s8, s7;
	s8 =	ssub.s32 s20, s10;
	s0 =	sadd.s32 s0, s13  }
0xc: {  	s20 =	simm.s32 $0x13C00;
	s6 =	sadd.s32 s6, s1;
	s7 =	sshrl.u32 s7, $0x3  }
0xd: {  	s5 =	sshrl.u32 s5, $0x3;
	s26 =	sor.u32 $0x180, s0;
	s15 =	smax.u32 s8, $0x1  }
0xe: {  	s0 =	sor.u32 $0x200, s0;
	s1 =	sadd.s32 s7, s1;
	s5 =	sadd.s32 s9, s5  }
0xf: {  	s6 =	sadd.s32 $0xCC00, s6;
	s7 =	sadd.s32 s21, s2;
	s0 =	sshrl.u32 s0, $0x3  }
0x10: {  	s21 =	simm.s32 $0x7;
	[dreg:$0x3] =	wrdreg s6;
	s22 =	sadd.s32 $0x10, s5  }
0x11: {  	s23 =	sadd.s32 $0x4000, s7;
	s24 =	sadd.s32 $0x8000, s7;
	s25 =	sadd.s32 $0xC000, s7  }
0x12: {  	s12 =	sadd.s32 $0x10000, s7;
	s13 =	sadd.s32 $0x20, s5;
	[dreg:$0x4] =	wrdreg s22  }
0x13: {  	s14 =	sadd.s32 $0x3DE00, s1;
	s1 =	sshrl.u32 s26, $0x3;
	[dreg:$0x5] =	wrdreg s23  }
0x14: {  	s16 =	sadd.s32 $0x4F0, s5;
	s18 =	sadd.s32 s0, s9;
	[dreg:$0x6] =	wrdreg s24  }
0x15: {  	s26 =	simm.s32 $0x1A500;
	s0 =	simm.s32 $0x0;
	[dreg:$0x7] =	wrdreg s25  }
0x16: {  	s17 =	sadd.s32 s1, s9;
	s22 =	simm.s32 $0x1;
	s23 =	simm.s32 $0x80  }
0x17: {  	v0 =	vimm.f32 $0.0e+00;
	s24 =	simm.s32 $0x16500;
	s25 =	simm.s32 $0x16480;
	s1 =	simm.s32 $0x6  }
.LBB2_1:
0x18: {  	[tilespmem:s19], [sflag:$0x1] =	stream.linear.gather [hbm4b:s5+s3], $0x80, $0x38;
	[tilespmem:$0x1E500] =	vst v63  }
0x19: {  	s6 =	rddreg [dreg:$0x3]  }
0x1a: {  	[tilespmem:s20], [sflag:$0x7] =	stream.linear.gather [hbm4b:s6+s3], $0x2800, $0x38;
	[tilespmem:$0x1E500] =	vst v63  }
0x1b: {  	_ =	swait.ge [sflag:s21], $0x2800  }
0x1c: {  	[sflag:s21] =	ssyncset.done $0x0  }
0x1d: {  	[sflag:s21] =	ssyncadd.s32 $0xFFFFD800  }
0x1e: {  	_ =	swait.ge [sflag:s22], $0x80  }
0x1f: {  	[sflag:s22] =	ssyncset.done $0x0  }
0x20: {  	[sflag:s22] =	ssyncadd.s32 $0xFFFFFF80  }
0x21: {  	[tilespmem:s24], [sflag:$0x3] =	stream.indirect.gather [hbm4b:s4+s23], $0x80, s19, s23, $0xb8;
	[tilespmem:$0x1E500] =	vst v63  }
0x22: {  	s8 =	simm.s32 $0x200;
	s6 =	simm.s32 $0x0;
	s11 =	rddreg [dreg:$0x4]  }
0x23: {  	[tilespmem:s25], [sflag:$0x2] =	stream.linear.gather [hbm4b:s11+s3], $0x80, $0x38;
	[tilespmem:$0x1E500] =	vst v63  }
.LBB2_2:
0x24: {  	p0 =	sne.s32 s8, $0xFE00;
	[tilespmem:s6+$0x1A570] =	vst v0  }
0x25: {  	[tilespmem:s6+$0x1A500] =	vst v0  }
0x26: {  	[tilespmem:s6+$0x1A510] =	vst v0  }
.Ltmp0:
0x27: {  	[tilespmem:s6+$0x1A520] =	vst v0;
	(pc) =	sbr.rel @p0 .LBB2_2-.Ltmp0, $4  }
0x28: {  	[tilespmem:s6+$0x1A530] =	vst v0  }
0x29: {  	[tilespmem:s6+$0x1A540] =	vst v0  }
0x2a: {  	[tilespmem:s6+$0x1A550] =	vst v0  }
0x2b: {  	[tilespmem:s6+$0x1A560] =	vst v0;
	s6 =	sshra.s32 s8, $0x2;
	s8 =	sadd.s32 $0x200, s8  }
0x2c: {  	[tilespmem:s6+$0x1A570] =	vst v0  }
0x2d: {  	[tilespmem:s6+$0x1A500] =	vst v0  }
0x2e: {  	[tilespmem:s6+$0x1A510] =	vst v0  }
0x2f: {  	[tilespmem:s6+$0x1A520] =	vst v0  }
0x30: {  	[tilespmem:s6+$0x1A530] =	vst v0  }
0x31: {  	[tilespmem:s6+$0x1A540] =	vst v0  }
0x32: {  	[tilespmem:s6+$0x1A550] =	vst v0  }
0x33: {  	[tilespmem:s6+$0x1A560] =	vst v0  }
0x34: {  	[spmem:s7] =	stream.linear.scatter [tilespmem:s26], [sflag:$0x7], $0x4000, $0x38;
	[tilespmem:$0x1E500] =	vst v63  }
0x35: {  	_ =	swait.ge [sflag:s21], $0x4000  }
0x36: {  	[sflag:s21] =	ssyncset.done $0x0  }
0x37: {  	s9 =	rddreg [dreg:$0x5];
	[sflag:s21] =	ssyncadd.s32 $0xFFFFC000  }
0x38: {  	[spmem:s9] =	stream.linear.scatter [tilespmem:s26], [sflag:$0x7], $0x4000, $0x38;
	[tilespmem:$0x1E500] =	vst v63  }
0x39: {  	_ =	swait.ge [sflag:s21], $0x4000  }
0x3a: {  	[sflag:s21] =	ssyncset.done $0x0  }
0x3b: {  	s10 =	rddreg [dreg:$0x6];
	[sflag:s21] =	ssyncadd.s32 $0xFFFFC000  }
0x3c: {  	[spmem:s10] =	stream.linear.scatter [tilespmem:s26], [sflag:$0x7], $0x4000, $0x38;
	[tilespmem:$0x1E500] =	vst v63  }
0x3d: {  	_ =	swait.ge [sflag:s21], $0x4000  }
0x3e: {  	[sflag:s21] =	ssyncset.done $0x0  }
0x3f: {  	s11 =	rddreg [dreg:$0x7];
	[sflag:s21] =	ssyncadd.s32 $0xFFFFC000  }
0x40: {  	[spmem:s11] =	stream.linear.scatter [tilespmem:s26], [sflag:$0x7], $0x4000, $0x38;
	[tilespmem:$0x1E500] =	vst v63  }
0x41: {  	_ =	swait.ge [sflag:s21], $0x4000  }
0x42: {  	[sflag:s21] =	ssyncset.done $0x0  }
0x43: {  	[sflag:s21] =	ssyncadd.s32 $0xFFFFC000  }
0x44: {  	[spmem:s12] =	stream.linear.scatter [tilespmem:s26], [sflag:$0x7], $0x3C00, $0x38;
	[tilespmem:$0x1E500] =	vst v63  }
0x45: {  	_ =	swait.ge [sflag:s21], $0x3C00  }
0x46: {  	[sflag:s21] =	ssyncset.done $0x0  }
0x47: {  	[sflag:s21] =	ssyncadd.s32 $0xFFFFC400  }
0x48: {  	[bflag:$0x0] =	sbarrier.arrive $0xFFFF  }
0x49: {  	_ =	swait.ge [sflag:s28], $0x80  }
0x4a: {  	[sflag:s28] =	ssyncset.done $0x0  }
0x4b: {  	[sflag:s28] =	ssyncadd.s32 $0xFFFFFF80  }
0x4c: {  	[tilespmem:s26], [sflag:$0x4] =	stream.indirect.gather [hbm4b:s4+s23], $0x80, s25, s23, $0xb8;
	[tilespmem:$0x1E500] =	vst v63  }
0x4d: {  	_ =	swait.ge [sflag:s29], $0x4000  }
0x4e: {  	[sflag:s29] =	ssyncset.done $0x0  }
0x4f: {  	s8 =	simm.s32 $0x0;
	[sflag:s29] =	ssyncadd.s32 $0xFFFFC000  }
0x50: {  	[tilespmem:s19], [sflag:$0x1] =	stream.linear.gather [hbm4b:s13+s8], $0x80, $0x38;
	[tilespmem:$0x1E500] =	vst v63  }
0x51: {  	_ = 	snop  }
0x52: {  	[spmem:s2] =	stream.indirect.scatter.add.f32 [tilespmem:s24], [sflag:$0x5], $0x80, s20, s23, $0xb8;
	[tilespmem:$0x1E500] =	vst v63  }
0x53: {  	_ =	swait.ge [sflag:s22], $0x80  }
0x54: {  	[sflag:s22] =	ssyncset.done $0x0  }
0x55: {  	[sflag:s22] =	ssyncadd.s32 $0xFFFFFF80  }
0x56: {  	_ =	swait.ge [sflag:s30], $0x4000  }
0x57: {  	[sflag:s30] =	ssyncset.done $0x0  }
0x58: {  	[sflag:s30] =	ssyncadd.s32 $0xFFFFC000  }
0x59: {  	[tilespmem:s24], [sflag:$0x3] =	stream.indirect.gather [hbm4b:s4+s23], $0x80, s19, s23, $0xb8;
	[tilespmem:$0x1E500] =	vst v63  }
0x5a: {  	_ =	swait.ge [sflag:s31], $0x4000  }
0x5b: {  	[sflag:s31] =	ssyncset.done $0x0  }
0x5c: {  	s9 =	sadd.s32 $0x0, s17;
	[sflag:s31] =	ssyncadd.s32 $0xFFFFC000  }
0x5d: {  	[tilespmem:s25], [sflag:$0x2] =	stream.linear.gather [hbm4b:s9+s3], $0x80, $0x38;
	[tilespmem:$0x1E500] =	vst v63  }
0x5e: {  	s10 =	simm.s32 $0x13C80  }
0x5f: {  	[spmem:s2] =	stream.indirect.scatter.add.f32 [tilespmem:s26], [sflag:$0x6], $0x80, s10, s23, $0xb8;
	[tilespmem:$0x1E500] =	vst v63  }
0x60: {  	_ =	swait.ge [sflag:s28], $0x80  }
0x61: {  	[sflag:s28] =	ssyncset.done $0x0  }
0x62: {  	[sflag:s28] =	ssyncadd.s32 $0xFFFFFF80  }
0x63: {  	_ =	swait.ge [sflag:s1], $0x4000  }
0x64: {  	[sflag:s1] =	ssyncset.done $0x0  }
0x65: {  	[sflag:s1] =	ssyncadd.s32 $0xFFFFC000  }
0x66: {  	[tilespmem:s26], [sflag:$0x4] =	stream.indirect.gather [hbm4b:s4+s23], $0x80, s25, s23, $0xb8;
	[tilespmem:$0x1E500] =	vst v63  }
0x67: {  	_ =	swait.ge [sflag:s29], $0x4000  }
0x68: {  	s6 =	simm.s32 $0x13D00;
	s11 =	sadd.s32 $0x0, s18;
	[sflag:s29] =	ssyncset.done $0x0  }
0x69: {  	s8 =	simm.s32 $0x20;
	s9 =	simm.s32 $0x13E00;
	[sflag:s29] =	ssyncadd.s32 $0xFFFFC000  }
0x6a: {  	[tilespmem:s19], [sflag:$0x1] =	stream.linear.gather [hbm4b:s11+s3], $0x80, $0x38;
	[tilespmem:$0x1E500] =	vst v63  }
.LBB2_4:
0x6b: {  	[spmem:s2] =	stream.indirect.scatter.add.f32 [tilespmem:s24], [sflag:$0x5], $0x80, s6, s23, $0xb8;
	[tilespmem:$0x1E500] =	vst v63  }
0x6c: {  	s10 =	smov.u32 s8;
	s6 =	smov.u32 s9  }
0x6d: {  	p0 =	sne.s32 s8, $0x4A0;
	s8 =	sadd.s32 $0x20, s8;
	_ =	swait.ge [sflag:s22], $0x80  }
0x6e: {  	[sflag:s22] =	ssyncset.done $0x0  }
0x6f: {  	[sflag:s22] =	ssyncadd.s32 $0xFFFFFF80  }
0x70: {  	_ =	swait.ge [sflag:s30], $0x4000  }
0x71: {  	[sflag:s30] =	ssyncset.done $0x0  }
0x72: {  	[sflag:s30] =	ssyncadd.s32 $0xFFFFC000  }
0x73: {  	[tilespmem:s24], [sflag:$0x3] =	stream.indirect.gather [hbm4b:s4+s23], $0x80, s19, s23, $0xb8;
	[tilespmem:$0x1E500] =	vst v63  }
0x74: {  	_ =	swait.ge [sflag:s31], $0x4000  }
0x75: {  	[sflag:s31] =	ssyncset.done $0x0  }
0x76: {  	s11 =	sadd.s32 s10, s17;
	[sflag:s31] =	ssyncadd.s32 $0xFFFFC000  }
0x77: {  	[tilespmem:s25], [sflag:$0x2] =	stream.linear.gather [hbm4b:s11+s3], $0x80, $0x38;
	[tilespmem:$0x1E500] =	vst v63  }
0x78: {  	s11 =	sadd.s32 $0xFFFFFF80, s9  }
0x79: {  	[spmem:s2] =	stream.indirect.scatter.add.f32 [tilespmem:s26], [sflag:$0x6], $0x80, s11, s23, $0xb8;
	[tilespmem:$0x1E500] =	vst v63  }
0x7a: {  	_ =	swait.ge [sflag:s28], $0x80  }
0x7b: {  	[sflag:s28] =	ssyncset.done $0x0  }
0x7c: {  	[sflag:s28] =	ssyncadd.s32 $0xFFFFFF80  }
0x7d: {  	_ =	swait.ge [sflag:s1], $0x4000  }
0x7e: {  	[sflag:s1] =	ssyncset.done $0x0  }
0x7f: {  	[sflag:s1] =	ssyncadd.s32 $0xFFFFC000  }
0x80: {  	[tilespmem:s26], [sflag:$0x4] =	stream.indirect.gather [hbm4b:s4+s23], $0x80, s25, s23, $0xb8;
	[tilespmem:$0x1E500] =	vst v63  }
.Ltmp1:
0x81: {  	_ =	swait.ge [sflag:s29], $0x4000;
	(pc) =	sbr.rel @p0 .LBB2_4-.Ltmp1, $4  }
0x82: {  	[sflag:s29] =	ssyncset.done $0x0  }
0x83: {  	s10 =	sadd.s32 s10, s18;
	[sflag:s29] =	ssyncadd.s32 $0xFFFFC000  }
0x84: {  	[tilespmem:s19], [sflag:$0x1] =	stream.linear.gather [hbm4b:s10+s3], $0x80, $0x38;
	[tilespmem:$0x1E500] =	vst v63  }
0x85: {  	s9 =	sadd.s32 $0x100, s9  }
0x86: {  	[spmem:s2] =	stream.indirect.scatter.add.f32 [tilespmem:s24], [sflag:$0x5], $0x80, s6, s23, $0xb8;
	[tilespmem:$0x1E500] =	vst v63  }
0x87: {  	_ =	swait.ge [sflag:s22], $0x80  }
0x88: {  	[sflag:s22] =	ssyncset.done $0x0  }
0x89: {  	[sflag:s22] =	ssyncadd.s32 $0xFFFFFF80  }
0x8a: {  	_ =	swait.ge [sflag:s30], $0x4000  }
0x8b: {  	[sflag:s30] =	ssyncset.done $0x0  }
0x8c: {  	[sflag:s30] =	ssyncadd.s32 $0xFFFFC000  }
0x8d: {  	[tilespmem:s24], [sflag:$0x3] =	stream.indirect.gather [hbm4b:s4+s23], $0x80, s19, s23, $0xb8;
	[tilespmem:$0x1E500] =	vst v63  }
0x8e: {  	_ =	swait.ge [sflag:s31], $0x4000  }
0x8f: {  	[sflag:s31] =	ssyncset.done $0x0  }
0x90: {  	[sflag:s31] =	ssyncadd.s32 $0xFFFFC000  }
0x91: {  	[tilespmem:s25], [sflag:$0x2] =	stream.linear.gather [hbm4b:s16+s3], $0x80, $0x38;
	[tilespmem:$0x1E500] =	vst v63  }
0x92: {  	s8 =	simm.s32 $0x16280  }
0x93: {  	[spmem:s2] =	stream.indirect.scatter.add.f32 [tilespmem:s26], [sflag:$0x6], $0x80, s8, s23, $0xb8;
	[tilespmem:$0x1E500] =	vst v63  }
0x94: {  	_ =	swait.ge [sflag:s28], $0x80  }
0x95: {  	[sflag:s28] =	ssyncset.done $0x0  }
0x96: {  	[sflag:s28] =	ssyncadd.s32 $0xFFFFFF80  }
0x97: {  	_ =	swait.ge [sflag:s1], $0x4000  }
0x98: {  	[sflag:s1] =	ssyncset.done $0x0  }
0x99: {  	[sflag:s1] =	ssyncadd.s32 $0xFFFFC000  }
0x9a: {  	[tilespmem:s26], [sflag:$0x4] =	stream.indirect.gather [hbm4b:s4+s23], $0x80, s25, s23, $0xb8;
	[tilespmem:$0x1E500] =	vst v63  }
0x9b: {  	_ =	swait.ge [sflag:s29], $0x4000  }
0x9c: {  	[sflag:s29] =	ssyncset.done $0x0  }
0x9d: {  	[sflag:s29] =	ssyncadd.s32 $0xFFFFC000  }
0x9e: {  	[tilespmem:s19], [sflag:$0x1] =	stream.linear.gather [hbm4b:s16+s3], $0x80, $0x38;
	[tilespmem:$0x1E500] =	vst v63  }
0x9f: {  	s9 =	simm.s32 $0x16300  }
0xa0: {  	[spmem:s2] =	stream.indirect.scatter.add.f32 [tilespmem:s24], [sflag:$0x5], $0x80, s9, s23, $0xb8;
	[tilespmem:$0x1E500] =	vst v63  }
0xa1: {  	_ =	swait.ge [sflag:s31], $0x4000  }
0xa2: {  	[sflag:s31] =	ssyncset.done $0x0  }
0xa3: {  	s10 =	simm.s32 $0x16380;
	[sflag:s31] =	ssyncadd.s32 $0xFFFFC000  }
0xa4: {  	[spmem:s2] =	stream.indirect.scatter.add.f32 [tilespmem:s26], [sflag:$0x6], $0x80, s10, s23, $0xb8;
	[tilespmem:$0x1E500] =	vst v63  }
0xa5: {  	_ =	swait.ge [sflag:s22], $0x80  }
0xa6: {  	[sflag:s22] =	ssyncset.done $0x0  }
0xa7: {  	[sflag:s22] =	ssyncadd.s32 $0xFFFFFF80  }
0xa8: {  	_ =	swait.ge [sflag:s30], $0x4000  }
0xa9: {  	[sflag:s30] =	ssyncset.done $0x0  }
0xaa: {  	[sflag:s30] =	ssyncadd.s32 $0xFFFFC000  }
0xab: {  	s11 =	stileid.u32;
	_ =	swait.ge [sflag:s1], $0x4000  }
0xac: {  	s0 =	sadd.s32 $0x1, s0;
	s6 =	sshll.u32 s11, $0x6;
	[sflag:s1] =	ssyncset.done $0x0  }
0xad: {  	p0 =	sne.s32 s0, s15;
	s6 =	sor.u32 $0x1C07, s6;
	[sflag:s1] =	ssyncadd.s32 $0xFFFFC000  }
.Ltmp2:
0xae: {  	s8 =	sshrl.u32 s7, $0x3;
	[bflag:$0x0] =	sbarrier.arrive $0xFFFF;
	(pc) =	sbr.rel @p0 .LBB2_1-.Ltmp2, $4  }
0xaf: {  	[hbm:s14], [sflag:s6] =	dma.local [spmem:s8], $0x2780  }
0xb0: {  	_ =	swait.ge [sflag:s21], $0x2780  }
0xb1: {  	[sflag:s21] =	ssyncset.done $0x0  }
0xb2: {  	[sflag:s21] =	ssyncadd.s32 $0xFFFFD880  }
0xb3: {  	_ =	sfence.sel $0x180000  }
0xb4: {  	[bflag:$0x0] =	sbarrier.arrive $0xFFFF  }
0xb5: {  	_ =	strace $0x9000004D  }
0xb6: {  	s0 =	stileid.u32;
	[bflag:$0x2] =	sbarrier.arrive $0xFFFF  }
0xb7: {  	p0 =	sne.s32 s0, $0x0;
	s0 =	rddreg [dreg:$0x2]  }
0xb8: {  	s0 =	sadd.s32 @!p0 $0x100000, s0  }
0xb9: {  	[sflag:s0] =	ssyncadd.tile.s32 @!p0 $0x1;
	_ =	shalt  }
.Lfunc_end2:
_tile_overlayer_lowered:
.L_overlay_start_2:
0xba: {  	(tag) =	ssettag $0x2  }
0xbb: {  	s0 =	rddreg [dreg:$0x0];
	s2 =	stileid.u32  }
0xbc: {  	s1 =	rddreg [dreg:$0x1];
	p0 =	sne.s32 s2, $0x0  }
0xbd: {  	s3 =	rddreg [dreg:$0x2];
	[bflag:$0x3] =	sbarrier.arrive $0xFFFF;
	s2 =	simm.s32 @!p0 $0x1C07  }
0xbe: {  	[timem:s3], [sflag:s2] =	dma.local @!p0 [hbm:s0], s1  }
0xbf: {  	s0 =	simm.s32 @!p0 $0x7  }
0xc0: {  	_ =	swait.ge @!p0 [sflag:s0], s1  }
0xc1: {  	s1 =	ssub.s32 @!p0 $0x0, s1;
	[sflag:s0] =	ssyncset.done @!p0 $0x0  }
0xc2: {  	[sflag:s0] =	ssyncadd.s32 @!p0 s1  }
0xc3: {  	[bflag:$0x3] =	sbarrier.arrive $0xFFFF  }
0xc4: {  	_ =	shalt  }

// kernel: kernel.8.cloned.1.call-start
scs
__scs_entry_jumppad:
0x0: {  	(pc) =	sbr.rel $0x88, $3  }
0x1: {  	(tag) =	ssettag $0x0;
	lr =	simm.s32 $0x1  }
0x2: {  	[smem:$0x3F93] =	sst lr;
	_ =	strace $0xD0000000  }
0x3: {  	_ = 	snop  }
0x4: {  	_ = 	snop  }
0x5: {  	_ = 	snop  }
0x6: {  	_ = 	snop  }
0x7: {  	_ = 	snop  }
__scs_overlays_trampoline_lowered:
0x8: {  	[smem:$0x3FA2] =	sst s0  }
0x9: {  	[smem:$0x3FA3] =	sst s1  }
0xa: {  	[smem:$0x3FA4] =	sst s2  }
0xb: {  	[smem:$0x3FA5] =	sst s3  }
0xc: {  	[smem:$0x3FA6] =	sst s4  }
0xd: {  	[smem:$0x3FA7] =	sst s5  }
0xe: {  	[smem:$0x3FA8] =	sst s6  }
0xf: {  	[smem:$0x3FA9] =	sst s7  }
0x10: {  	[smem:$0x3FAA] =	sst s8  }
0x11: {  	[smem:$0x3FAB] =	sst s9;
	s0 =	simm.s32 @!p0 $0x0  }
0x12: {  	s1 =	sld [smem:$0x3F91];
	s0 =	simm.s32 @p0 $0x1  }
0x13: {  	[smem:$0x3FAC] =	sst s0;
	s0 =	simm.s32 @!p1 $0x0  }
0x14: {  	s2 =	sld [smem:$0x3F90];
	s0 =	simm.s32 @p1 $0x1  }
0x15: {  	[smem:$0x3FAD] =	sst s0;
	s0 =	simm.s32 @!p2 $0x0  }
0x16: {  	s3 =	sld [smem:$0x3FDB];
	s0 =	simm.s32 @p2 $0x1  }
0x17: {  	s4 =	simm.s32 $0x1BF5;
	[smem:$0x3FAF] =	sst s0  }
0x18: {  	s0 =	sld [smem:$0x3F92];
	_ =	swait.ge [sflag:s4], $0x0  }
0x19: {  	s7 =	sld [smem:$0x3F93]  }
0x1a: {  	s8 =	sadd.s32 $0xFFFFE003, lr  }
0x1b: {  	s9 =	sadd.s32 $0xFFFFFEF7, lr;
	s5 =	simm.s32 $0xFFFFFFFF;
	p2 =	slt.u32 s8, $0xFFFFF086  }
0x1c: {  	p1 =	slt.u32 s9, $0xF7A;
	s5 =	simm.s32 @!p2 $0x0  }
0x1d: {  	s5 =	simm.s32 @p1 $0x1;
	p0 =	seq.s32 s7, s2  }
0x1e: {  	s7 =	smul.u32 @!p0 $0xF7A, s2;
	p2 =	seq.s32 @!p0 s5, $0x0  }
0x1f: {  	s9 =	smul.u32 $0xF7A, s1;
	s8 =	simm.s32 @!p0 $0x1BF5;
	p2 =	por !p2, p0  }
0x20: {  	[sflag:s8] =	ssyncset.s32 @!p0 $0xFFFFF086;
	s6 =	sadd.s32 @!p0 s3, s7;
	s7 =	simm.s32 @!p0 $0x108  }
0x21: {  	s3 =	sadd.s32 s3, s9;
	s6 =	sadd.s32 @!p0 $0x88, s6;
	s7 =	simm.s32 @p2 $0x1082  }
0x22: {  	[simem:s7], [sflag:s8] =	dma.local @!p0 [hbm:s6], $0xF7A  }
0x23: {  	s9 =	sor.u32 $0xD0000000, s2;
	s6 =	simm.s32 $0x108;
	_ =	swait.ge @!p0 [sflag:s8], $0x0  }
0x24: {  	s3 =	sadd.s32 $0x88, s3;
	s6 =	simm.s32 @!p1 $0x1082;
	[sflag:s4] =	ssyncset.s32 $0xFFFFF086  }
0x25: {  	[simem:s6], [sflag:s4] =	dma.local [hbm:s3], $0xF7A  }
0x26: {  	[smem:$0x3F93] =	sst s1;
	(tag) =	ssettag s2;
	_ =	strace s9  }
0x27: {  	s1 =	sld [smem:$0x3FA3]  }
0x28: {  	s2 =	sld [smem:$0x3FA4]  }
0x29: {  	s4 =	sld [smem:$0x3FA6]  }
0x2a: {  	p0 =	seq.s32 s5, $0x0;
	s5 =	sld [smem:$0x3FA7]  }
0x2b: {  	s6 =	sld [smem:$0x3FA8]  }
0x2c: {  	s7 =	sld [smem:$0x3FA9]  }
0x2d: {  	s3 =	simm.s32 $0x108;
	s8 =	sld [smem:$0x3FAA]  }
0x2e: {  	s3 =	simm.s32 @!p0 $0x1082;
	s9 =	sld [smem:$0x3FAB]  }
0x2f: {  	lr =	sadd.s32 s0, s3;
	s0 =	sld [smem:$0x3FA2]  }
0x30: {  	s3 =	sld [smem:$0x3FA5]  }
0x31: {  	[smem:$0x3FAE] =	sst s10  }
0x32: {  	s10 =	sld [smem:$0x3FAC];
	_ =	sdelay $0x3  }
0x33: {  	p0 =	seq.s32 s10, $0x1;
	s10 =	sld [smem:$0x3FAE];
	_ =	sdelay $0x3  }
0x34: {  	[smem:$0x3FAE] =	sst s10  }
0x35: {  	s10 =	sld [smem:$0x3FAD];
	_ =	sdelay $0x3  }
0x36: {  	p1 =	seq.s32 s10, $0x1;
	s10 =	sld [smem:$0x3FAE];
	_ =	sdelay $0x3  }
0x37: {  	[smem:$0x3FAE] =	sst s10  }
0x38: {  	s10 =	sld [smem:$0x3FAF]  }
0x39: {  	_ = 	snop;
	(pc) =	sbr.ind lr, $3  }
0x3a: {  	_ = 	snop  }
0x3b: {  	_ = 	snop  }
0x3c: {  	p2 =	seq.s32 s10, $0x1;
	s10 =	sld [smem:$0x3FAE]  }
0x3d: {  	_ =	shalt  }
0x3e: {  	_ =	shalt  }
0x3f: {  	_ =	shalt  }
0x40: {  	_ =	shalt  }
0x41: {  	_ =	shalt  }
0x42: {  	_ =	shalt  }
0x43: {  	_ =	shalt  }
0x44: {  	_ =	shalt  }
0x45: {  	_ =	shalt  }
0x46: {  	_ =	shalt  }
0x47: {  	_ =	shalt  }
0x48: {  	_ =	shalt  }
0x49: {  	_ =	shalt  }
0x4a: {  	_ =	shalt  }
0x4b: {  	_ =	shalt  }
0x4c: {  	_ =	shalt  }
0x4d: {  	_ =	shalt  }
0x4e: {  	_ =	shalt  }
0x4f: {  	_ =	shalt  }
0x50: {  	_ =	shalt  }
0x51: {  	_ =	shalt  }
0x52: {  	_ =	shalt  }
0x53: {  	_ =	shalt  }
0x54: {  	_ =	shalt  }
0x55: {  	_ =	shalt  }
0x56: {  	_ =	shalt  }
0x57: {  	_ =	shalt  }
0x58: {  	_ =	shalt  }
0x59: {  	_ =	shalt  }
0x5a: {  	_ =	shalt  }
0x5b: {  	_ =	shalt  }
0x5c: {  	_ =	shalt  }
0x5d: {  	_ =	shalt  }
0x5e: {  	_ =	shalt  }
0x5f: {  	_ =	shalt  }
0x60: {  	_ =	shalt  }
0x61: {  	_ =	shalt  }
0x62: {  	_ =	shalt  }
0x63: {  	_ =	shalt  }
0x64: {  	_ =	shalt  }
0x65: {  	_ =	shalt  }
0x66: {  	_ =	shalt  }
0x67: {  	_ =	shalt  }
0x68: {  	_ =	shalt  }
0x69: {  	_ =	shalt  }
0x6a: {  	_ =	shalt  }
0x6b: {  	_ =	shalt  }
0x6c: {  	_ =	shalt  }
0x6d: {  	_ =	shalt  }
0x6e: {  	_ =	shalt  }
0x6f: {  	_ =	shalt  }
0x70: {  	_ =	shalt  }
0x71: {  	_ =	shalt  }
0x72: {  	_ =	shalt  }
0x73: {  	_ =	shalt  }
0x74: {  	_ =	shalt  }
0x75: {  	_ =	shalt  }
0x76: {  	_ =	shalt  }
0x77: {  	_ =	shalt  }
0x78: {  	_ =	shalt  }
0x79: {  	_ =	shalt  }
0x7a: {  	_ =	shalt  }
0x7b: {  	_ =	shalt  }
0x7c: {  	_ =	shalt  }
0x7d: {  	_ =	shalt  }
0x7e: {  	_ =	shalt  }
0x7f: {  	_ =	shalt  }
0x80: {  	_ =	shalt  }
0x81: {  	_ =	shalt  }
0x82: {  	_ =	shalt  }
0x83: {  	_ =	shalt  }
0x84: {  	_ =	shalt  }
0x85: {  	_ =	shalt  }
0x86: {  	_ =	shalt  }
0x87: {  	_ =	shalt  }
.Lfunc_end0:
.L_simem_size_0:
called_computation_lowered:
.L_overlay_start_0:
0x88: {  	s2 =	sld [smem:$0x3FD9]  }
0x89: {  	s3 =	sld [smem:$0x3FFE];
	_ =	sdelay $0x1  }
0x8a: {  	s1 =	srdreg.scid  }
0x8b: {  	s0 =	sand.u32 $0x1, s1  }
0x8c: {  	s17 =	sshll.u32 s0, $0xA;
	s2 =	sadd.s32 s3, s2  }
0x8d: {  	s2 =	sadd.s32 s2, s17  }
0x8e: {  	[smem:$0x3FBA] =	sst s2  }
0x8f: {  	_ = 	snop  }
0x90: {  	s2 =	sld [smem:$0x3FC9];
	(tm) =	ssettm $0x1  }
0x91: {  	s18 =	sld [smem:$0x3FFB];
	_ =	sdelay $0x3  }
0x92: {  	_ =	strace s18  }
0x93: {  	s3 =	sld [smem:$0x3FFC];
	_ =	sdelay $0x3  }
0x94: {  	_ =	strace s3  }
0x95: {  	s3 =	sld [smem:$0x3FFD];
	_ =	sdelay $0x3  }
0x96: {  	_ =	strace s3  }
0x97: {  	_ =	strace $0x8FFFFFFF  }
0x98: {  	s19 =	sld [smem:$0x3FDB];
	_ =	sdelay $0x1  }
0x99: {  	s4 =	simm.s32 $_scs_section_size  }
0x9a: {  	s5 =	simm.s32 $_size__tile_overlayer_lowered;
	s6 =	simm.s32 $_tile_overlayer_lowered  }
0x9b: {  	s22 =	simm.s32 $0x1BFF;
	s21 =	sshll.u32 s6, $0x1;
	s3 =	sadd.s32 s4, s19  }
0x9c: {  	s7 =	simm.s32 $0x0;
	s20 =	sshll.u32 s5, $0x1;
	s5 =	sadd.s32 s21, s3  }
0x9d: {  	[timem:s7], [sflag:s22] =	dma.local [hbm:s5], s20  }
0x9e: {  	_ =	swait.ge [sflag:s22], s20  }
0x9f: {  	s4 =	ssub.s32 $0x0, s20;
	[sflag:s22] =	ssyncset.done $0x0  }
0xa0: {  	[sflag:s22] =	ssyncadd.s32 s4;
	_ =	sdelay $0x1  }
0xa1: {  	s23 =	simm.s32 $0x1B8B  }
0xa2: {  	_ =	swait.ge [sflag:s23], $0x1  }
0xa3: {  	[sflag:s23] =	ssyncset.done $0x0  }
0xa4: {  	s25 =	simm.s32 $0x1B8E;
	s24 =	sld [smem:$0x3FFE];
	[sflag:s23] =	ssyncadd.s32 $0xFFFFFFFF  }
0xa5: {  	s26 =	simm.s32 $execute0_lowered;
	[smem:$0x3FD2] =	sst s25  }
0xa6: {  	s5 =	sshll.u32 s26, $0x1;
	_ =	strace $0x80000046;
	[dreg:$0x1] =	wrdreg $0xFFFFFFFF  }
0xa7: {  	s28 =	simm.s32 $_size_execute0_lowered;
	s3 =	sadd.s32 s3, s5;
	[dreg:$0x0] =	wrdreg $0x0  }
0xa8: {  	s5 =	sshll.u32 s28, $0x1;
	[dreg:$0x2] =	wrdreg s3  }
0xa9: {  	[dreg:$0x3] =	wrdreg s5  }
0xaa: {  	[dreg:$0x4] =	wrdreg $0xC0  }
0xab: {  	_ =	task [dreg:s7], $0x5FFFF  }
0xac: {  	[dreg:$0x1] =	wrdreg $0xFFFFFFFF  }
0xad: {  	[dreg:$0x0] =	wrdreg $0x60  }
0xae: {  	[dreg:$0x2] =	wrdreg s2  }
0xaf: {  	[dreg:$0x3] =	wrdreg s24  }
0xb0: {  	[dreg:$0x4] =	wrdreg $0x0  }
0xb1: {  	[dreg:$0x5] =	wrdreg $0x9  }
0xb2: {  	_ =	task.clear_ibuf [dreg:s7], $0x6FFFF;
	_ =	strace $0x90000046  }
0xb3: {  	s29 =	simm.s32 $0x9;
	_ =	strace $0x80000048  }
0xb4: {  	_ =	swait.ge [sflag:s29], $0x1  }
0xb5: {  	[sflag:s29] =	ssyncadd.s32 $0xFFFFFFFF  }
0xb6: {  	_ =	strace $0x90000048  }
0xb7: {  	_ =	sfence  }
0xb8: {  	s30 =	sld [smem:$0x0];
	_ =	sdelay $0x2  }
0xb9: {  	s31 =	sshll.u32 s1, $0xD;
	s1 =	sshrl.u32 s1, $0x2  }
0xba: {  	s3 =	sand.u32 $0x4000, s31;
	s1 =	sadd.s32 s1, s30  }
0xbb: {  	s0 =	sor.u32 s3, s0;
	s1 =	sshll.u32 s1, $0x11  }
0xbc: {  	s0 =	sor.u32 s1, s0  }
0xbd: {  	s0 =	sadd.s32 $0x8F2B, s0  }
0xbe: {  	[sflag:s0] =	ssyncadd.remote.s32 $0x1  }
0xbf: {  	_ =	sfence.sel $0xFFFF  }
0xc0: {  	[dreg:$0x0] =	wrdreg $0xFFFFFFFF;
	(pc) =	sbr.abs _section_cstart, $3  }
0xc1: {  	[dreg:$0x1] =	wrdreg $0xFFFFFFFF  }
0xc2: {  	_ =	task.clear_ibuf [dreg:s7], $0x2FFFF;
	_ =	strace $0x9FFFFFFF  }
0xc3: {  	(tm) =	ssettm $0x7FFFFFFF  }
tec
execute0_lowered:
.L_overlay_start_1:
0x0: {  	(tag) =	ssettag $0x1  }
0x1: {  	s1 =	rddreg [dreg:$0x0]  }
0x2: {  	s0 =	srdreg.scid;
	s5 =	rddreg [dreg:$0x1]  }
0x3: {  	s12 =	stileid.u32;
	s3 =	rddreg [dreg:$0x2];
	s4 =	simm.s32 $0x0  }
0x4: {  	s19 =	simm.s32 $0x16400;
	s28 =	simm.s32 $0x2;
	s8 =	smul.u32 $0x13C00, s12  }
0x5: {  	s29 =	simm.s32 $0x3;
	s30 =	simm.s32 $0x5;
	s11 =	smul.u32 $0x4F000, s12  }
0x6: {  	s31 =	simm.s32 $0x4;
	s0 =	sand.u32 $0x1, s0;
	s13 =	smul.u32 $0x5000, s12  }
0x7: {  	s2 =	sshll.u32 s12, $0x1;
	[smem:$0x7FF] =	sst s4;
	s7 =	smul.u32 $0x13C000, s0  }
0x8: {  	s2 =	sor.u32 s0, s2;
	s20 =	ssub.s32 $0x2, s0;
	s0 =	smul.u32 $0x2800, s0  }
0x9: {  	s9 =	sadd.s32 $0x2C00, s5;
	_ =	strace $0x80000047;
	s6 =	smul.u32 $0x500, s2  }
0xa: {  	s2 =	smul.u32 $0x2800, s2;
	s10 =	sshrl.u32 s20, $0x1;
	s21 =	sshrl.u32 s11, $0x2  }
0xb: {  	s7 =	sadd.s32 s8, s7;
	s8 =	ssub.s32 s20, s10;
	s0 =	sadd.s32 s0, s13  }
0xc: {  	s20 =	simm.s32 $0x13C00;
	s6 =	sadd.s32 s6, s5;
	s7 =	sshrl.u32 s7, $0x3  }
0xd: {  	s2 =	sshrl.u32 s2, $0x3;
	s26 =	sor.u32 $0x180, s0;
	s15 =	smax.u32 s8, $0x1  }
0xe: {  	s0 =	sor.u32 $0x200, s0;
	s14 =	sadd.s32 s7, s5;
	s5 =	sadd.s32 s9, s2  }
0xf: {  	s6 =	sadd.s32 $0xCC00, s6;
	s7 =	sadd.s32 s21, s3;
	s2 =	sshrl.u32 s26, $0x3  }
0x10: {  	s0 =	sshrl.u32 s0, $0x3;
	s21 =	simm.s32 $0x7;
	s26 =	simm.s32 $0x1A500  }
0x11: {  	[dreg:$0x4] =	wrdreg s6;
	s22 =	sadd.s32 $0x10, s5;
	s23 =	sadd.s32 $0x4000, s7  }
0x12: {  	s24 =	sadd.s32 $0x8000, s7;
	s25 =	sadd.s32 $0xC000, s7;
	s12 =	sadd.s32 $0x10000, s7  }
0x13: {  	s13 =	sadd.s32 $0x20, s5;
	s14 =	sadd.s32 $0x16C00, s14;
	[dreg:$0x5] =	wrdreg s22  }
0x14: {  	s16 =	sadd.s32 $0x4F0, s5;
	s17 =	sadd.s32 s2, s9;
	[dreg:$0x6] =	wrdreg s23  }
0x15: {  	s18 =	sadd.s32 s0, s9;
	s2 =	simm.s32 $0x6;
	[dreg:$0x7] =	wrdreg s24  }
0x16: {  	s0 =	simm.s32 $0x0;
	[dreg:$0x8] =	wrdreg s25;
	s22 =	simm.s32 $0x1  }
0x17: {  	v0 =	vimm.f32 $0.0e+00;
	s23 =	simm.s32 $0x80;
	s24 =	simm.s32 $0x16500;
	s25 =	simm.s32 $0x16480  }
.LBB2_1:
0x18: {  	[tilespmem:s19], [sflag:$0x1] =	stream.linear.gather [hbm4b:s5+s4], $0x80, $0x38;
	[tilespmem:$0x1E500] =	vst v63  }
0x19: {  	s6 =	rddreg [dreg:$0x4]  }
0x1a: {  	[tilespmem:s20], [sflag:$0x7] =	stream.linear.gather [hbm4b:s6+s4], $0x2800, $0x38;
	[tilespmem:$0x1E500] =	vst v63  }
0x1b: {  	_ =	swait.ge [sflag:s21], $0x2800  }
0x1c: {  	[sflag:s21] =	ssyncset.done $0x0  }
0x1d: {  	[sflag:s21] =	ssyncadd.s32 $0xFFFFD800  }
0x1e: {  	_ =	swait.ge [sflag:s22], $0x80  }
0x1f: {  	[sflag:s22] =	ssyncset.done $0x0  }
0x20: {  	[sflag:s22] =	ssyncadd.s32 $0xFFFFFF80  }
0x21: {  	[tilespmem:s24], [sflag:$0x3] =	stream.indirect.gather [hbm4b:s1+s23], $0x80, s19, s23, $0xb8;
	[tilespmem:$0x1E500] =	vst v63  }
0x22: {  	s8 =	simm.s32 $0x200;
	s6 =	simm.s32 $0x0;
	s11 =	rddreg [dreg:$0x5]  }
0x23: {  	[tilespmem:s25], [sflag:$0x2] =	stream.linear.gather [hbm4b:s11+s4], $0x80, $0x38;
	[tilespmem:$0x1E500] =	vst v63  }
.LBB2_2:
0x24: {  	p0 =	sne.s32 s8, $0xFE00;
	[tilespmem:s6+$0x1A570] =	vst v0  }
0x25: {  	[tilespmem:s6+$0x1A500] =	vst v0  }
0x26: {  	[tilespmem:s6+$0x1A510] =	vst v0  }
.Ltmp0:
0x27: {  	[tilespmem:s6+$0x1A520] =	vst v0;
	(pc) =	sbr.rel @p0 .LBB2_2-.Ltmp0, $4  }
0x28: {  	[tilespmem:s6+$0x1A530] =	vst v0  }
0x29: {  	[tilespmem:s6+$0x1A540] =	vst v0  }
0x2a: {  	[tilespmem:s6+$0x1A550] =	vst v0  }
0x2b: {  	[tilespmem:s6+$0x1A560] =	vst v0;
	s6 =	sshra.s32 s8, $0x2;
	s8 =	sadd.s32 $0x200, s8  }
0x2c: {  	[tilespmem:s6+$0x1A570] =	vst v0  }
0x2d: {  	[tilespmem:s6+$0x1A500] =	vst v0  }
0x2e: {  	[tilespmem:s6+$0x1A510] =	vst v0  }
0x2f: {  	[tilespmem:s6+$0x1A520] =	vst v0  }
0x30: {  	[tilespmem:s6+$0x1A530] =	vst v0  }
0x31: {  	[tilespmem:s6+$0x1A540] =	vst v0  }
0x32: {  	[tilespmem:s6+$0x1A550] =	vst v0  }
0x33: {  	[tilespmem:s6+$0x1A560] =	vst v0  }
0x34: {  	[spmem:s7] =	stream.linear.scatter [tilespmem:s26], [sflag:$0x7], $0x4000, $0x38;
	[tilespmem:$0x1E500] =	vst v63  }
0x35: {  	_ =	swait.ge [sflag:s21], $0x4000  }
0x36: {  	[sflag:s21] =	ssyncset.done $0x0  }
0x37: {  	s9 =	rddreg [dreg:$0x6];
	[sflag:s21] =	ssyncadd.s32 $0xFFFFC000  }
0x38: {  	[spmem:s9] =	stream.linear.scatter [tilespmem:s26], [sflag:$0x7], $0x4000, $0x38;
	[tilespmem:$0x1E500] =	vst v63  }
0x39: {  	_ =	swait.ge [sflag:s21], $0x4000  }
0x3a: {  	[sflag:s21] =	ssyncset.done $0x0  }
0x3b: {  	s10 =	rddreg [dreg:$0x7];
	[sflag:s21] =	ssyncadd.s32 $0xFFFFC000  }
0x3c: {  	[spmem:s10] =	stream.linear.scatter [tilespmem:s26], [sflag:$0x7], $0x4000, $0x38;
	[tilespmem:$0x1E500] =	vst v63  }
0x3d: {  	_ =	swait.ge [sflag:s21], $0x4000  }
0x3e: {  	[sflag:s21] =	ssyncset.done $0x0  }
0x3f: {  	s11 =	rddreg [dreg:$0x8];
	[sflag:s21] =	ssyncadd.s32 $0xFFFFC000  }
0x40: {  	[spmem:s11] =	stream.linear.scatter [tilespmem:s26], [sflag:$0x7], $0x4000, $0x38;
	[tilespmem:$0x1E500] =	vst v63  }
0x41: {  	_ =	swait.ge [sflag:s21], $0x4000  }
0x42: {  	[sflag:s21] =	ssyncset.done $0x0  }
0x43: {  	[sflag:s21] =	ssyncadd.s32 $0xFFFFC000  }
0x44: {  	[spmem:s12] =	stream.linear.scatter [tilespmem:s26], [sflag:$0x7], $0x3C00, $0x38;
	[tilespmem:$0x1E500] =	vst v63  }
0x45: {  	_ =	swait.ge [sflag:s21], $0x3C00  }
0x46: {  	[sflag:s21] =	ssyncset.done $0x0  }
0x47: {  	[sflag:s21] =	ssyncadd.s32 $0xFFFFC400  }
0x48: {  	[bflag:$0x0] =	sbarrier.arrive $0xFFFF  }
0x49: {  	_ =	swait.ge [sflag:s28], $0x80  }
0x4a: {  	[sflag:s28] =	ssyncset.done $0x0  }
0x4b: {  	[sflag:s28] =	ssyncadd.s32 $0xFFFFFF80  }
0x4c: {  	[tilespmem:s26], [sflag:$0x4] =	stream.indirect.gather [hbm4b:s1+s23], $0x80, s25, s23, $0xb8;
	[tilespmem:$0x1E500] =	vst v63  }
0x4d: {  	_ =	swait.ge [sflag:s29], $0x4000  }
0x4e: {  	[sflag:s29] =	ssyncset.done $0x0  }
0x4f: {  	s8 =	simm.s32 $0x0;
	[sflag:s29] =	ssyncadd.s32 $0xFFFFC000  }
0x50: {  	[tilespmem:s19], [sflag:$0x1] =	stream.linear.gather [hbm4b:s13+s8], $0x80, $0x38;
	[tilespmem:$0x1E500] =	vst v63  }
0x51: {  	_ = 	snop  }
0x52: {  	[spmem:s3] =	stream.indirect.scatter.add.f32 [tilespmem:s24], [sflag:$0x5], $0x80, s20, s23, $0xb8;
	[tilespmem:$0x1E500] =	vst v63  }
0x53: {  	_ =	swait.ge [sflag:s22], $0x80  }
0x54: {  	[sflag:s22] =	ssyncset.done $0x0  }
0x55: {  	[sflag:s22] =	ssyncadd.s32 $0xFFFFFF80  }
0x56: {  	_ =	swait.ge [sflag:s30], $0x4000  }
0x57: {  	[sflag:s30] =	ssyncset.done $0x0  }
0x58: {  	[sflag:s30] =	ssyncadd.s32 $0xFFFFC000  }
0x59: {  	[tilespmem:s24], [sflag:$0x3] =	stream.indirect.gather [hbm4b:s1+s23], $0x80, s19, s23, $0xb8;
	[tilespmem:$0x1E500] =	vst v63  }
0x5a: {  	_ =	swait.ge [sflag:s31], $0x4000  }
0x5b: {  	[sflag:s31] =	ssyncset.done $0x0  }
0x5c: {  	s9 =	sadd.s32 $0x0, s17;
	[sflag:s31] =	ssyncadd.s32 $0xFFFFC000  }
0x5d: {  	[tilespmem:s25], [sflag:$0x2] =	stream.linear.gather [hbm4b:s9+s4], $0x80, $0x38;
	[tilespmem:$0x1E500] =	vst v63  }
0x5e: {  	s10 =	simm.s32 $0x13C80  }
0x5f: {  	[spmem:s3] =	stream.indirect.scatter.add.f32 [tilespmem:s26], [sflag:$0x6], $0x80, s10, s23, $0xb8;
	[tilespmem:$0x1E500] =	vst v63  }
0x60: {  	_ =	swait.ge [sflag:s28], $0x80  }
0x61: {  	[sflag:s28] =	ssyncset.done $0x0  }
0x62: {  	[sflag:s28] =	ssyncadd.s32 $0xFFFFFF80  }
0x63: {  	_ =	swait.ge [sflag:s2], $0x4000  }
0x64: {  	[sflag:s2] =	ssyncset.done $0x0  }
0x65: {  	[sflag:s2] =	ssyncadd.s32 $0xFFFFC000  }
0x66: {  	[tilespmem:s26], [sflag:$0x4] =	stream.indirect.gather [hbm4b:s1+s23], $0x80, s25, s23, $0xb8;
	[tilespmem:$0x1E500] =	vst v63  }
0x67: {  	_ =	swait.ge [sflag:s29], $0x4000  }
0x68: {  	s6 =	simm.s32 $0x13D00;
	s11 =	sadd.s32 $0x0, s18;
	[sflag:s29] =	ssyncset.done $0x0  }
0x69: {  	s8 =	simm.s32 $0x20;
	s9 =	simm.s32 $0x13E00;
	[sflag:s29] =	ssyncadd.s32 $0xFFFFC000  }
0x6a: {  	[tilespmem:s19], [sflag:$0x1] =	stream.linear.gather [hbm4b:s11+s4], $0x80, $0x38;
	[tilespmem:$0x1E500] =	vst v63  }
.LBB2_4:
0x6b: {  	[spmem:s3] =	stream.indirect.scatter.add.f32 [tilespmem:s24], [sflag:$0x5], $0x80, s6, s23, $0xb8;
	[tilespmem:$0x1E500] =	vst v63  }
0x6c: {  	s10 =	smov.u32 s8;
	s6 =	smov.u32 s9  }
0x6d: {  	p0 =	sne.s32 s8, $0x4A0;
	s8 =	sadd.s32 $0x20, s8;
	_ =	swait.ge [sflag:s22], $0x80  }
0x6e: {  	[sflag:s22] =	ssyncset.done $0x0  }
0x6f: {  	[sflag:s22] =	ssyncadd.s32 $0xFFFFFF80  }
0x70: {  	_ =	swait.ge [sflag:s30], $0x4000  }
0x71: {  	[sflag:s30] =	ssyncset.done $0x0  }
0x72: {  	[sflag:s30] =	ssyncadd.s32 $0xFFFFC000  }
0x73: {  	[tilespmem:s24], [sflag:$0x3] =	stream.indirect.gather [hbm4b:s1+s23], $0x80, s19, s23, $0xb8;
	[tilespmem:$0x1E500] =	vst v63  }
0x74: {  	_ =	swait.ge [sflag:s31], $0x4000  }
0x75: {  	[sflag:s31] =	ssyncset.done $0x0  }
0x76: {  	s11 =	sadd.s32 s10, s17;
	[sflag:s31] =	ssyncadd.s32 $0xFFFFC000  }
0x77: {  	[tilespmem:s25], [sflag:$0x2] =	stream.linear.gather [hbm4b:s11+s4], $0x80, $0x38;
	[tilespmem:$0x1E500] =	vst v63  }
0x78: {  	s11 =	sadd.s32 $0xFFFFFF80, s9  }
0x79: {  	[spmem:s3] =	stream.indirect.scatter.add.f32 [tilespmem:s26], [sflag:$0x6], $0x80, s11, s23, $0xb8;
	[tilespmem:$0x1E500] =	vst v63  }
0x7a: {  	_ =	swait.ge [sflag:s28], $0x80  }
0x7b: {  	[sflag:s28] =	ssyncset.done $0x0  }
0x7c: {  	[sflag:s28] =	ssyncadd.s32 $0xFFFFFF80  }
0x7d: {  	_ =	swait.ge [sflag:s2], $0x4000  }
0x7e: {  	[sflag:s2] =	ssyncset.done $0x0  }
0x7f: {  	[sflag:s2] =	ssyncadd.s32 $0xFFFFC000  }
0x80: {  	[tilespmem:s26], [sflag:$0x4] =	stream.indirect.gather [hbm4b:s1+s23], $0x80, s25, s23, $0xb8;
	[tilespmem:$0x1E500] =	vst v63  }
.Ltmp1:
0x81: {  	_ =	swait.ge [sflag:s29], $0x4000;
	(pc) =	sbr.rel @p0 .LBB2_4-.Ltmp1, $4  }
0x82: {  	[sflag:s29] =	ssyncset.done $0x0  }
0x83: {  	s10 =	sadd.s32 s10, s18;
	[sflag:s29] =	ssyncadd.s32 $0xFFFFC000  }
0x84: {  	[tilespmem:s19], [sflag:$0x1] =	stream.linear.gather [hbm4b:s10+s4], $0x80, $0x38;
	[tilespmem:$0x1E500] =	vst v63  }
0x85: {  	s9 =	sadd.s32 $0x100, s9  }
0x86: {  	[spmem:s3] =	stream.indirect.scatter.add.f32 [tilespmem:s24], [sflag:$0x5], $0x80, s6, s23, $0xb8;
	[tilespmem:$0x1E500] =	vst v63  }
0x87: {  	_ =	swait.ge [sflag:s22], $0x80  }
0x88: {  	[sflag:s22] =	ssyncset.done $0x0  }
0x89: {  	[sflag:s22] =	ssyncadd.s32 $0xFFFFFF80  }
0x8a: {  	_ =	swait.ge [sflag:s30], $0x4000  }
0x8b: {  	[sflag:s30] =	ssyncset.done $0x0  }
0x8c: {  	[sflag:s30] =	ssyncadd.s32 $0xFFFFC000  }
0x8d: {  	[tilespmem:s24], [sflag:$0x3] =	stream.indirect.gather [hbm4b:s1+s23], $0x80, s19, s23, $0xb8;
	[tilespmem:$0x1E500] =	vst v63  }
0x8e: {  	_ =	swait.ge [sflag:s31], $0x4000  }
0x8f: {  	[sflag:s31] =	ssyncset.done $0x0  }
0x90: {  	[sflag:s31] =	ssyncadd.s32 $0xFFFFC000  }
0x91: {  	[tilespmem:s25], [sflag:$0x2] =	stream.linear.gather [hbm4b:s16+s4], $0x80, $0x38;
	[tilespmem:$0x1E500] =	vst v63  }
0x92: {  	s8 =	simm.s32 $0x16280  }
0x93: {  	[spmem:s3] =	stream.indirect.scatter.add.f32 [tilespmem:s26], [sflag:$0x6], $0x80, s8, s23, $0xb8;
	[tilespmem:$0x1E500] =	vst v63  }
0x94: {  	_ =	swait.ge [sflag:s28], $0x80  }
0x95: {  	[sflag:s28] =	ssyncset.done $0x0  }
0x96: {  	[sflag:s28] =	ssyncadd.s32 $0xFFFFFF80  }
0x97: {  	_ =	swait.ge [sflag:s2], $0x4000  }
0x98: {  	[sflag:s2] =	ssyncset.done $0x0  }
0x99: {  	[sflag:s2] =	ssyncadd.s32 $0xFFFFC000  }
0x9a: {  	[tilespmem:s26], [sflag:$0x4] =	stream.indirect.gather [hbm4b:s1+s23], $0x80, s25, s23, $0xb8;
	[tilespmem:$0x1E500] =	vst v63  }
0x9b: {  	_ =	swait.ge [sflag:s29], $0x4000  }
0x9c: {  	[sflag:s29] =	ssyncset.done $0x0  }
0x9d: {  	[sflag:s29] =	ssyncadd.s32 $0xFFFFC000  }
0x9e: {  	[tilespmem:s19], [sflag:$0x1] =	stream.linear.gather [hbm4b:s16+s4], $0x80, $0x38;
	[tilespmem:$0x1E500] =	vst v63  }
0x9f: {  	s9 =	simm.s32 $0x16300  }
0xa0: {  	[spmem:s3] =	stream.indirect.scatter.add.f32 [tilespmem:s24], [sflag:$0x5], $0x80, s9, s23, $0xb8;
	[tilespmem:$0x1E500] =	vst v63  }
0xa1: {  	_ =	swait.ge [sflag:s31], $0x4000  }
0xa2: {  	[sflag:s31] =	ssyncset.done $0x0  }
0xa3: {  	s10 =	simm.s32 $0x16380;
	[sflag:s31] =	ssyncadd.s32 $0xFFFFC000  }
0xa4: {  	[spmem:s3] =	stream.indirect.scatter.add.f32 [tilespmem:s26], [sflag:$0x6], $0x80, s10, s23, $0xb8;
	[tilespmem:$0x1E500] =	vst v63  }
0xa5: {  	_ =	swait.ge [sflag:s22], $0x80  }
0xa6: {  	[sflag:s22] =	ssyncset.done $0x0  }
0xa7: {  	[sflag:s22] =	ssyncadd.s32 $0xFFFFFF80  }
0xa8: {  	_ =	swait.ge [sflag:s30], $0x4000  }
0xa9: {  	[sflag:s30] =	ssyncset.done $0x0  }
0xaa: {  	[sflag:s30] =	ssyncadd.s32 $0xFFFFC000  }
0xab: {  	s11 =	stileid.u32;
	_ =	swait.ge [sflag:s2], $0x4000  }
0xac: {  	s0 =	sadd.s32 $0x1, s0;
	s6 =	sshll.u32 s11, $0x6;
	[sflag:s2] =	ssyncset.done $0x0  }
0xad: {  	p0 =	sne.s32 s0, s15;
	s6 =	sor.u32 $0x1C07, s6;
	[sflag:s2] =	ssyncadd.s32 $0xFFFFC000  }
.Ltmp2:
0xae: {  	s8 =	sshrl.u32 s7, $0x3;
	[bflag:$0x0] =	sbarrier.arrive $0xFFFF;
	(pc) =	sbr.rel @p0 .LBB2_1-.Ltmp2, $4  }
0xaf: {  	[hbm:s14], [sflag:s6] =	dma.local [spmem:s8], $0x2780  }
0xb0: {  	_ =	swait.ge [sflag:s21], $0x2780  }
0xb1: {  	[sflag:s21] =	ssyncset.done $0x0  }
0xb2: {  	[sflag:s21] =	ssyncadd.s32 $0xFFFFD880  }
0xb3: {  	_ =	sfence.sel $0x180000  }
0xb4: {  	[bflag:$0x0] =	sbarrier.arrive $0xFFFF  }
0xb5: {  	_ =	strace $0x90000047  }
0xb6: {  	s0 =	stileid.u32;
	[bflag:$0x2] =	sbarrier.arrive $0xFFFF  }
0xb7: {  	p0 =	sne.s32 s0, $0x0;
	s0 =	rddreg [dreg:$0x3]  }
0xb8: {  	s0 =	sadd.s32 @!p0 $0x100000, s0  }
0xb9: {  	[sflag:s0] =	ssyncadd.tile.s32 @!p0 $0x1;
	_ =	shalt  }
.Lfunc_end2:
_tile_overlayer_lowered:
.L_overlay_start_2:
0xba: {  	(tag) =	ssettag $0x2  }
0xbb: {  	s0 =	rddreg [dreg:$0x0];
	s2 =	stileid.u32  }
0xbc: {  	s1 =	rddreg [dreg:$0x1];
	p0 =	sne.s32 s2, $0x0  }
0xbd: {  	s3 =	rddreg [dreg:$0x2];
	[bflag:$0x3] =	sbarrier.arrive $0xFFFF;
	s2 =	simm.s32 @!p0 $0x1C07  }
0xbe: {  	[timem:s3], [sflag:s2] =	dma.local @!p0 [hbm:s0], s1  }
0xbf: {  	s0 =	simm.s32 @!p0 $0x7  }
0xc0: {  	_ =	swait.ge @!p0 [sflag:s0], s1  }
0xc1: {  	s1 =	ssub.s32 @!p0 $0x0, s1;
	[sflag:s0] =	ssyncset.done @!p0 $0x0  }
0xc2: {  	[sflag:s0] =	ssyncadd.s32 @!p0 s1  }
0xc3: {  	[bflag:$0x3] =	sbarrier.arrive $0xFFFF  }
0xc4: {  	_ =	shalt  }

</sc_bundles>
